<compile_context>
chip_gen: v7x
topology: tpu7x:2x2x1
jax: 0.10.2.dev20260603
libtpu: 0.0.44.dev20260713+nightly
codegen_flags: <defaults>
</compile_context>

<pallas_src>
import functools

import jax
import jax.numpy as jnp
from jax import lax
from jax.experimental import pallas as pl
from jax.experimental.pallas import tpu as pltpu
from jax.experimental.pallas import tpu_sc as plsc

_VOCAB = 100000
_D = 512
_L = 200
_B = 1024
_N = _B * _L
_NC = 2
_NS = 16
_NW = _NC * _NS
_ROWS_PER_W = _N // _NW
_LC = 40
_NCHUNK = _L // _LC
_BATCH_PER_W = _B // _NW
_NPAIR = _BATCH_PER_W // 2
_IDXROWS_PER_W = _NPAIR * _NCHUNK
_LANES = 16
_NBUF = 4
_LAG = 2
_SLOTS = _BATCH_PER_W + _LAG + 2


def _pos_encoding():
    even_i = jnp.arange(0, _D, 2).astype(jnp.float32)
    denom = jnp.power(10000.0, even_i / _D)
    position = jnp.arange(_L).reshape(_L, 1).astype(jnp.float32)
    even_pe = jnp.sin(position / denom)
    odd_pe = jnp.cos(position / denom)
    return jnp.stack([even_pe, odd_pe], axis=2).reshape(_L, _D)


def _sc_embed(table, tokens_pairs, pos):
    mesh = plsc.VectorSubcoreMesh(core_axis_name="c", subcore_axis_name="s")

    @functools.partial(
        pl.kernel,
        mesh=mesh,
        out_type=jax.ShapeDtypeStruct((_N, _D), jnp.float32),
        scratch_types=[
            pltpu.VMEM((_IDXROWS_PER_W, 2 * _LC), jnp.int32),
            pltpu.VMEM((_LC, _D), jnp.float32),
            pltpu.VMEM((2 * _LC, _D), jnp.float32),
            pltpu.VMEM((2 * _LC, _D), jnp.float32),
        ]
        + [pltpu.SemaphoreType.DMA for _ in range(6)],
    )
    def k(table_hbm, tok_hbm, pos_hbm, out_hbm,
          idx_v, pos_v, p0, p1, gs0, gs1, w0, w1, w2, w3):
        pbufs = (p0, p1)
        gsems = (gs0, gs1)
        wsems = (w0, w1, w2, w3)
        wid = lax.axis_index("s") * _NC + lax.axis_index("c")
        base = wid * _ROWS_PER_W
        pltpu.sync_copy(
            tok_hbm.at[pl.ds(wid * _IDXROWS_PER_W, _IDXROWS_PER_W)], idx_v
        )

        def slot_view(s):
            return pbufs[s // 2].at[pl.ds((s % 2) * _LC, _LC)]

        def wait_write(s):
            pltpu.make_async_copy(
                slot_view(s), out_hbm.at[pl.ds(0, _LC)], wsems[s]
            ).wait()

        def wait_pair_gather(ph):
            pltpu.make_async_copy(
                table_hbm.at[pl.ds(0, 2 * _LC)], pbufs[ph], gsems[ph]
            ).wait()

        def chunk_body(c, carry):
            pltpu.sync_copy(pos_hbm.at[pl.ds(c * _LC, _LC)], pos_v)

            def slot_group(j, carry2):
                for b in range(_NBUF):
                    i = j * _NBUF + b
                    g = i
                    u = i - _LAG
                    bu = (b + _NBUF - _LAG) % _NBUF

                    if b % 2 == 0:
                        @pl.when(g < _BATCH_PER_W)
                        def _issue():
                            @pl.when(c * _BATCH_PER_W + g >= _NBUF)
                            def _drain():
                                wait_write(b)
                                wait_write(b + 1)

                            row = (g // 2) * _NCHUNK + c
                            pltpu.async_copy(
                                table_hbm.at[idx_v.at[row]],
                                pbufs[b // 2], gsems[b // 2],
                            )

                    @pl.when(jnp.logical_and(u >= 0, u < _BATCH_PER_W))
                    def _consume():
                        if bu % 2 == 0:
                            wait_pair_gather(bu // 2)
                        rv = slot_view(bu)

                        def add_body(r, carry3):
                            for kk in range(_D // _LANES):
                                sl = pl.ds(kk * _LANES, _LANES)
                                plsc.addupdate(rv.at[r, sl], pos_v[r, sl])
                            return carry3

                        lax.fori_loop(0, _LC, add_body, 0)
                        out_off = base + u * _L + c * _LC
                        pltpu.async_copy(
                            rv, out_hbm.at[pl.ds(out_off, _LC)], wsems[bu]
                        )
                return carry2

            lax.fori_loop(0, _SLOTS // _NBUF, slot_group, 0)
            return carry

        lax.fori_loop(0, _NCHUNK, chunk_body, 0)
        for s in range(_NBUF):
            wait_write(s)

    return k(table, tokens_pairs, pos)


def kernel(tokens, table):
    pos = _pos_encoding()
    tokens_pairs = (
        tokens.astype(jnp.int32)
        .reshape(_NW, _NPAIR, 2, _NCHUNK, _LC)
        .transpose(0, 1, 3, 2, 4)
        .reshape(_NW * _IDXROWS_PER_W, 2 * _LC)
    )
    out = _sc_embed(table, tokens_pairs, pos)
    return out.reshape(_B, _L, _D)

# --- scband reference (transcript-rebuilt; emitter-appended) ---
"""Pipeline reference for scband-sentence-embedding-15204184228090 (READ-ONLY COPY).

The authoritative reference and input builder live on the scoring server;
editing this copy changes nothing except your own understanding.
"""

import jax, jax.numpy as jnp
import numpy as np

VOCAB = 100000
D_MODEL = 512
MAX_SQ_LEN = 200
BATCH = 1024


def positional_encoding(L, d_model):
    even_i = jnp.arange(0, d_model, 2).astype(jnp.float32)
    even_denominator = jnp.power(10000.0, even_i / d_model)
    position = jnp.arange(L).reshape(L, 1).astype(jnp.float32)
    even_PE = jnp.sin(position / even_denominator)
    odd_PE = jnp.cos(position / even_denominator)
    stacked = jnp.stack([even_PE, odd_PE], axis=2).reshape(L, d_model)
    return stacked


def setup_inputs(seed: int = 0) -> dict:
    key = jax.random.key(seed)
    k1, k2 = jax.random.split(key)
    tokens = jax.random.randint(k1, (BATCH, MAX_SQ_LEN), 0, VOCAB, dtype=jnp.int64) if jax.config.read('jax_enable_x64') else jax.random.randint(k1, (BATCH, MAX_SQ_LEN), 0, VOCAB, dtype=jnp.int32)
    table = jax.random.normal(k2, (VOCAB, D_MODEL), dtype=jnp.float32)
    return {"tokens": tokens, "table": table}


def reference(tokens, table):
    # embedding lookup (SparseCore gather)
    x = jnp.take(table, tokens, axis=0)  # [B, L, d_model]
    # positional encoding addition (PositionalEncoding.forward)
    pos = positional_encoding(MAX_SQ_LEN, D_MODEL)
    # dropout in eval mode == identity
    x = x + pos
    return x

if __name__ == "__main__":
    import jax
    _d = setup_inputs()
    print(jax.jit(kernel)(*tuple(_d.values())))

</pallas_src>

<mosaic_0001>
#map = affine_map<(d0, d1) -> (0, 0)>
module attributes {stable_mosaic.version = 14 : i64} {
  func.func @k(%arg0: i32, %arg1: i32, %arg2: memref<100000x512xf32, #tpu.memory_space<hbm>>, %arg3: memref<2560x80xi32, #tpu.memory_space<hbm>>, %arg4: memref<200x512xf32, #tpu.memory_space<hbm>>, %arg5: memref<204800x512xf32, #tpu.memory_space<hbm>>, %arg6: memref<80x80xi32, #tpu.memory_space<vmem>>, %arg7: memref<40x512xf32, #tpu.memory_space<vmem>>, %arg8: memref<80x512xf32, #tpu.memory_space<vmem>>, %arg9: memref<80x512xf32, #tpu.memory_space<vmem>>, %arg10: memref<!tpu.dma_semaphore, #tpu.memory_space<semaphore_mem>>, %arg11: memref<!tpu.dma_semaphore, #tpu.memory_space<semaphore_mem>>, %arg12: memref<!tpu.dma_semaphore, #tpu.memory_space<semaphore_mem>>, %arg13: memref<!tpu.dma_semaphore, #tpu.memory_space<semaphore_mem>>, %arg14: memref<!tpu.dma_semaphore, #tpu.memory_space<semaphore_mem>>, %arg15: memref<!tpu.dma_semaphore, #tpu.memory_space<semaphore_mem>>) attributes {dimension_semantics = [#tpu.dimension_semantics<core_parallel>, #tpu.dimension_semantics<subcore_parallel>], iteration_bounds = array<i64: 2, 16>, scalar_prefetch = 0 : i64, scratch_operands = 10 : i64, tpu.core_type = #tpu.core_type<sc_vector_subcore>, window_params = [{transform_indices = #map}, {transform_indices = #map}, {transform_indices = #map}, {transform_indices = #map}]} {
    %mul3A = arith.constant 2 : i32
    %mul3A_0 = arith.muli %arg1, %mul3A : i32
    %add3A = arith.addi %mul3A_0, %arg0 : i32
    %mul3A_1 = arith.constant 6400 : i32
    %mul3A_2 = arith.muli %add3A, %mul3A_1 : i32
    %mul3A_3 = arith.constant 80 : i32
    %mul3A_4 = arith.muli %add3A, %mul3A_3 : i32
    "tpu.region"() ({
      %run_scoped3A = tpu.sem_alloc : memref<!tpu.dma_semaphore, #tpu.memory_space<semaphore_mem>>
      %dma_start3A = arith.constant 0 : i32
      %dma_start3A_57 = tpu.memref_slice %arg3[%mul3A_4, %dma_start3A] : memref<2560x80xi32, #tpu.memory_space<hbm>> -> memref<80x80xi32, #tpu.memory_space<hbm>>
      %dma_start3A_58 = arith.constant 0 : i32
      %dma_start3A_59 = tpu.memref_slice %arg3[%mul3A_4, %dma_start3A_58] : memref<2560x80xi32, #tpu.memory_space<hbm>> -> memref<80x80xi32, #tpu.memory_space<hbm>>
      tpu.enqueue_dma source(%dma_start3A_59 : memref<80x80xi32, #tpu.memory_space<hbm>>) target(%arg6 : memref<80x80xi32, #tpu.memory_space<vmem>>) target_semaphore(%run_scoped3A : memref<!tpu.dma_semaphore, #tpu.memory_space<semaphore_mem>>)
      %dma_wait3A_60 = arith.constant 0 : i32
      %dma_wait3A_61 = tpu.memref_slice %arg3[%mul3A_4, %dma_wait3A_60] : memref<2560x80xi32, #tpu.memory_space<hbm>> -> memref<80x80xi32, #tpu.memory_space<hbm>>
      %dma_wait3A_62 = arith.constant 0 : i32
      %dma_wait3A_63 = tpu.memref_slice %arg3[%mul3A_4, %dma_wait3A_62] : memref<2560x80xi32, #tpu.memory_space<hbm>> -> memref<80x80xi32, #tpu.memory_space<hbm>>
      tpu.wait_dma2 semaphore(%run_scoped3A : memref<!tpu.dma_semaphore, #tpu.memory_space<semaphore_mem>>) src(%dma_wait3A_63 : memref<80x80xi32, #tpu.memory_space<hbm>>) dst(%arg6 : memref<80x80xi32, #tpu.memory_space<vmem>>)
      tpu.yield
    }) : () -> ()
    %scan3A = arith.constant 0 : i32
    %scan3A_5 = arith.constant 0 : i32
    %scan3A_6 = arith.constant 5 : i32
    %scan3A_7 = arith.addi %scan3A_5, %scan3A_6 : i32
    %scan3A_8 = arith.constant 1 : i32
    scf.for %scan3A_57 = %scan3A_5 to %scan3A_7 step %scan3A_8  : i32 {
      %mul3A_58 = arith.constant 40 : i32
      %mul3A_59 = arith.muli %scan3A_57, %mul3A_58 : i32
      "tpu.region"() ({
        %run_scoped3A = tpu.sem_alloc : memref<!tpu.dma_semaphore, #tpu.memory_space<semaphore_mem>>
        %dma_start3A = arith.constant 0 : i32
        %dma_start3A_66 = tpu.memref_slice %arg4[%mul3A_59, %dma_start3A] : memref<200x512xf32, #tpu.memory_space<hbm>> -> memref<40x512xf32, #tpu.memory_space<hbm>>
        %dma_start3A_67 = arith.constant 0 : i32
        %dma_start3A_68 = tpu.memref_slice %arg4[%mul3A_59, %dma_start3A_67] : memref<200x512xf32, #tpu.memory_space<hbm>> -> memref<40x512xf32, #tpu.memory_space<hbm>>
        tpu.enqueue_dma source(%dma_start3A_68 : memref<40x512xf32, #tpu.memory_space<hbm>>) target(%arg7 : memref<40x512xf32, #tpu.memory_space<vmem>>) target_semaphore(%run_scoped3A : memref<!tpu.dma_semaphore, #tpu.memory_space<semaphore_mem>>)
        %dma_wait3A_69 = arith.constant 0 : i32
        %dma_wait3A_70 = tpu.memref_slice %arg4[%mul3A_59, %dma_wait3A_69] : memref<200x512xf32, #tpu.memory_space<hbm>> -> memref<40x512xf32, #tpu.memory_space<hbm>>
        %dma_wait3A_71 = arith.constant 0 : i32
        %dma_wait3A_72 = tpu.memref_slice %arg4[%mul3A_59, %dma_wait3A_71] : memref<200x512xf32, #tpu.memory_space<hbm>> -> memref<40x512xf32, #tpu.memory_space<hbm>>
        tpu.wait_dma2 semaphore(%run_scoped3A : memref<!tpu.dma_semaphore, #tpu.memory_space<semaphore_mem>>) src(%dma_wait3A_72 : memref<40x512xf32, #tpu.memory_space<hbm>>) dst(%arg7 : memref<40x512xf32, #tpu.memory_space<vmem>>)
        tpu.yield
      }) : () -> ()
      %scan3A_60 = arith.constant 0 : i32
      %scan3A_61 = arith.constant 0 : i32
      %scan3A_62 = arith.constant 9 : i32
      %scan3A_63 = arith.addi %scan3A_61, %scan3A_62 : i32
      %scan3A_64 = arith.constant 1 : i32
      scf.for %scan3A_66 = %scan3A_61 to %scan3A_63 step %scan3A_64  : i32 {
        %mul3A_67 = arith.constant 4 : i32
        %mul3A_68 = arith.muli %scan3A_66, %mul3A_67 : i32
        %add3A_69 = arith.constant 0 : i32
        %add3A_70 = arith.addi %mul3A_68, %add3A_69 : i32
        %sub3A = arith.constant 2 : i32
        %sub3A_71 = arith.subi %add3A_70, %sub3A : i32
        %lt3A = arith.constant 32 : i32
        %lt3A_72 = arith.cmpi slt, %add3A_70, %lt3A : i32
        %convert_element_type3A = arith.extui %lt3A_72 : i1 to i32
        %cond3A = arith.constant 0 : i32
        %cond3A_73 = arith.cmpi ne, %convert_element_type3A, %cond3A : i32
        scf.if %cond3A_73 {
          %mul3A_127 = arith.constant 32 : i32
          %mul3A_128 = arith.muli %scan3A_57, %mul3A_127 : i32
          %add3A_129 = arith.addi %mul3A_128, %add3A_70 : i32
          %ge3A_130 = arith.constant 4 : i32
          %ge3A_131 = arith.cmpi sge, %add3A_129, %ge3A_130 : i32
          %convert_element_type3A_132 = arith.extui %ge3A_131 : i1 to i32
          %cond3A_133 = arith.constant 0 : i32
          %cond3A_134 = arith.cmpi ne, %convert_element_type3A_132, %cond3A_133 : i32
          scf.if %cond3A_134 {
            %dma_wait3A_161 = arith.constant 0 : i32
            %dma_wait3A_162 = arith.constant 0 : i32
            %dma_wait3A_163 = tpu.memref_slice %arg8[%dma_wait3A_161, %dma_wait3A_162] : memref<80x512xf32, #tpu.memory_space<vmem>> -> memref<40x512xf32, #tpu.memory_space<vmem>>
            %dma_wait3A_164 = arith.constant 0 : i32
            %dma_wait3A_165 = arith.constant 0 : i32
            %dma_wait3A_166 = tpu.memref_slice %arg5[%dma_wait3A_164, %dma_wait3A_165] : memref<204800x512xf32, #tpu.memory_space<hbm>> -> memref<40x512xf32, #tpu.memory_space<hbm>>
            %dma_wait3A_167 = arith.constant 0 : i32
            %dma_wait3A_168 = arith.constant 0 : i32
            %dma_wait3A_169 = tpu.memref_slice %arg5[%dma_wait3A_167, %dma_wait3A_168] : memref<204800x512xf32, #tpu.memory_space<hbm>> -> memref<40x512xf32, #tpu.memory_space<hbm>>
            %dma_wait3A_170 = arith.constant 0 : i32
            %dma_wait3A_171 = arith.constant 0 : i32
            %dma_wait3A_172 = tpu.memref_slice %arg8[%dma_wait3A_170, %dma_wait3A_171] : memref<80x512xf32, #tpu.memory_space<vmem>> -> memref<40x512xf32, #tpu.memory_space<vmem>>
            tpu.wait_dma2 semaphore(%arg12 : memref<!tpu.dma_semaphore, #tpu.memory_space<semaphore_mem>>) src(%dma_wait3A_172 : memref<40x512xf32, #tpu.memory_space<vmem>>) dst(%dma_wait3A_169 : memref<40x512xf32, #tpu.memory_space<hbm>>)
            %dma_wait3A_173 = arith.constant 40 : i32
            %dma_wait3A_174 = arith.constant 0 : i32
            %dma_wait3A_175 = tpu.memref_slice %arg8[%dma_wait3A_173, %dma_wait3A_174] : memref<80x512xf32, #tpu.memory_space<vmem>> -> memref<40x512xf32, #tpu.memory_space<vmem>>
            %dma_wait3A_176 = arith.constant 0 : i32
            %dma_wait3A_177 = arith.constant 0 : i32
            %dma_wait3A_178 = tpu.memref_slice %arg5[%dma_wait3A_176, %dma_wait3A_177] : memref<204800x512xf32, #tpu.memory_space<hbm>> -> memref<40x512xf32, #tpu.memory_space<hbm>>
            %dma_wait3A_179 = arith.constant 0 : i32
            %dma_wait3A_180 = arith.constant 0 : i32
            %dma_wait3A_181 = tpu.memref_slice %arg5[%dma_wait3A_179, %dma_wait3A_180] : memref<204800x512xf32, #tpu.memory_space<hbm>> -> memref<40x512xf32, #tpu.memory_space<hbm>>
            %dma_wait3A_182 = arith.constant 40 : i32
            %dma_wait3A_183 = arith.constant 0 : i32
            %dma_wait3A_184 = tpu.memref_slice %arg8[%dma_wait3A_182, %dma_wait3A_183] : memref<80x512xf32, #tpu.memory_space<vmem>> -> memref<40x512xf32, #tpu.memory_space<vmem>>
            tpu.wait_dma2 semaphore(%arg13 : memref<!tpu.dma_semaphore, #tpu.memory_space<semaphore_mem>>) src(%dma_wait3A_184 : memref<40x512xf32, #tpu.memory_space<vmem>>) dst(%dma_wait3A_181 : memref<40x512xf32, #tpu.memory_space<hbm>>)
          } else {
          }
          %jit3A = arith.constant 2 : i32
          %div3A = arith.divsi %add3A_70, %jit3A : i32
          %sign3A = arith.constant 0 : i32
          %sign3A_135 = arith.cmpi sgt, %add3A_70, %sign3A : i32
          %sign3A_136 = arith.extui %sign3A_135 : i1 to i32
          %sign3A_137 = arith.constant 0 : i32
          %sign3A_138 = arith.cmpi slt, %add3A_70, %sign3A_137 : i32
          %sign3A_139 = arith.extui %sign3A_138 : i1 to i32
          %sign3A_140 = arith.subi %sign3A_136, %sign3A_139 : i32
          %sign3A_141 = arith.constant 0 : i32
          %sign3A_142 = arith.cmpi sgt, %jit3A, %sign3A_141 : i32
          %sign3A_143 = arith.extui %sign3A_142 : i1 to i32
          %sign3A_144 = arith.constant 0 : i32
          %sign3A_145 = arith.cmpi slt, %jit3A, %sign3A_144 : i32
          %sign3A_146 = arith.extui %sign3A_145 : i1 to i32
          %sign3A_147 = arith.subi %sign3A_143, %sign3A_146 : i32
          %ne3A = arith.cmpi ne, %sign3A_140, %sign3A_147 : i32
          %rem3A = arith.remsi %add3A_70, %jit3A : i32
          %ne3A_148 = arith.constant 0 : i32
          %ne3A_149 = arith.cmpi ne, %rem3A, %ne3A_148 : i32
          %and3A_150 = arith.andi %ne3A, %ne3A_149 : i1
          %sub3A_151 = arith.constant 1 : i32
          %sub3A_152 = arith.subi %div3A, %sub3A_151 : i32
          %select_n3A = arith.select %and3A_150, %sub3A_152, %div3A : i32
          %mul3A_153 = arith.constant 5 : i32
          %mul3A_154 = arith.muli %select_n3A, %mul3A_153 : i32
          %add3A_155 = arith.addi %mul3A_154, %scan3A_57 : i32
          %dma_start3A = arith.constant 0 : i32
          %dma_start3A_156 = tpu.memref_slice %arg6[%add3A_155, %dma_start3A] : memref<80x80xi32, #tpu.memory_space<vmem>> -> memref<1x80xi32, #tpu.memory_space<vmem>>
          %dma_start3A_157 = tpu.memref_squeeze %dma_start3A_156 : memref<1x80xi32, #tpu.memory_space<vmem>> -> memref<80xi32, #tpu.memory_space<vmem>>
          %dma_start3A_158 = arith.constant 0 : i32
          %dma_start3A_159 = arith.constant 0 : i32
          %dma_start3A_160 = tpu.memref_slice %arg2[%dma_start3A_158, %dma_start3A_159] : memref<100000x512xf32, #tpu.memory_space<hbm>> -> memref<100000x512xf32, #tpu.memory_space<hbm>>
          tpu.enqueue_indirect_dma source(%dma_start3A_160 : memref<100000x512xf32, #tpu.memory_space<hbm>>) target(%arg8 : memref<80x512xf32, #tpu.memory_space<vmem>>) offsets(%dma_start3A_157 : memref<80xi32, #tpu.memory_space<vmem>>) semaphore(%arg10 : memref<!tpu.dma_semaphore, #tpu.memory_space<semaphore_mem>>)
        } else {
        }
        %ge3A = arith.constant 0 : i32
        %ge3A_74 = arith.cmpi sge, %sub3A_71, %ge3A : i32
        %lt3A_75 = arith.constant 32 : i32
        %lt3A_76 = arith.cmpi slt, %sub3A_71, %lt3A_75 : i32
        %and3A = arith.andi %ge3A_74, %lt3A_76 : i1
        %convert_element_type3A_77 = arith.extui %and3A : i1 to i32
        %cond3A_78 = arith.constant 0 : i32
        %cond3A_79 = arith.cmpi ne, %convert_element_type3A_77, %cond3A_78 : i32
        scf.if %cond3A_79 {
          %dma_wait3A_127 = arith.constant 0 : i32
          %dma_wait3A_128 = arith.constant 0 : i32
          %dma_wait3A_129 = tpu.memref_slice %arg2[%dma_wait3A_127, %dma_wait3A_128] : memref<100000x512xf32, #tpu.memory_space<hbm>> -> memref<80x512xf32, #tpu.memory_space<hbm>>
          %dma_wait3A_130 = arith.constant 0 : i32
          %dma_wait3A_131 = arith.constant 0 : i32
          %dma_wait3A_132 = tpu.memref_slice %arg2[%dma_wait3A_130, %dma_wait3A_131] : memref<100000x512xf32, #tpu.memory_space<hbm>> -> memref<80x512xf32, #tpu.memory_space<hbm>>
          tpu.wait_dma2 semaphore(%arg11 : memref<!tpu.dma_semaphore, #tpu.memory_space<semaphore_mem>>) src(%dma_wait3A_132 : memref<80x512xf32, #tpu.memory_space<hbm>>) dst(%arg9 : memref<80x512xf32, #tpu.memory_space<vmem>>)
          %scan3A_133 = arith.constant 0 : i32
          %scan3A_134 = arith.constant 0 : i32
          %scan3A_135 = arith.constant 40 : i32
          %scan3A_136 = arith.addi %scan3A_134, %scan3A_135 : i32
          %scan3A_137 = arith.constant 1 : i32
          scf.for %scan3A_154 = %scan3A_134 to %scan3A_136 step %scan3A_137  : i32 {
            %get3A = arith.index_cast %scan3A_154 : i32 to index
            %get3A_155 = arith.constant 0 : index
            %get3A_156 = tpu.vector_load %arg7[%get3A, %get3A_155] {strides = array<i32>} : memref<40x512xf32, #tpu.memory_space<vmem>>, vector<1x16xf32>,
            %get3A_157 = vector.shape_cast %get3A_156 : vector<1x16xf32> to vector<16xf32>
            %swap3A = arith.constant 0 : i32
            %swap3A_158 = arith.constant 0 : i32
            %swap3A_159 = tpu.memref_slice %arg9[%swap3A, %swap3A_158] : memref<80x512xf32, #tpu.memory_space<vmem>> -> memref<40x512xf32, #tpu.memory_space<vmem>>
            %swap3A_160 = arith.index_cast %scan3A_154 : i32 to index
            %swap3A_161 = arith.constant 0 : index
            %swap3A_162 = tpu.vector_load %swap3A_159[%swap3A_160, %swap3A_161] {strides = array<i32>} : memref<40x512xf32, #tpu.memory_space<vmem>>, vector<1x16xf32>,
            %swap3A_163 = vector.shape_cast %swap3A_162 : vector<1x16xf32> to vector<16xf32>
            %swap3A_164 = vector.shape_cast %get3A_157 : vector<16xf32> to vector<1x16xf32>
            tpu.vector_store %swap3A_159[%swap3A_160, %swap3A_161], %swap3A_164 {add = true, strides = array<i32>} : memref<40x512xf32, #tpu.memory_space<vmem>>, vector<1x16xf32>,
            %get3A_165 = arith.index_cast %scan3A_154 : i32 to index
            %get3A_166 = arith.constant 16 : index
            %get3A_167 = tpu.vector_load %arg7[%get3A_165, %get3A_166] {strides = array<i32>} : memref<40x512xf32, #tpu.memory_space<vmem>>, vector<1x16xf32>,
            %get3A_168 = vector.shape_cast %get3A_167 : vector<1x16xf32> to vector<16xf32>
            %swap3A_169 = arith.constant 0 : i32
            %swap3A_170 = arith.constant 0 : i32
            %swap3A_171 = tpu.memref_slice %arg9[%swap3A_169, %swap3A_170] : memref<80x512xf32, #tpu.memory_space<vmem>> -> memref<40x512xf32, #tpu.memory_space<vmem>>
            %swap3A_172 = arith.index_cast %scan3A_154 : i32 to index
            %swap3A_173 = arith.constant 16 : index
            %swap3A_174 = tpu.vector_load %swap3A_171[%swap3A_172, %swap3A_173] {strides = array<i32>} : memref<40x512xf32, #tpu.memory_space<vmem>>, vector<1x16xf32>,
            %swap3A_175 = vector.shape_cast %swap3A_174 : vector<1x16xf32> to vector<16xf32>
            %swap3A_176 = vector.shape_cast %get3A_168 : vector<16xf32> to vector<1x16xf32>
            tpu.vector_store %swap3A_171[%swap3A_172, %swap3A_173], %swap3A_176 {add = true, strides = array<i32>} : memref<40x512xf32, #tpu.memory_space<vmem>>, vector<1x16xf32>,
            %get3A_177 = arith.index_cast %scan3A_154 : i32 to index
            %get3A_178 = arith.constant 32 : index
            %get3A_179 = tpu.vector_load %arg7[%get3A_177, %get3A_178] {strides = array<i32>} : memref<40x512xf32, #tpu.memory_space<vmem>>, vector<1x16xf32>,
            %get3A_180 = vector.shape_cast %get3A_179 : vector<1x16xf32> to vector<16xf32>
            %swap3A_181 = arith.constant 0 : i32
            %swap3A_182 = arith.constant 0 : i32
            %swap3A_183 = tpu.memref_slice %arg9[%swap3A_181, %swap3A_182] : memref<80x512xf32, #tpu.memory_space<vmem>> -> memref<40x512xf32, #tpu.memory_space<vmem>>
            %swap3A_184 = arith.index_cast %scan3A_154 : i32 to index
            %swap3A_185 = arith.constant 32 : index
            %swap3A_186 = tpu.vector_load %swap3A_183[%swap3A_184, %swap3A_185] {strides = array<i32>} : memref<40x512xf32, #tpu.memory_space<vmem>>, vector<1x16xf32>,
            %swap3A_187 = vector.shape_cast %swap3A_186 : vector<1x16xf32> to vector<16xf32>
            %swap3A_188 = vector.shape_cast %get3A_180 : vector<16xf32> to vector<1x16xf32>
            tpu.vector_store %swap3A_183[%swap3A_184, %swap3A_185], %swap3A_188 {add = true, strides = array<i32>} : memref<40x512xf32, #tpu.memory_space<vmem>>, vector<1x16xf32>,
            %get3A_189 = arith.index_cast %scan3A_154 : i32 to index
            %get3A_190 = arith.constant 48 : index
            %get3A_191 = tpu.vector_load %arg7[%get3A_189, %get3A_190] {strides = array<i32>} : memref<40x512xf32, #tpu.memory_space<vmem>>, vector<1x16xf32>,
            %get3A_192 = vector.shape_cast %get3A_191 : vector<1x16xf32> to vector<16xf32>
            %swap3A_193 = arith.constant 0 : i32
            %swap3A_194 = arith.constant 0 : i32
            %swap3A_195 = tpu.memref_slice %arg9[%swap3A_193, %swap3A_194] : memref<80x512xf32, #tpu.memory_space<vmem>> -> memref<40x512xf32, #tpu.memory_space<vmem>>
            %swap3A_196 = arith.index_cast %scan3A_154 : i32 to index
            %swap3A_197 = arith.constant 48 : index
            %swap3A_198 = tpu.vector_load %swap3A_195[%swap3A_196, %swap3A_197] {strides = array<i32>} : memref<40x512xf32, #tpu.memory_space<vmem>>, vector<1x16xf32>,
            %swap3A_199 = vector.shape_cast %swap3A_198 : vector<1x16xf32> to vector<16xf32>
            %swap3A_200 = vector.shape_cast %get3A_192 : vector<16xf32> to vector<1x16xf32>
            tpu.vector_store %swap3A_195[%swap3A_196, %swap3A_197], %swap3A_200 {add = true, strides = array<i32>} : memref<40x512xf32, #tpu.memory_space<vmem>>, vector<1x16xf32>,
            %get3A_201 = arith.index_cast %scan3A_154 : i32 to index
            %get3A_202 = arith.constant 64 : index
            %get3A_203 = tpu.vector_load %arg7[%get3A_201, %get3A_202] {strides = array<i32>} : memref<40x512xf32, #tpu.memory_space<vmem>>, vector<1x16xf32>,
            %get3A_204 = vector.shape_cast %get3A_203 : vector<1x16xf32> to vector<16xf32>
            %swap3A_205 = arith.constant 0 : i32
            %swap3A_206 = arith.constant 0 : i32
            %swap3A_207 = tpu.memref_slice %arg9[%swap3A_205, %swap3A_206] : memref<80x512xf32, #tpu.memory_space<vmem>> -> memref<40x512xf32, #tpu.memory_space<vmem>>
            %swap3A_208 = arith.index_cast %scan3A_154 : i32 to index
            %swap3A_209 = arith.constant 64 : index
            %swap3A_210 = tpu.vector_load %swap3A_207[%swap3A_208, %swap3A_209] {strides = array<i32>} : memref<40x512xf32, #tpu.memory_space<vmem>>, vector<1x16xf32>,
            %swap3A_211 = vector.shape_cast %swap3A_210 : vector<1x16xf32> to vector<16xf32>
            %swap3A_212 = vector.shape_cast %get3A_204 : vector<16xf32> to vector<1x16xf32>
            tpu.vector_store %swap3A_207[%swap3A_208, %swap3A_209], %swap3A_212 {add = true, strides = array<i32>} : memref<40x512xf32, #tpu.memory_space<vmem>>, vector<1x16xf32>,
            %get3A_213 = arith.index_cast %scan3A_154 : i32 to index
            %get3A_214 = arith.constant 80 : index
            %get3A_215 = tpu.vector_load %arg7[%get3A_213, %get3A_214] {strides = array<i32>} : memref<40x512xf32, #tpu.memory_space<vmem>>, vector<1x16xf32>,
            %get3A_216 = vector.shape_cast %get3A_215 : vector<1x16xf32> to vector<16xf32>
            %swap3A_217 = arith.constant 0 : i32
            %swap3A_218 = arith.constant 0 : i32
            %swap3A_219 = tpu.memref_slice %arg9[%swap3A_217, %swap3A_218] : memref<80x512xf32, #tpu.memory_space<vmem>> -> memref<40x512xf32, #tpu.memory_space<vmem>>
            %swap3A_220 = arith.index_cast %scan3A_154 : i32 to index
            %swap3A_221 = arith.constant 80 : index
            %swap3A_222 = tpu.vector_load %swap3A_219[%swap3A_220, %swap3A_221] {strides = array<i32>} : memref<40x512xf32, #tpu.memory_space<vmem>>, vector<1x16xf32>,
            %swap3A_223 = vector.shape_cast %swap3A_222 : vector<1x16xf32> to vector<16xf32>
            %swap3A_224 = vector.shape_cast %get3A_216 : vector<16xf32> to vector<1x16xf32>
            tpu.vector_store %swap3A_219[%swap3A_220, %swap3A_221], %swap3A_224 {add = true, strides = array<i32>} : memref<40x512xf32, #tpu.memory_space<vmem>>, vector<1x16xf32>,
            %get3A_225 = arith.index_cast %scan3A_154 : i32 to index
            %get3A_226 = arith.constant 96 : index
            %get3A_227 = tpu.vector_load %arg7[%get3A_225, %get3A_226] {strides = array<i32>} : memref<40x512xf32, #tpu.memory_space<vmem>>, vector<1x16xf32>,
            %get3A_228 = vector.shape_cast %get3A_227 : vector<1x16xf32> to vector<16xf32>
            %swap3A_229 = arith.constant 0 : i32
            %swap3A_230 = arith.constant 0 : i32
            %swap3A_231 = tpu.memref_slice %arg9[%swap3A_229, %swap3A_230] : memref<80x512xf32, #tpu.memory_space<vmem>> -> memref<40x512xf32, #tpu.memory_space<vmem>>
            %swap3A_232 = arith.index_cast %scan3A_154 : i32 to index
            %swap3A_233 = arith.constant 96 : index
            %swap3A_234 = tpu.vector_load %swap3A_231[%swap3A_232, %swap3A_233] {strides = array<i32>} : memref<40x512xf32, #tpu.memory_space<vmem>>, vector<1x16xf32>,
            %swap3A_235 = vector.shape_cast %swap3A_234 : vector<1x16xf32> to vector<16xf32>
            %swap3A_236 = vector.shape_cast %get3A_228 : vector<16xf32> to vector<1x16xf32>
            tpu.vector_store %swap3A_231[%swap3A_232, %swap3A_233], %swap3A_236 {add = true, strides = array<i32>} : memref<40x512xf32, #tpu.memory_space<vmem>>, vector<1x16xf32>,
            %get3A_237 = arith.index_cast %scan3A_154 : i32 to index
            %get3A_238 = arith.constant 112 : index
            %get3A_239 = tpu.vector_load %arg7[%get3A_237, %get3A_238] {strides = array<i32>} : memref<40x512xf32, #tpu.memory_space<vmem>>, vector<1x16xf32>,
            %get3A_240 = vector.shape_cast %get3A_239 : vector<1x16xf32> to vector<16xf32>
            %swap3A_241 = arith.constant 0 : i32
            %swap3A_242 = arith.constant 0 : i32
            %swap3A_243 = tpu.memref_slice %arg9[%swap3A_241, %swap3A_242] : memref<80x512xf32, #tpu.memory_space<vmem>> -> memref<40x512xf32, #tpu.memory_space<vmem>>
            %swap3A_244 = arith.index_cast %scan3A_154 : i32 to index
            %swap3A_245 = arith.constant 112 : index
            %swap3A_246 = tpu.vector_load %swap3A_243[%swap3A_244, %swap3A_245] {strides = array<i32>} : memref<40x512xf32, #tpu.memory_space<vmem>>, vector<1x16xf32>,
            %swap3A_247 = vector.shape_cast %swap3A_246 : vector<1x16xf32> to vector<16xf32>
            %swap3A_248 = vector.shape_cast %get3A_240 : vector<16xf32> to vector<1x16xf32>
            tpu.vector_store %swap3A_243[%swap3A_244, %swap3A_245], %swap3A_248 {add = true, strides = array<i32>} : memref<40x512xf32, #tpu.memory_space<vmem>>, vector<1x16xf32>,
            %get3A_249 = arith.index_cast %scan3A_154 : i32 to index
            %get3A_250 = arith.constant 128 : index
            %get3A_251 = tpu.vector_load %arg7[%get3A_249, %get3A_250] {strides = array<i32>} : memref<40x512xf32, #tpu.memory_space<vmem>>, vector<1x16xf32>,
            %get3A_252 = vector.shape_cast %get3A_251 : vector<1x16xf32> to vector<16xf32>
            %swap3A_253 = arith.constant 0 : i32
            %swap3A_254 = arith.constant 0 : i32
            %swap3A_255 = tpu.memref_slice %arg9[%swap3A_253, %swap3A_254] : memref<80x512xf32, #tpu.memory_space<vmem>> -> memref<40x512xf32, #tpu.memory_space<vmem>>
            %swap3A_256 = arith.index_cast %scan3A_154 : i32 to index
            %swap3A_257 = arith.constant 128 : index
            %swap3A_258 = tpu.vector_load %swap3A_255[%swap3A_256, %swap3A_257] {strides = array<i32>} : memref<40x512xf32, #tpu.memory_space<vmem>>, vector<1x16xf32>,
            %swap3A_259 = vector.shape_cast %swap3A_258 : vector<1x16xf32> to vector<16xf32>
            %swap3A_260 = vector.shape_cast %get3A_252 : vector<16xf32> to vector<1x16xf32>
            tpu.vector_store %swap3A_255[%swap3A_256, %swap3A_257], %swap3A_260 {add = true, strides = array<i32>} : memref<40x512xf32, #tpu.memory_space<vmem>>, vector<1x16xf32>,
            %get3A_261 = arith.index_cast %scan3A_154 : i32 to index
            %get3A_262 = arith.constant 144 : index
            %get3A_263 = tpu.vector_load %arg7[%get3A_261, %get3A_262] {strides = array<i32>} : memref<40x512xf32, #tpu.memory_space<vmem>>, vector<1x16xf32>,
            %get3A_264 = vector.shape_cast %get3A_263 : vector<1x16xf32> to vector<16xf32>
            %swap3A_265 = arith.constant 0 : i32
            %swap3A_266 = arith.constant 0 : i32
            %swap3A_267 = tpu.memref_slice %arg9[%swap3A_265, %swap3A_266] : memref<80x512xf32, #tpu.memory_space<vmem>> -> memref<40x512xf32, #tpu.memory_space<vmem>>
            %swap3A_268 = arith.index_cast %scan3A_154 : i32 to index
            %swap3A_269 = arith.constant 144 : index
            %swap3A_270 = tpu.vector_load %swap3A_267[%swap3A_268, %swap3A_269] {strides = array<i32>} : memref<40x512xf32, #tpu.memory_space<vmem>>, vector<1x16xf32>,
            %swap3A_271 = vector.shape_cast %swap3A_270 : vector<1x16xf32> to vector<16xf32>
            %swap3A_272 = vector.shape_cast %get3A_264 : vector<16xf32> to vector<1x16xf32>
            tpu.vector_store %swap3A_267[%swap3A_268, %swap3A_269], %swap3A_272 {add = true, strides = array<i32>} : memref<40x512xf32, #tpu.memory_space<vmem>>, vector<1x16xf32>,
            %get3A_273 = arith.index_cast %scan3A_154 : i32 to index
            %get3A_274 = arith.constant 160 : index
            %get3A_275 = tpu.vector_load %arg7[%get3A_273, %get3A_274] {strides = array<i32>} : memref<40x512xf32, #tpu.memory_space<vmem>>, vector<1x16xf32>,
            %get3A_276 = vector.shape_cast %get3A_275 : vector<1x16xf32> to vector<16xf32>
            %swap3A_277 = arith.constant 0 : i32
            %swap3A_278 = arith.constant 0 : i32
            %swap3A_279 = tpu.memref_slice %arg9[%swap3A_277, %swap3A_278] : memref<80x512xf32, #tpu.memory_space<vmem>> -> memref<40x512xf32, #tpu.memory_space<vmem>>
            %swap3A_280 = arith.index_cast %scan3A_154 : i32 to index
            %swap3A_281 = arith.constant 160 : index
            %swap3A_282 = tpu.vector_load %swap3A_279[%swap3A_280, %swap3A_281] {strides = array<i32>} : memref<40x512xf32, #tpu.memory_space<vmem>>, vector<1x16xf32>,
            %swap3A_283 = vector.shape_cast %swap3A_282 : vector<1x16xf32> to vector<16xf32>
            %swap3A_284 = vector.shape_cast %get3A_276 : vector<16xf32> to vector<1x16xf32>
            tpu.vector_store %swap3A_279[%swap3A_280, %swap3A_281], %swap3A_284 {add = true, strides = array<i32>} : memref<40x512xf32, #tpu.memory_space<vmem>>, vector<1x16xf32>,
            %get3A_285 = arith.index_cast %scan3A_154 : i32 to index
            %get3A_286 = arith.constant 176 : index
            %get3A_287 = tpu.vector_load %arg7[%get3A_285, %get3A_286] {strides = array<i32>} : memref<40x512xf32, #tpu.memory_space<vmem>>, vector<1x16xf32>,
            %get3A_288 = vector.shape_cast %get3A_287 : vector<1x16xf32> to vector<16xf32>
            %swap3A_289 = arith.constant 0 : i32
            %swap3A_290 = arith.constant 0 : i32
            %swap3A_291 = tpu.memref_slice %arg9[%swap3A_289, %swap3A_290] : memref<80x512xf32, #tpu.memory_space<vmem>> -> memref<40x512xf32, #tpu.memory_space<vmem>>
            %swap3A_292 = arith.index_cast %scan3A_154 : i32 to index
            %swap3A_293 = arith.constant 176 : index
            %swap3A_294 = tpu.vector_load %swap3A_291[%swap3A_292, %swap3A_293] {strides = array<i32>} : memref<40x512xf32, #tpu.memory_space<vmem>>, vector<1x16xf32>,
            %swap3A_295 = vector.shape_cast %swap3A_294 : vector<1x16xf32> to vector<16xf32>
            %swap3A_296 = vector.shape_cast %get3A_288 : vector<16xf32> to vector<1x16xf32>
            tpu.vector_store %swap3A_291[%swap3A_292, %swap3A_293], %swap3A_296 {add = true, strides = array<i32>} : memref<40x512xf32, #tpu.memory_space<vmem>>, vector<1x16xf32>,
            %get3A_297 = arith.index_cast %scan3A_154 : i32 to index
            %get3A_298 = arith.constant 192 : index
            %get3A_299 = tpu.vector_load %arg7[%get3A_297, %get3A_298] {strides = array<i32>} : memref<40x512xf32, #tpu.memory_space<vmem>>, vector<1x16xf32>,
            %get3A_300 = vector.shape_cast %get3A_299 : vector<1x16xf32> to vector<16xf32>
            %swap3A_301 = arith.constant 0 : i32
            %swap3A_302 = arith.constant 0 : i32
            %swap3A_303 = tpu.memref_slice %arg9[%swap3A_301, %swap3A_302] : memref<80x512xf32, #tpu.memory_space<vmem>> -> memref<40x512xf32, #tpu.memory_space<vmem>>
            %swap3A_304 = arith.index_cast %scan3A_154 : i32 to index
            %swap3A_305 = arith.constant 192 : index
            %swap3A_306 = tpu.vector_load %swap3A_303[%swap3A_304, %swap3A_305] {strides = array<i32>} : memref<40x512xf32, #tpu.memory_space<vmem>>, vector<1x16xf32>,
            %swap3A_307 = vector.shape_cast %swap3A_306 : vector<1x16xf32> to vector<16xf32>
            %swap3A_308 = vector.shape_cast %get3A_300 : vector<16xf32> to vector<1x16xf32>
            tpu.vector_store %swap3A_303[%swap3A_304, %swap3A_305], %swap3A_308 {add = true, strides = array<i32>} : memref<40x512xf32, #tpu.memory_space<vmem>>, vector<1x16xf32>,
            %get3A_309 = arith.index_cast %scan3A_154 : i32 to index
            %get3A_310 = arith.constant 208 : index
            %get3A_311 = tpu.vector_load %arg7[%get3A_309, %get3A_310] {strides = array<i32>} : memref<40x512xf32, #tpu.memory_space<vmem>>, vector<1x16xf32>,
            %get3A_312 = vector.shape_cast %get3A_311 : vector<1x16xf32> to vector<16xf32>
            %swap3A_313 = arith.constant 0 : i32
            %swap3A_314 = arith.constant 0 : i32
            %swap3A_315 = tpu.memref_slice %arg9[%swap3A_313, %swap3A_314] : memref<80x512xf32, #tpu.memory_space<vmem>> -> memref<40x512xf32, #tpu.memory_space<vmem>>
            %swap3A_316 = arith.index_cast %scan3A_154 : i32 to index
            %swap3A_317 = arith.constant 208 : index
            %swap3A_318 = tpu.vector_load %swap3A_315[%swap3A_316, %swap3A_317] {strides = array<i32>} : memref<40x512xf32, #tpu.memory_space<vmem>>, vector<1x16xf32>,
            %swap3A_319 = vector.shape_cast %swap3A_318 : vector<1x16xf32> to vector<16xf32>
            %swap3A_320 = vector.shape_cast %get3A_312 : vector<16xf32> to vector<1x16xf32>
            tpu.vector_store %swap3A_315[%swap3A_316, %swap3A_317], %swap3A_320 {add = true, strides = array<i32>} : memref<40x512xf32, #tpu.memory_space<vmem>>, vector<1x16xf32>,
            %get3A_321 = arith.index_cast %scan3A_154 : i32 to index
            %get3A_322 = arith.constant 224 : index
            %get3A_323 = tpu.vector_load %arg7[%get3A_321, %get3A_322] {strides = array<i32>} : memref<40x512xf32, #tpu.memory_space<vmem>>, vector<1x16xf32>,
            %get3A_324 = vector.shape_cast %get3A_323 : vector<1x16xf32> to vector<16xf32>
            %swap3A_325 = arith.constant 0 : i32
            %swap3A_326 = arith.constant 0 : i32
            %swap3A_327 = tpu.memref_slice %arg9[%swap3A_325, %swap3A_326] : memref<80x512xf32, #tpu.memory_space<vmem>> -> memref<40x512xf32, #tpu.memory_space<vmem>>
            %swap3A_328 = arith.index_cast %scan3A_154 : i32 to index
            %swap3A_329 = arith.constant 224 : index
            %swap3A_330 = tpu.vector_load %swap3A_327[%swap3A_328, %swap3A_329] {strides = array<i32>} : memref<40x512xf32, #tpu.memory_space<vmem>>, vector<1x16xf32>,
            %swap3A_331 = vector.shape_cast %swap3A_330 : vector<1x16xf32> to vector<16xf32>
            %swap3A_332 = vector.shape_cast %get3A_324 : vector<16xf32> to vector<1x16xf32>
            tpu.vector_store %swap3A_327[%swap3A_328, %swap3A_329], %swap3A_332 {add = true, strides = array<i32>} : memref<40x512xf32, #tpu.memory_space<vmem>>, vector<1x16xf32>,
            %get3A_333 = arith.index_cast %scan3A_154 : i32 to index
            %get3A_334 = arith.constant 240 : index
            %get3A_335 = tpu.vector_load %arg7[%get3A_333, %get3A_334] {strides = array<i32>} : memref<40x512xf32, #tpu.memory_space<vmem>>, vector<1x16xf32>,
            %get3A_336 = vector.shape_cast %get3A_335 : vector<1x16xf32> to vector<16xf32>
            %swap3A_337 = arith.constant 0 : i32
            %swap3A_338 = arith.constant 0 : i32
            %swap3A_339 = tpu.memref_slice %arg9[%swap3A_337, %swap3A_338] : memref<80x512xf32, #tpu.memory_space<vmem>> -> memref<40x512xf32, #tpu.memory_space<vmem>>
            %swap3A_340 = arith.index_cast %scan3A_154 : i32 to index
            %swap3A_341 = arith.constant 240 : index
            %swap3A_342 = tpu.vector_load %swap3A_339[%swap3A_340, %swap3A_341] {strides = array<i32>} : memref<40x512xf32, #tpu.memory_space<vmem>>, vector<1x16xf32>,
            %swap3A_343 = vector.shape_cast %swap3A_342 : vector<1x16xf32> to vector<16xf32>
            %swap3A_344 = vector.shape_cast %get3A_336 : vector<16xf32> to vector<1x16xf32>
            tpu.vector_store %swap3A_339[%swap3A_340, %swap3A_341], %swap3A_344 {add = true, strides = array<i32>} : memref<40x512xf32, #tpu.memory_space<vmem>>, vector<1x16xf32>,
            %get3A_345 = arith.index_cast %scan3A_154 : i32 to index
            %get3A_346 = arith.constant 256 : index
            %get3A_347 = tpu.vector_load %arg7[%get3A_345, %get3A_346] {strides = array<i32>} : memref<40x512xf32, #tpu.memory_space<vmem>>, vector<1x16xf32>,
            %get3A_348 = vector.shape_cast %get3A_347 : vector<1x16xf32> to vector<16xf32>
            %swap3A_349 = arith.constant 0 : i32
            %swap3A_350 = arith.constant 0 : i32
            %swap3A_351 = tpu.memref_slice %arg9[%swap3A_349, %swap3A_350] : memref<80x512xf32, #tpu.memory_space<vmem>> -> memref<40x512xf32, #tpu.memory_space<vmem>>
            %swap3A_352 = arith.index_cast %scan3A_154 : i32 to index
            %swap3A_353 = arith.constant 256 : index
            %swap3A_354 = tpu.vector_load %swap3A_351[%swap3A_352, %swap3A_353] {strides = array<i32>} : memref<40x512xf32, #tpu.memory_space<vmem>>, vector<1x16xf32>,
            %swap3A_355 = vector.shape_cast %swap3A_354 : vector<1x16xf32> to vector<16xf32>
            %swap3A_356 = vector.shape_cast %get3A_348 : vector<16xf32> to vector<1x16xf32>
            tpu.vector_store %swap3A_351[%swap3A_352, %swap3A_353], %swap3A_356 {add = true, strides = array<i32>} : memref<40x512xf32, #tpu.memory_space<vmem>>, vector<1x16xf32>,
            %get3A_357 = arith.index_cast %scan3A_154 : i32 to index
            %get3A_358 = arith.constant 272 : index
            %get3A_359 = tpu.vector_load %arg7[%get3A_357, %get3A_358] {strides = array<i32>} : memref<40x512xf32, #tpu.memory_space<vmem>>, vector<1x16xf32>,
            %get3A_360 = vector.shape_cast %get3A_359 : vector<1x16xf32> to vector<16xf32>
            %swap3A_361 = arith.constant 0 : i32
            %swap3A_362 = arith.constant 0 : i32
            %swap3A_363 = tpu.memref_slice %arg9[%swap3A_361, %swap3A_362] : memref<80x512xf32, #tpu.memory_space<vmem>> -> memref<40x512xf32, #tpu.memory_space<vmem>>
            %swap3A_364 = arith.index_cast %scan3A_154 : i32 to index
            %swap3A_365 = arith.constant 272 : index
            %swap3A_366 = tpu.vector_load %swap3A_363[%swap3A_364, %swap3A_365] {strides = array<i32>} : memref<40x512xf32, #tpu.memory_space<vmem>>, vector<1x16xf32>,
            %swap3A_367 = vector.shape_cast %swap3A_366 : vector<1x16xf32> to vector<16xf32>
            %swap3A_368 = vector.shape_cast %get3A_360 : vector<16xf32> to vector<1x16xf32>
            tpu.vector_store %swap3A_363[%swap3A_364, %swap3A_365], %swap3A_368 {add = true, strides = array<i32>} : memref<40x512xf32, #tpu.memory_space<vmem>>, vector<1x16xf32>,
            %get3A_369 = arith.index_cast %scan3A_154 : i32 to index
            %get3A_370 = arith.constant 288 : index
            %get3A_371 = tpu.vector_load %arg7[%get3A_369, %get3A_370] {strides = array<i32>} : memref<40x512xf32, #tpu.memory_space<vmem>>, vector<1x16xf32>,
            %get3A_372 = vector.shape_cast %get3A_371 : vector<1x16xf32> to vector<16xf32>
            %swap3A_373 = arith.constant 0 : i32
            %swap3A_374 = arith.constant 0 : i32
            %swap3A_375 = tpu.memref_slice %arg9[%swap3A_373, %swap3A_374] : memref<80x512xf32, #tpu.memory_space<vmem>> -> memref<40x512xf32, #tpu.memory_space<vmem>>
            %swap3A_376 = arith.index_cast %scan3A_154 : i32 to index
            %swap3A_377 = arith.constant 288 : index
            %swap3A_378 = tpu.vector_load %swap3A_375[%swap3A_376, %swap3A_377] {strides = array<i32>} : memref<40x512xf32, #tpu.memory_space<vmem>>, vector<1x16xf32>,
            %swap3A_379 = vector.shape_cast %swap3A_378 : vector<1x16xf32> to vector<16xf32>
            %swap3A_380 = vector.shape_cast %get3A_372 : vector<16xf32> to vector<1x16xf32>
            tpu.vector_store %swap3A_375[%swap3A_376, %swap3A_377], %swap3A_380 {add = true, strides = array<i32>} : memref<40x512xf32, #tpu.memory_space<vmem>>, vector<1x16xf32>,
            %get3A_381 = arith.index_cast %scan3A_154 : i32 to index
            %get3A_382 = arith.constant 304 : index
            %get3A_383 = tpu.vector_load %arg7[%get3A_381, %get3A_382] {strides = array<i32>} : memref<40x512xf32, #tpu.memory_space<vmem>>, vector<1x16xf32>,
            %get3A_384 = vector.shape_cast %get3A_383 : vector<1x16xf32> to vector<16xf32>
            %swap3A_385 = arith.constant 0 : i32
            %swap3A_386 = arith.constant 0 : i32
            %swap3A_387 = tpu.memref_slice %arg9[%swap3A_385, %swap3A_386] : memref<80x512xf32, #tpu.memory_space<vmem>> -> memref<40x512xf32, #tpu.memory_space<vmem>>
            %swap3A_388 = arith.index_cast %scan3A_154 : i32 to index
            %swap3A_389 = arith.constant 304 : index
            %swap3A_390 = tpu.vector_load %swap3A_387[%swap3A_388, %swap3A_389] {strides = array<i32>} : memref<40x512xf32, #tpu.memory_space<vmem>>, vector<1x16xf32>,
            %swap3A_391 = vector.shape_cast %swap3A_390 : vector<1x16xf32> to vector<16xf32>
            %swap3A_392 = vector.shape_cast %get3A_384 : vector<16xf32> to vector<1x16xf32>
            tpu.vector_store %swap3A_387[%swap3A_388, %swap3A_389], %swap3A_392 {add = true, strides = array<i32>} : memref<40x512xf32, #tpu.memory_space<vmem>>, vector<1x16xf32>,
            %get3A_393 = arith.index_cast %scan3A_154 : i32 to index
            %get3A_394 = arith.constant 320 : index
            %get3A_395 = tpu.vector_load %arg7[%get3A_393, %get3A_394] {strides = array<i32>} : memref<40x512xf32, #tpu.memory_space<vmem>>, vector<1x16xf32>,
            %get3A_396 = vector.shape_cast %get3A_395 : vector<1x16xf32> to vector<16xf32>
            %swap3A_397 = arith.constant 0 : i32
            %swap3A_398 = arith.constant 0 : i32
            %swap3A_399 = tpu.memref_slice %arg9[%swap3A_397, %swap3A_398] : memref<80x512xf32, #tpu.memory_space<vmem>> -> memref<40x512xf32, #tpu.memory_space<vmem>>
            %swap3A_400 = arith.index_cast %scan3A_154 : i32 to index
            %swap3A_401 = arith.constant 320 : index
            %swap3A_402 = tpu.vector_load %swap3A_399[%swap3A_400, %swap3A_401] {strides = array<i32>} : memref<40x512xf32, #tpu.memory_space<vmem>>, vector<1x16xf32>,
            %swap3A_403 = vector.shape_cast %swap3A_402 : vector<1x16xf32> to vector<16xf32>
            %swap3A_404 = vector.shape_cast %get3A_396 : vector<16xf32> to vector<1x16xf32>
            tpu.vector_store %swap3A_399[%swap3A_400, %swap3A_401], %swap3A_404 {add = true, strides = array<i32>} : memref<40x512xf32, #tpu.memory_space<vmem>>, vector<1x16xf32>,
            %get3A_405 = arith.index_cast %scan3A_154 : i32 to index
            %get3A_406 = arith.constant 336 : index
            %get3A_407 = tpu.vector_load %arg7[%get3A_405, %get3A_406] {strides = array<i32>} : memref<40x512xf32, #tpu.memory_space<vmem>>, vector<1x16xf32>,
            %get3A_408 = vector.shape_cast %get3A_407 : vector<1x16xf32> to vector<16xf32>
            %swap3A_409 = arith.constant 0 : i32
            %swap3A_410 = arith.constant 0 : i32
            %swap3A_411 = tpu.memref_slice %arg9[%swap3A_409, %swap3A_410] : memref<80x512xf32, #tpu.memory_space<vmem>> -> memref<40x512xf32, #tpu.memory_space<vmem>>
            %swap3A_412 = arith.index_cast %scan3A_154 : i32 to index
            %swap3A_413 = arith.constant 336 : index
            %swap3A_414 = tpu.vector_load %swap3A_411[%swap3A_412, %swap3A_413] {strides = array<i32>} : memref<40x512xf32, #tpu.memory_space<vmem>>, vector<1x16xf32>,
            %swap3A_415 = vector.shape_cast %swap3A_414 : vector<1x16xf32> to vector<16xf32>
            %swap3A_416 = vector.shape_cast %get3A_408 : vector<16xf32> to vector<1x16xf32>
            tpu.vector_store %swap3A_411[%swap3A_412, %swap3A_413], %swap3A_416 {add = true, strides = array<i32>} : memref<40x512xf32, #tpu.memory_space<vmem>>, vector<1x16xf32>,
            %get3A_417 = arith.index_cast %scan3A_154 : i32 to index
            %get3A_418 = arith.constant 352 : index
            %get3A_419 = tpu.vector_load %arg7[%get3A_417, %get3A_418] {strides = array<i32>} : memref<40x512xf32, #tpu.memory_space<vmem>>, vector<1x16xf32>,
            %get3A_420 = vector.shape_cast %get3A_419 : vector<1x16xf32> to vector<16xf32>
            %swap3A_421 = arith.constant 0 : i32
            %swap3A_422 = arith.constant 0 : i32
            %swap3A_423 = tpu.memref_slice %arg9[%swap3A_421, %swap3A_422] : memref<80x512xf32, #tpu.memory_space<vmem>> -> memref<40x512xf32, #tpu.memory_space<vmem>>
            %swap3A_424 = arith.index_cast %scan3A_154 : i32 to index
            %swap3A_425 = arith.constant 352 : index
            %swap3A_426 = tpu.vector_load %swap3A_423[%swap3A_424, %swap3A_425] {strides = array<i32>} : memref<40x512xf32, #tpu.memory_space<vmem>>, vector<1x16xf32>,
            %swap3A_427 = vector.shape_cast %swap3A_426 : vector<1x16xf32> to vector<16xf32>
            %swap3A_428 = vector.shape_cast %get3A_420 : vector<16xf32> to vector<1x16xf32>
            tpu.vector_store %swap3A_423[%swap3A_424, %swap3A_425], %swap3A_428 {add = true, strides = array<i32>} : memref<40x512xf32, #tpu.memory_space<vmem>>, vector<1x16xf32>,
            %get3A_429 = arith.index_cast %scan3A_154 : i32 to index
            %get3A_430 = arith.constant 368 : index
            %get3A_431 = tpu.vector_load %arg7[%get3A_429, %get3A_430] {strides = array<i32>} : memref<40x512xf32, #tpu.memory_space<vmem>>, vector<1x16xf32>,
            %get3A_432 = vector.shape_cast %get3A_431 : vector<1x16xf32> to vector<16xf32>
            %swap3A_433 = arith.constant 0 : i32
            %swap3A_434 = arith.constant 0 : i32
            %swap3A_435 = tpu.memref_slice %arg9[%swap3A_433, %swap3A_434] : memref<80x512xf32, #tpu.memory_space<vmem>> -> memref<40x512xf32, #tpu.memory_space<vmem>>
            %swap3A_436 = arith.index_cast %scan3A_154 : i32 to index
            %swap3A_437 = arith.constant 368 : index
            %swap3A_438 = tpu.vector_load %swap3A_435[%swap3A_436, %swap3A_437] {strides = array<i32>} : memref<40x512xf32, #tpu.memory_space<vmem>>, vector<1x16xf32>,
            %swap3A_439 = vector.shape_cast %swap3A_438 : vector<1x16xf32> to vector<16xf32>
            %swap3A_440 = vector.shape_cast %get3A_432 : vector<16xf32> to vector<1x16xf32>
            tpu.vector_store %swap3A_435[%swap3A_436, %swap3A_437], %swap3A_440 {add = true, strides = array<i32>} : memref<40x512xf32, #tpu.memory_space<vmem>>, vector<1x16xf32>,
            %get3A_441 = arith.index_cast %scan3A_154 : i32 to index
            %get3A_442 = arith.constant 384 : index
            %get3A_443 = tpu.vector_load %arg7[%get3A_441, %get3A_442] {strides = array<i32>} : memref<40x512xf32, #tpu.memory_space<vmem>>, vector<1x16xf32>,
            %get3A_444 = vector.shape_cast %get3A_443 : vector<1x16xf32> to vector<16xf32>
            %swap3A_445 = arith.constant 0 : i32
            %swap3A_446 = arith.constant 0 : i32
            %swap3A_447 = tpu.memref_slice %arg9[%swap3A_445, %swap3A_446] : memref<80x512xf32, #tpu.memory_space<vmem>> -> memref<40x512xf32, #tpu.memory_space<vmem>>
            %swap3A_448 = arith.index_cast %scan3A_154 : i32 to index
            %swap3A_449 = arith.constant 384 : index
            %swap3A_450 = tpu.vector_load %swap3A_447[%swap3A_448, %swap3A_449] {strides = array<i32>} : memref<40x512xf32, #tpu.memory_space<vmem>>, vector<1x16xf32>,
            %swap3A_451 = vector.shape_cast %swap3A_450 : vector<1x16xf32> to vector<16xf32>
            %swap3A_452 = vector.shape_cast %get3A_444 : vector<16xf32> to vector<1x16xf32>
            tpu.vector_store %swap3A_447[%swap3A_448, %swap3A_449], %swap3A_452 {add = true, strides = array<i32>} : memref<40x512xf32, #tpu.memory_space<vmem>>, vector<1x16xf32>,
            %get3A_453 = arith.index_cast %scan3A_154 : i32 to index
            %get3A_454 = arith.constant 400 : index
            %get3A_455 = tpu.vector_load %arg7[%get3A_453, %get3A_454] {strides = array<i32>} : memref<40x512xf32, #tpu.memory_space<vmem>>, vector<1x16xf32>,
            %get3A_456 = vector.shape_cast %get3A_455 : vector<1x16xf32> to vector<16xf32>
            %swap3A_457 = arith.constant 0 : i32
            %swap3A_458 = arith.constant 0 : i32
            %swap3A_459 = tpu.memref_slice %arg9[%swap3A_457, %swap3A_458] : memref<80x512xf32, #tpu.memory_space<vmem>> -> memref<40x512xf32, #tpu.memory_space<vmem>>
            %swap3A_460 = arith.index_cast %scan3A_154 : i32 to index
            %swap3A_461 = arith.constant 400 : index
            %swap3A_462 = tpu.vector_load %swap3A_459[%swap3A_460, %swap3A_461] {strides = array<i32>} : memref<40x512xf32, #tpu.memory_space<vmem>>, vector<1x16xf32>,
            %swap3A_463 = vector.shape_cast %swap3A_462 : vector<1x16xf32> to vector<16xf32>
            %swap3A_464 = vector.shape_cast %get3A_456 : vector<16xf32> to vector<1x16xf32>
            tpu.vector_store %swap3A_459[%swap3A_460, %swap3A_461], %swap3A_464 {add = true, strides = array<i32>} : memref<40x512xf32, #tpu.memory_space<vmem>>, vector<1x16xf32>,
            %get3A_465 = arith.index_cast %scan3A_154 : i32 to index
            %get3A_466 = arith.constant 416 : index
            %get3A_467 = tpu.vector_load %arg7[%get3A_465, %get3A_466] {strides = array<i32>} : memref<40x512xf32, #tpu.memory_space<vmem>>, vector<1x16xf32>,
            %get3A_468 = vector.shape_cast %get3A_467 : vector<1x16xf32> to vector<16xf32>
            %swap3A_469 = arith.constant 0 : i32
            %swap3A_470 = arith.constant 0 : i32
            %swap3A_471 = tpu.memref_slice %arg9[%swap3A_469, %swap3A_470] : memref<80x512xf32, #tpu.memory_space<vmem>> -> memref<40x512xf32, #tpu.memory_space<vmem>>
            %swap3A_472 = arith.index_cast %scan3A_154 : i32 to index
            %swap3A_473 = arith.constant 416 : index
            %swap3A_474 = tpu.vector_load %swap3A_471[%swap3A_472, %swap3A_473] {strides = array<i32>} : memref<40x512xf32, #tpu.memory_space<vmem>>, vector<1x16xf32>,
            %swap3A_475 = vector.shape_cast %swap3A_474 : vector<1x16xf32> to vector<16xf32>
            %swap3A_476 = vector.shape_cast %get3A_468 : vector<16xf32> to vector<1x16xf32>
            tpu.vector_store %swap3A_471[%swap3A_472, %swap3A_473], %swap3A_476 {add = true, strides = array<i32>} : memref<40x512xf32, #tpu.memory_space<vmem>>, vector<1x16xf32>,
            %get3A_477 = arith.index_cast %scan3A_154 : i32 to index
            %get3A_478 = arith.constant 432 : index
            %get3A_479 = tpu.vector_load %arg7[%get3A_477, %get3A_478] {strides = array<i32>} : memref<40x512xf32, #tpu.memory_space<vmem>>, vector<1x16xf32>,
            %get3A_480 = vector.shape_cast %get3A_479 : vector<1x16xf32> to vector<16xf32>
            %swap3A_481 = arith.constant 0 : i32
            %swap3A_482 = arith.constant 0 : i32
            %swap3A_483 = tpu.memref_slice %arg9[%swap3A_481, %swap3A_482] : memref<80x512xf32, #tpu.memory_space<vmem>> -> memref<40x512xf32, #tpu.memory_space<vmem>>
            %swap3A_484 = arith.index_cast %scan3A_154 : i32 to index
            %swap3A_485 = arith.constant 432 : index
            %swap3A_486 = tpu.vector_load %swap3A_483[%swap3A_484, %swap3A_485] {strides = array<i32>} : memref<40x512xf32, #tpu.memory_space<vmem>>, vector<1x16xf32>,
            %swap3A_487 = vector.shape_cast %swap3A_486 : vector<1x16xf32> to vector<16xf32>
            %swap3A_488 = vector.shape_cast %get3A_480 : vector<16xf32> to vector<1x16xf32>
            tpu.vector_store %swap3A_483[%swap3A_484, %swap3A_485], %swap3A_488 {add = true, strides = array<i32>} : memref<40x512xf32, #tpu.memory_space<vmem>>, vector<1x16xf32>,
            %get3A_489 = arith.index_cast %scan3A_154 : i32 to index
            %get3A_490 = arith.constant 448 : index
            %get3A_491 = tpu.vector_load %arg7[%get3A_489, %get3A_490] {strides = array<i32>} : memref<40x512xf32, #tpu.memory_space<vmem>>, vector<1x16xf32>,
            %get3A_492 = vector.shape_cast %get3A_491 : vector<1x16xf32> to vector<16xf32>
            %swap3A_493 = arith.constant 0 : i32
            %swap3A_494 = arith.constant 0 : i32
            %swap3A_495 = tpu.memref_slice %arg9[%swap3A_493, %swap3A_494] : memref<80x512xf32, #tpu.memory_space<vmem>> -> memref<40x512xf32, #tpu.memory_space<vmem>>
            %swap3A_496 = arith.index_cast %scan3A_154 : i32 to index
            %swap3A_497 = arith.constant 448 : index
            %swap3A_498 = tpu.vector_load %swap3A_495[%swap3A_496, %swap3A_497] {strides = array<i32>} : memref<40x512xf32, #tpu.memory_space<vmem>>, vector<1x16xf32>,
            %swap3A_499 = vector.shape_cast %swap3A_498 : vector<1x16xf32> to vector<16xf32>
            %swap3A_500 = vector.shape_cast %get3A_492 : vector<16xf32> to vector<1x16xf32>
            tpu.vector_store %swap3A_495[%swap3A_496, %swap3A_497], %swap3A_500 {add = true, strides = array<i32>} : memref<40x512xf32, #tpu.memory_space<vmem>>, vector<1x16xf32>,
            %get3A_501 = arith.index_cast %scan3A_154 : i32 to index
            %get3A_502 = arith.constant 464 : index
            %get3A_503 = tpu.vector_load %arg7[%get3A_501, %get3A_502] {strides = array<i32>} : memref<40x512xf32, #tpu.memory_space<vmem>>, vector<1x16xf32>,
            %get3A_504 = vector.shape_cast %get3A_503 : vector<1x16xf32> to vector<16xf32>
            %swap3A_505 = arith.constant 0 : i32
            %swap3A_506 = arith.constant 0 : i32
            %swap3A_507 = tpu.memref_slice %arg9[%swap3A_505, %swap3A_506] : memref<80x512xf32, #tpu.memory_space<vmem>> -> memref<40x512xf32, #tpu.memory_space<vmem>>
            %swap3A_508 = arith.index_cast %scan3A_154 : i32 to index
            %swap3A_509 = arith.constant 464 : index
            %swap3A_510 = tpu.vector_load %swap3A_507[%swap3A_508, %swap3A_509] {strides = array<i32>} : memref<40x512xf32, #tpu.memory_space<vmem>>, vector<1x16xf32>,
            %swap3A_511 = vector.shape_cast %swap3A_510 : vector<1x16xf32> to vector<16xf32>
            %swap3A_512 = vector.shape_cast %get3A_504 : vector<16xf32> to vector<1x16xf32>
            tpu.vector_store %swap3A_507[%swap3A_508, %swap3A_509], %swap3A_512 {add = true, strides = array<i32>} : memref<40x512xf32, #tpu.memory_space<vmem>>, vector<1x16xf32>,
            %get3A_513 = arith.index_cast %scan3A_154 : i32 to index
            %get3A_514 = arith.constant 480 : index
            %get3A_515 = tpu.vector_load %arg7[%get3A_513, %get3A_514] {strides = array<i32>} : memref<40x512xf32, #tpu.memory_space<vmem>>, vector<1x16xf32>,
            %get3A_516 = vector.shape_cast %get3A_515 : vector<1x16xf32> to vector<16xf32>
            %swap3A_517 = arith.constant 0 : i32
            %swap3A_518 = arith.constant 0 : i32
            %swap3A_519 = tpu.memref_slice %arg9[%swap3A_517, %swap3A_518] : memref<80x512xf32, #tpu.memory_space<vmem>> -> memref<40x512xf32, #tpu.memory_space<vmem>>
            %swap3A_520 = arith.index_cast %scan3A_154 : i32 to index
            %swap3A_521 = arith.constant 480 : index
            %swap3A_522 = tpu.vector_load %swap3A_519[%swap3A_520, %swap3A_521] {strides = array<i32>} : memref<40x512xf32, #tpu.memory_space<vmem>>, vector<1x16xf32>,
            %swap3A_523 = vector.shape_cast %swap3A_522 : vector<1x16xf32> to vector<16xf32>
            %swap3A_524 = vector.shape_cast %get3A_516 : vector<16xf32> to vector<1x16xf32>
            tpu.vector_store %swap3A_519[%swap3A_520, %swap3A_521], %swap3A_524 {add = true, strides = array<i32>} : memref<40x512xf32, #tpu.memory_space<vmem>>, vector<1x16xf32>,
            %get3A_525 = arith.index_cast %scan3A_154 : i32 to index
            %get3A_526 = arith.constant 496 : index
            %get3A_527 = tpu.vector_load %arg7[%get3A_525, %get3A_526] {strides = array<i32>} : memref<40x512xf32, #tpu.memory_space<vmem>>, vector<1x16xf32>,
            %get3A_528 = vector.shape_cast %get3A_527 : vector<1x16xf32> to vector<16xf32>
            %swap3A_529 = arith.constant 0 : i32
            %swap3A_530 = arith.constant 0 : i32
            %swap3A_531 = tpu.memref_slice %arg9[%swap3A_529, %swap3A_530] : memref<80x512xf32, #tpu.memory_space<vmem>> -> memref<40x512xf32, #tpu.memory_space<vmem>>
            %swap3A_532 = arith.index_cast %scan3A_154 : i32 to index
            %swap3A_533 = arith.constant 496 : index
            %swap3A_534 = tpu.vector_load %swap3A_531[%swap3A_532, %swap3A_533] {strides = array<i32>} : memref<40x512xf32, #tpu.memory_space<vmem>>, vector<1x16xf32>,
            %swap3A_535 = vector.shape_cast %swap3A_534 : vector<1x16xf32> to vector<16xf32>
            %swap3A_536 = vector.shape_cast %get3A_528 : vector<16xf32> to vector<1x16xf32>
            tpu.vector_store %swap3A_531[%swap3A_532, %swap3A_533], %swap3A_536 {add = true, strides = array<i32>} : memref<40x512xf32, #tpu.memory_space<vmem>>, vector<1x16xf32>,
          }
          %scan3A_138 = arith.constant 40 : i32
          %mul3A_139 = arith.constant 200 : i32
          %mul3A_140 = arith.muli %sub3A_71, %mul3A_139 : i32
          %add3A_141 = arith.addi %mul3A_2, %mul3A_140 : i32
          %mul3A_142 = arith.constant 40 : i32
          %mul3A_143 = arith.muli %scan3A_57, %mul3A_142 : i32
          %add3A_144 = arith.addi %add3A_141, %mul3A_143 : i32
          %dma_start3A = arith.constant 0 : i32
          %dma_start3A_145 = arith.constant 0 : i32
          %dma_start3A_146 = tpu.memref_slice %arg9[%dma_start3A, %dma_start3A_145] : memref<80x512xf32, #tpu.memory_space<vmem>> -> memref<40x512xf32, #tpu.memory_space<vmem>>
          %dma_start3A_147 = arith.constant 0 : i32
          %dma_start3A_148 = tpu.memref_slice %arg5[%add3A_144, %dma_start3A_147] : memref<204800x512xf32, #tpu.memory_space<hbm>> -> memref<40x512xf32, #tpu.memory_space<hbm>>
          %dma_start3A_149 = arith.constant 0 : i32
          %dma_start3A_150 = tpu.memref_slice %arg5[%add3A_144, %dma_start3A_149] : memref<204800x512xf32, #tpu.memory_space<hbm>> -> memref<40x512xf32, #tpu.memory_space<hbm>>
          %dma_start3A_151 = arith.constant 0 : i32
          %dma_start3A_152 = arith.constant 0 : i32
          %dma_start3A_153 = tpu.memref_slice %arg9[%dma_start3A_151, %dma_start3A_152] : memref<80x512xf32, #tpu.memory_space<vmem>> -> memref<40x512xf32, #tpu.memory_space<vmem>>
          tpu.enqueue_dma source(%dma_start3A_153 : memref<40x512xf32, #tpu.memory_space<vmem>>) target(%dma_start3A_150 : memref<40x512xf32, #tpu.memory_space<hbm>>) target_semaphore(%arg14 : memref<!tpu.dma_semaphore, #tpu.memory_space<semaphore_mem>>)
        } else {
        }
        %mul3A_80 = arith.constant 4 : i32
        %mul3A_81 = arith.muli %scan3A_66, %mul3A_80 : i32
        %add3A_82 = arith.constant 1 : i32
        %add3A_83 = arith.addi %mul3A_81, %add3A_82 : i32
        %sub3A_84 = arith.constant 2 : i32
        %sub3A_85 = arith.subi %add3A_83, %sub3A_84 : i32
        %ge3A_86 = arith.constant 0 : i32
        %ge3A_87 = arith.cmpi sge, %sub3A_85, %ge3A_86 : i32
        %lt3A_88 = arith.constant 32 : i32
        %lt3A_89 = arith.cmpi slt, %sub3A_85, %lt3A_88 : i32
        %and3A_90 = arith.andi %ge3A_87, %lt3A_89 : i1
        %convert_element_type3A_91 = arith.extui %and3A_90 : i1 to i32
        %cond3A_92 = arith.constant 0 : i32
        %cond3A_93 = arith.cmpi ne, %convert_element_type3A_91, %cond3A_92 : i32
        scf.if %cond3A_93 {
          %scan3A_127 = arith.constant 0 : i32
          %scan3A_128 = arith.constant 0 : i32
          %scan3A_129 = arith.constant 40 : i32
          %scan3A_130 = arith.addi %scan3A_128, %scan3A_129 : i32
          %scan3A_131 = arith.constant 1 : i32
          scf.for %scan3A_148 = %scan3A_128 to %scan3A_130 step %scan3A_131  : i32 {
            %get3A = arith.index_cast %scan3A_148 : i32 to index
            %get3A_149 = arith.constant 0 : index
            %get3A_150 = tpu.vector_load %arg7[%get3A, %get3A_149] {strides = array<i32>} : memref<40x512xf32, #tpu.memory_space<vmem>>, vector<1x16xf32>,
            %get3A_151 = vector.shape_cast %get3A_150 : vector<1x16xf32> to vector<16xf32>
            %swap3A = arith.constant 40 : i32
            %swap3A_152 = arith.constant 0 : i32
            %swap3A_153 = tpu.memref_slice %arg9[%swap3A, %swap3A_152] : memref<80x512xf32, #tpu.memory_space<vmem>> -> memref<40x512xf32, #tpu.memory_space<vmem>>
            %swap3A_154 = arith.index_cast %scan3A_148 : i32 to index
            %swap3A_155 = arith.constant 0 : index
            %swap3A_156 = tpu.vector_load %swap3A_153[%swap3A_154, %swap3A_155] {strides = array<i32>} : memref<40x512xf32, #tpu.memory_space<vmem>>, vector<1x16xf32>,
            %swap3A_157 = vector.shape_cast %swap3A_156 : vector<1x16xf32> to vector<16xf32>
            %swap3A_158 = vector.shape_cast %get3A_151 : vector<16xf32> to vector<1x16xf32>
            tpu.vector_store %swap3A_153[%swap3A_154, %swap3A_155], %swap3A_158 {add = true, strides = array<i32>} : memref<40x512xf32, #tpu.memory_space<vmem>>, vector<1x16xf32>,
            %get3A_159 = arith.index_cast %scan3A_148 : i32 to index
            %get3A_160 = arith.constant 16 : index
            %get3A_161 = tpu.vector_load %arg7[%get3A_159, %get3A_160] {strides = array<i32>} : memref<40x512xf32, #tpu.memory_space<vmem>>, vector<1x16xf32>,
            %get3A_162 = vector.shape_cast %get3A_161 : vector<1x16xf32> to vector<16xf32>
            %swap3A_163 = arith.constant 40 : i32
            %swap3A_164 = arith.constant 0 : i32
            %swap3A_165 = tpu.memref_slice %arg9[%swap3A_163, %swap3A_164] : memref<80x512xf32, #tpu.memory_space<vmem>> -> memref<40x512xf32, #tpu.memory_space<vmem>>
            %swap3A_166 = arith.index_cast %scan3A_148 : i32 to index
            %swap3A_167 = arith.constant 16 : index
            %swap3A_168 = tpu.vector_load %swap3A_165[%swap3A_166, %swap3A_167] {strides = array<i32>} : memref<40x512xf32, #tpu.memory_space<vmem>>, vector<1x16xf32>,
            %swap3A_169 = vector.shape_cast %swap3A_168 : vector<1x16xf32> to vector<16xf32>
            %swap3A_170 = vector.shape_cast %get3A_162 : vector<16xf32> to vector<1x16xf32>
            tpu.vector_store %swap3A_165[%swap3A_166, %swap3A_167], %swap3A_170 {add = true, strides = array<i32>} : memref<40x512xf32, #tpu.memory_space<vmem>>, vector<1x16xf32>,
            %get3A_171 = arith.index_cast %scan3A_148 : i32 to index
            %get3A_172 = arith.constant 32 : index
            %get3A_173 = tpu.vector_load %arg7[%get3A_171, %get3A_172] {strides = array<i32>} : memref<40x512xf32, #tpu.memory_space<vmem>>, vector<1x16xf32>,
            %get3A_174 = vector.shape_cast %get3A_173 : vector<1x16xf32> to vector<16xf32>
            %swap3A_175 = arith.constant 40 : i32
            %swap3A_176 = arith.constant 0 : i32
            %swap3A_177 = tpu.memref_slice %arg9[%swap3A_175, %swap3A_176] : memref<80x512xf32, #tpu.memory_space<vmem>> -> memref<40x512xf32, #tpu.memory_space<vmem>>
            %swap3A_178 = arith.index_cast %scan3A_148 : i32 to index
            %swap3A_179 = arith.constant 32 : index
            %swap3A_180 = tpu.vector_load %swap3A_177[%swap3A_178, %swap3A_179] {strides = array<i32>} : memref<40x512xf32, #tpu.memory_space<vmem>>, vector<1x16xf32>,
            %swap3A_181 = vector.shape_cast %swap3A_180 : vector<1x16xf32> to vector<16xf32>
            %swap3A_182 = vector.shape_cast %get3A_174 : vector<16xf32> to vector<1x16xf32>
            tpu.vector_store %swap3A_177[%swap3A_178, %swap3A_179], %swap3A_182 {add = true, strides = array<i32>} : memref<40x512xf32, #tpu.memory_space<vmem>>, vector<1x16xf32>,
            %get3A_183 = arith.index_cast %scan3A_148 : i32 to index
            %get3A_184 = arith.constant 48 : index
            %get3A_185 = tpu.vector_load %arg7[%get3A_183, %get3A_184] {strides = array<i32>} : memref<40x512xf32, #tpu.memory_space<vmem>>, vector<1x16xf32>,
            %get3A_186 = vector.shape_cast %get3A_185 : vector<1x16xf32> to vector<16xf32>
            %swap3A_187 = arith.constant 40 : i32
            %swap3A_188 = arith.constant 0 : i32
            %swap3A_189 = tpu.memref_slice %arg9[%swap3A_187, %swap3A_188] : memref<80x512xf32, #tpu.memory_space<vmem>> -> memref<40x512xf32, #tpu.memory_space<vmem>>
            %swap3A_190 = arith.index_cast %scan3A_148 : i32 to index
            %swap3A_191 = arith.constant 48 : index
            %swap3A_192 = tpu.vector_load %swap3A_189[%swap3A_190, %swap3A_191] {strides = array<i32>} : memref<40x512xf32, #tpu.memory_space<vmem>>, vector<1x16xf32>,
            %swap3A_193 = vector.shape_cast %swap3A_192 : vector<1x16xf32> to vector<16xf32>
            %swap3A_194 = vector.shape_cast %get3A_186 : vector<16xf32> to vector<1x16xf32>
            tpu.vector_store %swap3A_189[%swap3A_190, %swap3A_191], %swap3A_194 {add = true, strides = array<i32>} : memref<40x512xf32, #tpu.memory_space<vmem>>, vector<1x16xf32>,
            %get3A_195 = arith.index_cast %scan3A_148 : i32 to index
            %get3A_196 = arith.constant 64 : index
            %get3A_197 = tpu.vector_load %arg7[%get3A_195, %get3A_196] {strides = array<i32>} : memref<40x512xf32, #tpu.memory_space<vmem>>, vector<1x16xf32>,
            %get3A_198 = vector.shape_cast %get3A_197 : vector<1x16xf32> to vector<16xf32>
            %swap3A_199 = arith.constant 40 : i32
            %swap3A_200 = arith.constant 0 : i32
            %swap3A_201 = tpu.memref_slice %arg9[%swap3A_199, %swap3A_200] : memref<80x512xf32, #tpu.memory_space<vmem>> -> memref<40x512xf32, #tpu.memory_space<vmem>>
            %swap3A_202 = arith.index_cast %scan3A_148 : i32 to index
            %swap3A_203 = arith.constant 64 : index
            %swap3A_204 = tpu.vector_load %swap3A_201[%swap3A_202, %swap3A_203] {strides = array<i32>} : memref<40x512xf32, #tpu.memory_space<vmem>>, vector<1x16xf32>,
            %swap3A_205 = vector.shape_cast %swap3A_204 : vector<1x16xf32> to vector<16xf32>
            %swap3A_206 = vector.shape_cast %get3A_198 : vector<16xf32> to vector<1x16xf32>
            tpu.vector_store %swap3A_201[%swap3A_202, %swap3A_203], %swap3A_206 {add = true, strides = array<i32>} : memref<40x512xf32, #tpu.memory_space<vmem>>, vector<1x16xf32>,
            %get3A_207 = arith.index_cast %scan3A_148 : i32 to index
            %get3A_208 = arith.constant 80 : index
            %get3A_209 = tpu.vector_load %arg7[%get3A_207, %get3A_208] {strides = array<i32>} : memref<40x512xf32, #tpu.memory_space<vmem>>, vector<1x16xf32>,
            %get3A_210 = vector.shape_cast %get3A_209 : vector<1x16xf32> to vector<16xf32>
            %swap3A_211 = arith.constant 40 : i32
            %swap3A_212 = arith.constant 0 : i32
            %swap3A_213 = tpu.memref_slice %arg9[%swap3A_211, %swap3A_212] : memref<80x512xf32, #tpu.memory_space<vmem>> -> memref<40x512xf32, #tpu.memory_space<vmem>>
            %swap3A_214 = arith.index_cast %scan3A_148 : i32 to index
            %swap3A_215 = arith.constant 80 : index
            %swap3A_216 = tpu.vector_load %swap3A_213[%swap3A_214, %swap3A_215] {strides = array<i32>} : memref<40x512xf32, #tpu.memory_space<vmem>>, vector<1x16xf32>,
            %swap3A_217 = vector.shape_cast %swap3A_216 : vector<1x16xf32> to vector<16xf32>
            %swap3A_218 = vector.shape_cast %get3A_210 : vector<16xf32> to vector<1x16xf32>
            tpu.vector_store %swap3A_213[%swap3A_214, %swap3A_215], %swap3A_218 {add = true, strides = array<i32>} : memref<40x512xf32, #tpu.memory_space<vmem>>, vector<1x16xf32>,
            %get3A_219 = arith.index_cast %scan3A_148 : i32 to index
            %get3A_220 = arith.constant 96 : index
            %get3A_221 = tpu.vector_load %arg7[%get3A_219, %get3A_220] {strides = array<i32>} : memref<40x512xf32, #tpu.memory_space<vmem>>, vector<1x16xf32>,
            %get3A_222 = vector.shape_cast %get3A_221 : vector<1x16xf32> to vector<16xf32>
            %swap3A_223 = arith.constant 40 : i32
            %swap3A_224 = arith.constant 0 : i32
            %swap3A_225 = tpu.memref_slice %arg9[%swap3A_223, %swap3A_224] : memref<80x512xf32, #tpu.memory_space<vmem>> -> memref<40x512xf32, #tpu.memory_space<vmem>>
            %swap3A_226 = arith.index_cast %scan3A_148 : i32 to index
            %swap3A_227 = arith.constant 96 : index
            %swap3A_228 = tpu.vector_load %swap3A_225[%swap3A_226, %swap3A_227] {strides = array<i32>} : memref<40x512xf32, #tpu.memory_space<vmem>>, vector<1x16xf32>,
            %swap3A_229 = vector.shape_cast %swap3A_228 : vector<1x16xf32> to vector<16xf32>
            %swap3A_230 = vector.shape_cast %get3A_222 : vector<16xf32> to vector<1x16xf32>
            tpu.vector_store %swap3A_225[%swap3A_226, %swap3A_227], %swap3A_230 {add = true, strides = array<i32>} : memref<40x512xf32, #tpu.memory_space<vmem>>, vector<1x16xf32>,
            %get3A_231 = arith.index_cast %scan3A_148 : i32 to index
            %get3A_232 = arith.constant 112 : index
            %get3A_233 = tpu.vector_load %arg7[%get3A_231, %get3A_232] {strides = array<i32>} : memref<40x512xf32, #tpu.memory_space<vmem>>, vector<1x16xf32>,
            %get3A_234 = vector.shape_cast %get3A_233 : vector<1x16xf32> to vector<16xf32>
            %swap3A_235 = arith.constant 40 : i32
            %swap3A_236 = arith.constant 0 : i32
            %swap3A_237 = tpu.memref_slice %arg9[%swap3A_235, %swap3A_236] : memref<80x512xf32, #tpu.memory_space<vmem>> -> memref<40x512xf32, #tpu.memory_space<vmem>>
            %swap3A_238 = arith.index_cast %scan3A_148 : i32 to index
            %swap3A_239 = arith.constant 112 : index
            %swap3A_240 = tpu.vector_load %swap3A_237[%swap3A_238, %swap3A_239] {strides = array<i32>} : memref<40x512xf32, #tpu.memory_space<vmem>>, vector<1x16xf32>,
            %swap3A_241 = vector.shape_cast %swap3A_240 : vector<1x16xf32> to vector<16xf32>
            %swap3A_242 = vector.shape_cast %get3A_234 : vector<16xf32> to vector<1x16xf32>
            tpu.vector_store %swap3A_237[%swap3A_238, %swap3A_239], %swap3A_242 {add = true, strides = array<i32>} : memref<40x512xf32, #tpu.memory_space<vmem>>, vector<1x16xf32>,
            %get3A_243 = arith.index_cast %scan3A_148 : i32 to index
            %get3A_244 = arith.constant 128 : index
            %get3A_245 = tpu.vector_load %arg7[%get3A_243, %get3A_244] {strides = array<i32>} : memref<40x512xf32, #tpu.memory_space<vmem>>, vector<1x16xf32>,
            %get3A_246 = vector.shape_cast %get3A_245 : vector<1x16xf32> to vector<16xf32>
            %swap3A_247 = arith.constant 40 : i32
            %swap3A_248 = arith.constant 0 : i32
            %swap3A_249 = tpu.memref_slice %arg9[%swap3A_247, %swap3A_248] : memref<80x512xf32, #tpu.memory_space<vmem>> -> memref<40x512xf32, #tpu.memory_space<vmem>>
            %swap3A_250 = arith.index_cast %scan3A_148 : i32 to index
            %swap3A_251 = arith.constant 128 : index
            %swap3A_252 = tpu.vector_load %swap3A_249[%swap3A_250, %swap3A_251] {strides = array<i32>} : memref<40x512xf32, #tpu.memory_space<vmem>>, vector<1x16xf32>,
            %swap3A_253 = vector.shape_cast %swap3A_252 : vector<1x16xf32> to vector<16xf32>
            %swap3A_254 = vector.shape_cast %get3A_246 : vector<16xf32> to vector<1x16xf32>
            tpu.vector_store %swap3A_249[%swap3A_250, %swap3A_251], %swap3A_254 {add = true, strides = array<i32>} : memref<40x512xf32, #tpu.memory_space<vmem>>, vector<1x16xf32>,
            %get3A_255 = arith.index_cast %scan3A_148 : i32 to index
            %get3A_256 = arith.constant 144 : index
            %get3A_257 = tpu.vector_load %arg7[%get3A_255, %get3A_256] {strides = array<i32>} : memref<40x512xf32, #tpu.memory_space<vmem>>, vector<1x16xf32>,
            %get3A_258 = vector.shape_cast %get3A_257 : vector<1x16xf32> to vector<16xf32>
            %swap3A_259 = arith.constant 40 : i32
            %swap3A_260 = arith.constant 0 : i32
            %swap3A_261 = tpu.memref_slice %arg9[%swap3A_259, %swap3A_260] : memref<80x512xf32, #tpu.memory_space<vmem>> -> memref<40x512xf32, #tpu.memory_space<vmem>>
            %swap3A_262 = arith.index_cast %scan3A_148 : i32 to index
            %swap3A_263 = arith.constant 144 : index
            %swap3A_264 = tpu.vector_load %swap3A_261[%swap3A_262, %swap3A_263] {strides = array<i32>} : memref<40x512xf32, #tpu.memory_space<vmem>>, vector<1x16xf32>,
            %swap3A_265 = vector.shape_cast %swap3A_264 : vector<1x16xf32> to vector<16xf32>
            %swap3A_266 = vector.shape_cast %get3A_258 : vector<16xf32> to vector<1x16xf32>
            tpu.vector_store %swap3A_261[%swap3A_262, %swap3A_263], %swap3A_266 {add = true, strides = array<i32>} : memref<40x512xf32, #tpu.memory_space<vmem>>, vector<1x16xf32>,
            %get3A_267 = arith.index_cast %scan3A_148 : i32 to index
            %get3A_268 = arith.constant 160 : index
            %get3A_269 = tpu.vector_load %arg7[%get3A_267, %get3A_268] {strides = array<i32>} : memref<40x512xf32, #tpu.memory_space<vmem>>, vector<1x16xf32>,
            %get3A_270 = vector.shape_cast %get3A_269 : vector<1x16xf32> to vector<16xf32>
            %swap3A_271 = arith.constant 40 : i32
            %swap3A_272 = arith.constant 0 : i32
            %swap3A_273 = tpu.memref_slice %arg9[%swap3A_271, %swap3A_272] : memref<80x512xf32, #tpu.memory_space<vmem>> -> memref<40x512xf32, #tpu.memory_space<vmem>>
            %swap3A_274 = arith.index_cast %scan3A_148 : i32 to index
            %swap3A_275 = arith.constant 160 : index
            %swap3A_276 = tpu.vector_load %swap3A_273[%swap3A_274, %swap3A_275] {strides = array<i32>} : memref<40x512xf32, #tpu.memory_space<vmem>>, vector<1x16xf32>,
            %swap3A_277 = vector.shape_cast %swap3A_276 : vector<1x16xf32> to vector<16xf32>
            %swap3A_278 = vector.shape_cast %get3A_270 : vector<16xf32> to vector<1x16xf32>
            tpu.vector_store %swap3A_273[%swap3A_274, %swap3A_275], %swap3A_278 {add = true, strides = array<i32>} : memref<40x512xf32, #tpu.memory_space<vmem>>, vector<1x16xf32>,
            %get3A_279 = arith.index_cast %scan3A_148 : i32 to index
            %get3A_280 = arith.constant 176 : index
            %get3A_281 = tpu.vector_load %arg7[%get3A_279, %get3A_280] {strides = array<i32>} : memref<40x512xf32, #tpu.memory_space<vmem>>, vector<1x16xf32>,
            %get3A_282 = vector.shape_cast %get3A_281 : vector<1x16xf32> to vector<16xf32>
            %swap3A_283 = arith.constant 40 : i32
            %swap3A_284 = arith.constant 0 : i32
            %swap3A_285 = tpu.memref_slice %arg9[%swap3A_283, %swap3A_284] : memref<80x512xf32, #tpu.memory_space<vmem>> -> memref<40x512xf32, #tpu.memory_space<vmem>>
            %swap3A_286 = arith.index_cast %scan3A_148 : i32 to index
            %swap3A_287 = arith.constant 176 : index
            %swap3A_288 = tpu.vector_load %swap3A_285[%swap3A_286, %swap3A_287] {strides = array<i32>} : memref<40x512xf32, #tpu.memory_space<vmem>>, vector<1x16xf32>,
            %swap3A_289 = vector.shape_cast %swap3A_288 : vector<1x16xf32> to vector<16xf32>
            %swap3A_290 = vector.shape_cast %get3A_282 : vector<16xf32> to vector<1x16xf32>
            tpu.vector_store %swap3A_285[%swap3A_286, %swap3A_287], %swap3A_290 {add = true, strides = array<i32>} : memref<40x512xf32, #tpu.memory_space<vmem>>, vector<1x16xf32>,
            %get3A_291 = arith.index_cast %scan3A_148 : i32 to index
            %get3A_292 = arith.constant 192 : index
            %get3A_293 = tpu.vector_load %arg7[%get3A_291, %get3A_292] {strides = array<i32>} : memref<40x512xf32, #tpu.memory_space<vmem>>, vector<1x16xf32>,
            %get3A_294 = vector.shape_cast %get3A_293 : vector<1x16xf32> to vector<16xf32>
            %swap3A_295 = arith.constant 40 : i32
            %swap3A_296 = arith.constant 0 : i32
            %swap3A_297 = tpu.memref_slice %arg9[%swap3A_295, %swap3A_296] : memref<80x512xf32, #tpu.memory_space<vmem>> -> memref<40x512xf32, #tpu.memory_space<vmem>>
            %swap3A_298 = arith.index_cast %scan3A_148 : i32 to index
            %swap3A_299 = arith.constant 192 : index
            %swap3A_300 = tpu.vector_load %swap3A_297[%swap3A_298, %swap3A_299] {strides = array<i32>} : memref<40x512xf32, #tpu.memory_space<vmem>>, vector<1x16xf32>,
            %swap3A_301 = vector.shape_cast %swap3A_300 : vector<1x16xf32> to vector<16xf32>
            %swap3A_302 = vector.shape_cast %get3A_294 : vector<16xf32> to vector<1x16xf32>
            tpu.vector_store %swap3A_297[%swap3A_298, %swap3A_299], %swap3A_302 {add = true, strides = array<i32>} : memref<40x512xf32, #tpu.memory_space<vmem>>, vector<1x16xf32>,
            %get3A_303 = arith.index_cast %scan3A_148 : i32 to index
            %get3A_304 = arith.constant 208 : index
            %get3A_305 = tpu.vector_load %arg7[%get3A_303, %get3A_304] {strides = array<i32>} : memref<40x512xf32, #tpu.memory_space<vmem>>, vector<1x16xf32>,
            %get3A_306 = vector.shape_cast %get3A_305 : vector<1x16xf32> to vector<16xf32>
            %swap3A_307 = arith.constant 40 : i32
            %swap3A_308 = arith.constant 0 : i32
            %swap3A_309 = tpu.memref_slice %arg9[%swap3A_307, %swap3A_308] : memref<80x512xf32, #tpu.memory_space<vmem>> -> memref<40x512xf32, #tpu.memory_space<vmem>>
            %swap3A_310 = arith.index_cast %scan3A_148 : i32 to index
            %swap3A_311 = arith.constant 208 : index
            %swap3A_312 = tpu.vector_load %swap3A_309[%swap3A_310, %swap3A_311] {strides = array<i32>} : memref<40x512xf32, #tpu.memory_space<vmem>>, vector<1x16xf32>,
            %swap3A_313 = vector.shape_cast %swap3A_312 : vector<1x16xf32> to vector<16xf32>
            %swap3A_314 = vector.shape_cast %get3A_306 : vector<16xf32> to vector<1x16xf32>
            tpu.vector_store %swap3A_309[%swap3A_310, %swap3A_311], %swap3A_314 {add = true, strides = array<i32>} : memref<40x512xf32, #tpu.memory_space<vmem>>, vector<1x16xf32>,
            %get3A_315 = arith.index_cast %scan3A_148 : i32 to index
            %get3A_316 = arith.constant 224 : index
            %get3A_317 = tpu.vector_load %arg7[%get3A_315, %get3A_316] {strides = array<i32>} : memref<40x512xf32, #tpu.memory_space<vmem>>, vector<1x16xf32>,
            %get3A_318 = vector.shape_cast %get3A_317 : vector<1x16xf32> to vector<16xf32>
            %swap3A_319 = arith.constant 40 : i32
            %swap3A_320 = arith.constant 0 : i32
            %swap3A_321 = tpu.memref_slice %arg9[%swap3A_319, %swap3A_320] : memref<80x512xf32, #tpu.memory_space<vmem>> -> memref<40x512xf32, #tpu.memory_space<vmem>>
            %swap3A_322 = arith.index_cast %scan3A_148 : i32 to index
            %swap3A_323 = arith.constant 224 : index
            %swap3A_324 = tpu.vector_load %swap3A_321[%swap3A_322, %swap3A_323] {strides = array<i32>} : memref<40x512xf32, #tpu.memory_space<vmem>>, vector<1x16xf32>,
            %swap3A_325 = vector.shape_cast %swap3A_324 : vector<1x16xf32> to vector<16xf32>
            %swap3A_326 = vector.shape_cast %get3A_318 : vector<16xf32> to vector<1x16xf32>
            tpu.vector_store %swap3A_321[%swap3A_322, %swap3A_323], %swap3A_326 {add = true, strides = array<i32>} : memref<40x512xf32, #tpu.memory_space<vmem>>, vector<1x16xf32>,
            %get3A_327 = arith.index_cast %scan3A_148 : i32 to index
            %get3A_328 = arith.constant 240 : index
            %get3A_329 = tpu.vector_load %arg7[%get3A_327, %get3A_328] {strides = array<i32>} : memref<40x512xf32, #tpu.memory_space<vmem>>, vector<1x16xf32>,
            %get3A_330 = vector.shape_cast %get3A_329 : vector<1x16xf32> to vector<16xf32>
            %swap3A_331 = arith.constant 40 : i32
            %swap3A_332 = arith.constant 0 : i32
            %swap3A_333 = tpu.memref_slice %arg9[%swap3A_331, %swap3A_332] : memref<80x512xf32, #tpu.memory_space<vmem>> -> memref<40x512xf32, #tpu.memory_space<vmem>>
            %swap3A_334 = arith.index_cast %scan3A_148 : i32 to index
            %swap3A_335 = arith.constant 240 : index
            %swap3A_336 = tpu.vector_load %swap3A_333[%swap3A_334, %swap3A_335] {strides = array<i32>} : memref<40x512xf32, #tpu.memory_space<vmem>>, vector<1x16xf32>,
            %swap3A_337 = vector.shape_cast %swap3A_336 : vector<1x16xf32> to vector<16xf32>
            %swap3A_338 = vector.shape_cast %get3A_330 : vector<16xf32> to vector<1x16xf32>
            tpu.vector_store %swap3A_333[%swap3A_334, %swap3A_335], %swap3A_338 {add = true, strides = array<i32>} : memref<40x512xf32, #tpu.memory_space<vmem>>, vector<1x16xf32>,
            %get3A_339 = arith.index_cast %scan3A_148 : i32 to index
            %get3A_340 = arith.constant 256 : index
            %get3A_341 = tpu.vector_load %arg7[%get3A_339, %get3A_340] {strides = array<i32>} : memref<40x512xf32, #tpu.memory_space<vmem>>, vector<1x16xf32>,
            %get3A_342 = vector.shape_cast %get3A_341 : vector<1x16xf32> to vector<16xf32>
            %swap3A_343 = arith.constant 40 : i32
            %swap3A_344 = arith.constant 0 : i32
            %swap3A_345 = tpu.memref_slice %arg9[%swap3A_343, %swap3A_344] : memref<80x512xf32, #tpu.memory_space<vmem>> -> memref<40x512xf32, #tpu.memory_space<vmem>>
            %swap3A_346 = arith.index_cast %scan3A_148 : i32 to index
            %swap3A_347 = arith.constant 256 : index
            %swap3A_348 = tpu.vector_load %swap3A_345[%swap3A_346, %swap3A_347] {strides = array<i32>} : memref<40x512xf32, #tpu.memory_space<vmem>>, vector<1x16xf32>,
            %swap3A_349 = vector.shape_cast %swap3A_348 : vector<1x16xf32> to vector<16xf32>
            %swap3A_350 = vector.shape_cast %get3A_342 : vector<16xf32> to vector<1x16xf32>
            tpu.vector_store %swap3A_345[%swap3A_346, %swap3A_347], %swap3A_350 {add = true, strides = array<i32>} : memref<40x512xf32, #tpu.memory_space<vmem>>, vector<1x16xf32>,
            %get3A_351 = arith.index_cast %scan3A_148 : i32 to index
            %get3A_352 = arith.constant 272 : index
            %get3A_353 = tpu.vector_load %arg7[%get3A_351, %get3A_352] {strides = array<i32>} : memref<40x512xf32, #tpu.memory_space<vmem>>, vector<1x16xf32>,
            %get3A_354 = vector.shape_cast %get3A_353 : vector<1x16xf32> to vector<16xf32>
            %swap3A_355 = arith.constant 40 : i32
            %swap3A_356 = arith.constant 0 : i32
            %swap3A_357 = tpu.memref_slice %arg9[%swap3A_355, %swap3A_356] : memref<80x512xf32, #tpu.memory_space<vmem>> -> memref<40x512xf32, #tpu.memory_space<vmem>>
            %swap3A_358 = arith.index_cast %scan3A_148 : i32 to index
            %swap3A_359 = arith.constant 272 : index
            %swap3A_360 = tpu.vector_load %swap3A_357[%swap3A_358, %swap3A_359] {strides = array<i32>} : memref<40x512xf32, #tpu.memory_space<vmem>>, vector<1x16xf32>,
            %swap3A_361 = vector.shape_cast %swap3A_360 : vector<1x16xf32> to vector<16xf32>
            %swap3A_362 = vector.shape_cast %get3A_354 : vector<16xf32> to vector<1x16xf32>
            tpu.vector_store %swap3A_357[%swap3A_358, %swap3A_359], %swap3A_362 {add = true, strides = array<i32>} : memref<40x512xf32, #tpu.memory_space<vmem>>, vector<1x16xf32>,
            %get3A_363 = arith.index_cast %scan3A_148 : i32 to index
            %get3A_364 = arith.constant 288 : index
            %get3A_365 = tpu.vector_load %arg7[%get3A_363, %get3A_364] {strides = array<i32>} : memref<40x512xf32, #tpu.memory_space<vmem>>, vector<1x16xf32>,
            %get3A_366 = vector.shape_cast %get3A_365 : vector<1x16xf32> to vector<16xf32>
            %swap3A_367 = arith.constant 40 : i32
            %swap3A_368 = arith.constant 0 : i32
            %swap3A_369 = tpu.memref_slice %arg9[%swap3A_367, %swap3A_368] : memref<80x512xf32, #tpu.memory_space<vmem>> -> memref<40x512xf32, #tpu.memory_space<vmem>>
            %swap3A_370 = arith.index_cast %scan3A_148 : i32 to index
            %swap3A_371 = arith.constant 288 : index
            %swap3A_372 = tpu.vector_load %swap3A_369[%swap3A_370, %swap3A_371] {strides = array<i32>} : memref<40x512xf32, #tpu.memory_space<vmem>>, vector<1x16xf32>,
            %swap3A_373 = vector.shape_cast %swap3A_372 : vector<1x16xf32> to vector<16xf32>
            %swap3A_374 = vector.shape_cast %get3A_366 : vector<16xf32> to vector<1x16xf32>
            tpu.vector_store %swap3A_369[%swap3A_370, %swap3A_371], %swap3A_374 {add = true, strides = array<i32>} : memref<40x512xf32, #tpu.memory_space<vmem>>, vector<1x16xf32>,
            %get3A_375 = arith.index_cast %scan3A_148 : i32 to index
            %get3A_376 = arith.constant 304 : index
            %get3A_377 = tpu.vector_load %arg7[%get3A_375, %get3A_376] {strides = array<i32>} : memref<40x512xf32, #tpu.memory_space<vmem>>, vector<1x16xf32>,
            %get3A_378 = vector.shape_cast %get3A_377 : vector<1x16xf32> to vector<16xf32>
            %swap3A_379 = arith.constant 40 : i32
            %swap3A_380 = arith.constant 0 : i32
            %swap3A_381 = tpu.memref_slice %arg9[%swap3A_379, %swap3A_380] : memref<80x512xf32, #tpu.memory_space<vmem>> -> memref<40x512xf32, #tpu.memory_space<vmem>>
            %swap3A_382 = arith.index_cast %scan3A_148 : i32 to index
            %swap3A_383 = arith.constant 304 : index
            %swap3A_384 = tpu.vector_load %swap3A_381[%swap3A_382, %swap3A_383] {strides = array<i32>} : memref<40x512xf32, #tpu.memory_space<vmem>>, vector<1x16xf32>,
            %swap3A_385 = vector.shape_cast %swap3A_384 : vector<1x16xf32> to vector<16xf32>
            %swap3A_386 = vector.shape_cast %get3A_378 : vector<16xf32> to vector<1x16xf32>
            tpu.vector_store %swap3A_381[%swap3A_382, %swap3A_383], %swap3A_386 {add = true, strides = array<i32>} : memref<40x512xf32, #tpu.memory_space<vmem>>, vector<1x16xf32>,
            %get3A_387 = arith.index_cast %scan3A_148 : i32 to index
            %get3A_388 = arith.constant 320 : index
            %get3A_389 = tpu.vector_load %arg7[%get3A_387, %get3A_388] {strides = array<i32>} : memref<40x512xf32, #tpu.memory_space<vmem>>, vector<1x16xf32>,
            %get3A_390 = vector.shape_cast %get3A_389 : vector<1x16xf32> to vector<16xf32>
            %swap3A_391 = arith.constant 40 : i32
            %swap3A_392 = arith.constant 0 : i32
            %swap3A_393 = tpu.memref_slice %arg9[%swap3A_391, %swap3A_392] : memref<80x512xf32, #tpu.memory_space<vmem>> -> memref<40x512xf32, #tpu.memory_space<vmem>>
            %swap3A_394 = arith.index_cast %scan3A_148 : i32 to index
            %swap3A_395 = arith.constant 320 : index
            %swap3A_396 = tpu.vector_load %swap3A_393[%swap3A_394, %swap3A_395] {strides = array<i32>} : memref<40x512xf32, #tpu.memory_space<vmem>>, vector<1x16xf32>,
            %swap3A_397 = vector.shape_cast %swap3A_396 : vector<1x16xf32> to vector<16xf32>
            %swap3A_398 = vector.shape_cast %get3A_390 : vector<16xf32> to vector<1x16xf32>
            tpu.vector_store %swap3A_393[%swap3A_394, %swap3A_395], %swap3A_398 {add = true, strides = array<i32>} : memref<40x512xf32, #tpu.memory_space<vmem>>, vector<1x16xf32>,
            %get3A_399 = arith.index_cast %scan3A_148 : i32 to index
            %get3A_400 = arith.constant 336 : index
            %get3A_401 = tpu.vector_load %arg7[%get3A_399, %get3A_400] {strides = array<i32>} : memref<40x512xf32, #tpu.memory_space<vmem>>, vector<1x16xf32>,
            %get3A_402 = vector.shape_cast %get3A_401 : vector<1x16xf32> to vector<16xf32>
            %swap3A_403 = arith.constant 40 : i32
            %swap3A_404 = arith.constant 0 : i32
            %swap3A_405 = tpu.memref_slice %arg9[%swap3A_403, %swap3A_404] : memref<80x512xf32, #tpu.memory_space<vmem>> -> memref<40x512xf32, #tpu.memory_space<vmem>>
            %swap3A_406 = arith.index_cast %scan3A_148 : i32 to index
            %swap3A_407 = arith.constant 336 : index
            %swap3A_408 = tpu.vector_load %swap3A_405[%swap3A_406, %swap3A_407] {strides = array<i32>} : memref<40x512xf32, #tpu.memory_space<vmem>>, vector<1x16xf32>,
            %swap3A_409 = vector.shape_cast %swap3A_408 : vector<1x16xf32> to vector<16xf32>
            %swap3A_410 = vector.shape_cast %get3A_402 : vector<16xf32> to vector<1x16xf32>
            tpu.vector_store %swap3A_405[%swap3A_406, %swap3A_407], %swap3A_410 {add = true, strides = array<i32>} : memref<40x512xf32, #tpu.memory_space<vmem>>, vector<1x16xf32>,
            %get3A_411 = arith.index_cast %scan3A_148 : i32 to index
            %get3A_412 = arith.constant 352 : index
            %get3A_413 = tpu.vector_load %arg7[%get3A_411, %get3A_412] {strides = array<i32>} : memref<40x512xf32, #tpu.memory_space<vmem>>, vector<1x16xf32>,
            %get3A_414 = vector.shape_cast %get3A_413 : vector<1x16xf32> to vector<16xf32>
            %swap3A_415 = arith.constant 40 : i32
            %swap3A_416 = arith.constant 0 : i32
            %swap3A_417 = tpu.memref_slice %arg9[%swap3A_415, %swap3A_416] : memref<80x512xf32, #tpu.memory_space<vmem>> -> memref<40x512xf32, #tpu.memory_space<vmem>>
            %swap3A_418 = arith.index_cast %scan3A_148 : i32 to index
            %swap3A_419 = arith.constant 352 : index
            %swap3A_420 = tpu.vector_load %swap3A_417[%swap3A_418, %swap3A_419] {strides = array<i32>} : memref<40x512xf32, #tpu.memory_space<vmem>>, vector<1x16xf32>,
            %swap3A_421 = vector.shape_cast %swap3A_420 : vector<1x16xf32> to vector<16xf32>
            %swap3A_422 = vector.shape_cast %get3A_414 : vector<16xf32> to vector<1x16xf32>
            tpu.vector_store %swap3A_417[%swap3A_418, %swap3A_419], %swap3A_422 {add = true, strides = array<i32>} : memref<40x512xf32, #tpu.memory_space<vmem>>, vector<1x16xf32>,
            %get3A_423 = arith.index_cast %scan3A_148 : i32 to index
            %get3A_424 = arith.constant 368 : index
            %get3A_425 = tpu.vector_load %arg7[%get3A_423, %get3A_424] {strides = array<i32>} : memref<40x512xf32, #tpu.memory_space<vmem>>, vector<1x16xf32>,
            %get3A_426 = vector.shape_cast %get3A_425 : vector<1x16xf32> to vector<16xf32>
            %swap3A_427 = arith.constant 40 : i32
            %swap3A_428 = arith.constant 0 : i32
            %swap3A_429 = tpu.memref_slice %arg9[%swap3A_427, %swap3A_428] : memref<80x512xf32, #tpu.memory_space<vmem>> -> memref<40x512xf32, #tpu.memory_space<vmem>>
            %swap3A_430 = arith.index_cast %scan3A_148 : i32 to index
            %swap3A_431 = arith.constant 368 : index
            %swap3A_432 = tpu.vector_load %swap3A_429[%swap3A_430, %swap3A_431] {strides = array<i32>} : memref<40x512xf32, #tpu.memory_space<vmem>>, vector<1x16xf32>,
            %swap3A_433 = vector.shape_cast %swap3A_432 : vector<1x16xf32> to vector<16xf32>
            %swap3A_434 = vector.shape_cast %get3A_426 : vector<16xf32> to vector<1x16xf32>
            tpu.vector_store %swap3A_429[%swap3A_430, %swap3A_431], %swap3A_434 {add = true, strides = array<i32>} : memref<40x512xf32, #tpu.memory_space<vmem>>, vector<1x16xf32>,
            %get3A_435 = arith.index_cast %scan3A_148 : i32 to index
            %get3A_436 = arith.constant 384 : index
            %get3A_437 = tpu.vector_load %arg7[%get3A_435, %get3A_436] {strides = array<i32>} : memref<40x512xf32, #tpu.memory_space<vmem>>, vector<1x16xf32>,
            %get3A_438 = vector.shape_cast %get3A_437 : vector<1x16xf32> to vector<16xf32>
            %swap3A_439 = arith.constant 40 : i32
            %swap3A_440 = arith.constant 0 : i32
            %swap3A_441 = tpu.memref_slice %arg9[%swap3A_439, %swap3A_440] : memref<80x512xf32, #tpu.memory_space<vmem>> -> memref<40x512xf32, #tpu.memory_space<vmem>>
            %swap3A_442 = arith.index_cast %scan3A_148 : i32 to index
            %swap3A_443 = arith.constant 384 : index
            %swap3A_444 = tpu.vector_load %swap3A_441[%swap3A_442, %swap3A_443] {strides = array<i32>} : memref<40x512xf32, #tpu.memory_space<vmem>>, vector<1x16xf32>,
            %swap3A_445 = vector.shape_cast %swap3A_444 : vector<1x16xf32> to vector<16xf32>
            %swap3A_446 = vector.shape_cast %get3A_438 : vector<16xf32> to vector<1x16xf32>
            tpu.vector_store %swap3A_441[%swap3A_442, %swap3A_443], %swap3A_446 {add = true, strides = array<i32>} : memref<40x512xf32, #tpu.memory_space<vmem>>, vector<1x16xf32>,
            %get3A_447 = arith.index_cast %scan3A_148 : i32 to index
            %get3A_448 = arith.constant 400 : index
            %get3A_449 = tpu.vector_load %arg7[%get3A_447, %get3A_448] {strides = array<i32>} : memref<40x512xf32, #tpu.memory_space<vmem>>, vector<1x16xf32>,
            %get3A_450 = vector.shape_cast %get3A_449 : vector<1x16xf32> to vector<16xf32>
            %swap3A_451 = arith.constant 40 : i32
            %swap3A_452 = arith.constant 0 : i32
            %swap3A_453 = tpu.memref_slice %arg9[%swap3A_451, %swap3A_452] : memref<80x512xf32, #tpu.memory_space<vmem>> -> memref<40x512xf32, #tpu.memory_space<vmem>>
            %swap3A_454 = arith.index_cast %scan3A_148 : i32 to index
            %swap3A_455 = arith.constant 400 : index
            %swap3A_456 = tpu.vector_load %swap3A_453[%swap3A_454, %swap3A_455] {strides = array<i32>} : memref<40x512xf32, #tpu.memory_space<vmem>>, vector<1x16xf32>,
            %swap3A_457 = vector.shape_cast %swap3A_456 : vector<1x16xf32> to vector<16xf32>
            %swap3A_458 = vector.shape_cast %get3A_450 : vector<16xf32> to vector<1x16xf32>
            tpu.vector_store %swap3A_453[%swap3A_454, %swap3A_455], %swap3A_458 {add = true, strides = array<i32>} : memref<40x512xf32, #tpu.memory_space<vmem>>, vector<1x16xf32>,
            %get3A_459 = arith.index_cast %scan3A_148 : i32 to index
            %get3A_460 = arith.constant 416 : index
            %get3A_461 = tpu.vector_load %arg7[%get3A_459, %get3A_460] {strides = array<i32>} : memref<40x512xf32, #tpu.memory_space<vmem>>, vector<1x16xf32>,
            %get3A_462 = vector.shape_cast %get3A_461 : vector<1x16xf32> to vector<16xf32>
            %swap3A_463 = arith.constant 40 : i32
            %swap3A_464 = arith.constant 0 : i32
            %swap3A_465 = tpu.memref_slice %arg9[%swap3A_463, %swap3A_464] : memref<80x512xf32, #tpu.memory_space<vmem>> -> memref<40x512xf32, #tpu.memory_space<vmem>>
            %swap3A_466 = arith.index_cast %scan3A_148 : i32 to index
            %swap3A_467 = arith.constant 416 : index
            %swap3A_468 = tpu.vector_load %swap3A_465[%swap3A_466, %swap3A_467] {strides = array<i32>} : memref<40x512xf32, #tpu.memory_space<vmem>>, vector<1x16xf32>,
            %swap3A_469 = vector.shape_cast %swap3A_468 : vector<1x16xf32> to vector<16xf32>
            %swap3A_470 = vector.shape_cast %get3A_462 : vector<16xf32> to vector<1x16xf32>
            tpu.vector_store %swap3A_465[%swap3A_466, %swap3A_467], %swap3A_470 {add = true, strides = array<i32>} : memref<40x512xf32, #tpu.memory_space<vmem>>, vector<1x16xf32>,
            %get3A_471 = arith.index_cast %scan3A_148 : i32 to index
            %get3A_472 = arith.constant 432 : index
            %get3A_473 = tpu.vector_load %arg7[%get3A_471, %get3A_472] {strides = array<i32>} : memref<40x512xf32, #tpu.memory_space<vmem>>, vector<1x16xf32>,
            %get3A_474 = vector.shape_cast %get3A_473 : vector<1x16xf32> to vector<16xf32>
            %swap3A_475 = arith.constant 40 : i32
            %swap3A_476 = arith.constant 0 : i32
            %swap3A_477 = tpu.memref_slice %arg9[%swap3A_475, %swap3A_476] : memref<80x512xf32, #tpu.memory_space<vmem>> -> memref<40x512xf32, #tpu.memory_space<vmem>>
            %swap3A_478 = arith.index_cast %scan3A_148 : i32 to index
            %swap3A_479 = arith.constant 432 : index
            %swap3A_480 = tpu.vector_load %swap3A_477[%swap3A_478, %swap3A_479] {strides = array<i32>} : memref<40x512xf32, #tpu.memory_space<vmem>>, vector<1x16xf32>,
            %swap3A_481 = vector.shape_cast %swap3A_480 : vector<1x16xf32> to vector<16xf32>
            %swap3A_482 = vector.shape_cast %get3A_474 : vector<16xf32> to vector<1x16xf32>
            tpu.vector_store %swap3A_477[%swap3A_478, %swap3A_479], %swap3A_482 {add = true, strides = array<i32>} : memref<40x512xf32, #tpu.memory_space<vmem>>, vector<1x16xf32>,
            %get3A_483 = arith.index_cast %scan3A_148 : i32 to index
            %get3A_484 = arith.constant 448 : index
            %get3A_485 = tpu.vector_load %arg7[%get3A_483, %get3A_484] {strides = array<i32>} : memref<40x512xf32, #tpu.memory_space<vmem>>, vector<1x16xf32>,
            %get3A_486 = vector.shape_cast %get3A_485 : vector<1x16xf32> to vector<16xf32>
            %swap3A_487 = arith.constant 40 : i32
            %swap3A_488 = arith.constant 0 : i32
            %swap3A_489 = tpu.memref_slice %arg9[%swap3A_487, %swap3A_488] : memref<80x512xf32, #tpu.memory_space<vmem>> -> memref<40x512xf32, #tpu.memory_space<vmem>>
            %swap3A_490 = arith.index_cast %scan3A_148 : i32 to index
            %swap3A_491 = arith.constant 448 : index
            %swap3A_492 = tpu.vector_load %swap3A_489[%swap3A_490, %swap3A_491] {strides = array<i32>} : memref<40x512xf32, #tpu.memory_space<vmem>>, vector<1x16xf32>,
            %swap3A_493 = vector.shape_cast %swap3A_492 : vector<1x16xf32> to vector<16xf32>
            %swap3A_494 = vector.shape_cast %get3A_486 : vector<16xf32> to vector<1x16xf32>
            tpu.vector_store %swap3A_489[%swap3A_490, %swap3A_491], %swap3A_494 {add = true, strides = array<i32>} : memref<40x512xf32, #tpu.memory_space<vmem>>, vector<1x16xf32>,
            %get3A_495 = arith.index_cast %scan3A_148 : i32 to index
            %get3A_496 = arith.constant 464 : index
            %get3A_497 = tpu.vector_load %arg7[%get3A_495, %get3A_496] {strides = array<i32>} : memref<40x512xf32, #tpu.memory_space<vmem>>, vector<1x16xf32>,
            %get3A_498 = vector.shape_cast %get3A_497 : vector<1x16xf32> to vector<16xf32>
            %swap3A_499 = arith.constant 40 : i32
            %swap3A_500 = arith.constant 0 : i32
            %swap3A_501 = tpu.memref_slice %arg9[%swap3A_499, %swap3A_500] : memref<80x512xf32, #tpu.memory_space<vmem>> -> memref<40x512xf32, #tpu.memory_space<vmem>>
            %swap3A_502 = arith.index_cast %scan3A_148 : i32 to index
            %swap3A_503 = arith.constant 464 : index
            %swap3A_504 = tpu.vector_load %swap3A_501[%swap3A_502, %swap3A_503] {strides = array<i32>} : memref<40x512xf32, #tpu.memory_space<vmem>>, vector<1x16xf32>,
            %swap3A_505 = vector.shape_cast %swap3A_504 : vector<1x16xf32> to vector<16xf32>
            %swap3A_506 = vector.shape_cast %get3A_498 : vector<16xf32> to vector<1x16xf32>
            tpu.vector_store %swap3A_501[%swap3A_502, %swap3A_503], %swap3A_506 {add = true, strides = array<i32>} : memref<40x512xf32, #tpu.memory_space<vmem>>, vector<1x16xf32>,
            %get3A_507 = arith.index_cast %scan3A_148 : i32 to index
            %get3A_508 = arith.constant 480 : index
            %get3A_509 = tpu.vector_load %arg7[%get3A_507, %get3A_508] {strides = array<i32>} : memref<40x512xf32, #tpu.memory_space<vmem>>, vector<1x16xf32>,
            %get3A_510 = vector.shape_cast %get3A_509 : vector<1x16xf32> to vector<16xf32>
            %swap3A_511 = arith.constant 40 : i32
            %swap3A_512 = arith.constant 0 : i32
            %swap3A_513 = tpu.memref_slice %arg9[%swap3A_511, %swap3A_512] : memref<80x512xf32, #tpu.memory_space<vmem>> -> memref<40x512xf32, #tpu.memory_space<vmem>>
            %swap3A_514 = arith.index_cast %scan3A_148 : i32 to index
            %swap3A_515 = arith.constant 480 : index
            %swap3A_516 = tpu.vector_load %swap3A_513[%swap3A_514, %swap3A_515] {strides = array<i32>} : memref<40x512xf32, #tpu.memory_space<vmem>>, vector<1x16xf32>,
            %swap3A_517 = vector.shape_cast %swap3A_516 : vector<1x16xf32> to vector<16xf32>
            %swap3A_518 = vector.shape_cast %get3A_510 : vector<16xf32> to vector<1x16xf32>
            tpu.vector_store %swap3A_513[%swap3A_514, %swap3A_515], %swap3A_518 {add = true, strides = array<i32>} : memref<40x512xf32, #tpu.memory_space<vmem>>, vector<1x16xf32>,
            %get3A_519 = arith.index_cast %scan3A_148 : i32 to index
            %get3A_520 = arith.constant 496 : index
            %get3A_521 = tpu.vector_load %arg7[%get3A_519, %get3A_520] {strides = array<i32>} : memref<40x512xf32, #tpu.memory_space<vmem>>, vector<1x16xf32>,
            %get3A_522 = vector.shape_cast %get3A_521 : vector<1x16xf32> to vector<16xf32>
            %swap3A_523 = arith.constant 40 : i32
            %swap3A_524 = arith.constant 0 : i32
            %swap3A_525 = tpu.memref_slice %arg9[%swap3A_523, %swap3A_524] : memref<80x512xf32, #tpu.memory_space<vmem>> -> memref<40x512xf32, #tpu.memory_space<vmem>>
            %swap3A_526 = arith.index_cast %scan3A_148 : i32 to index
            %swap3A_527 = arith.constant 496 : index
            %swap3A_528 = tpu.vector_load %swap3A_525[%swap3A_526, %swap3A_527] {strides = array<i32>} : memref<40x512xf32, #tpu.memory_space<vmem>>, vector<1x16xf32>,
            %swap3A_529 = vector.shape_cast %swap3A_528 : vector<1x16xf32> to vector<16xf32>
            %swap3A_530 = vector.shape_cast %get3A_522 : vector<16xf32> to vector<1x16xf32>
            tpu.vector_store %swap3A_525[%swap3A_526, %swap3A_527], %swap3A_530 {add = true, strides = array<i32>} : memref<40x512xf32, #tpu.memory_space<vmem>>, vector<1x16xf32>,
          }
          %scan3A_132 = arith.constant 40 : i32
          %mul3A_133 = arith.constant 200 : i32
          %mul3A_134 = arith.muli %sub3A_85, %mul3A_133 : i32
          %add3A_135 = arith.addi %mul3A_2, %mul3A_134 : i32
          %mul3A_136 = arith.constant 40 : i32
          %mul3A_137 = arith.muli %scan3A_57, %mul3A_136 : i32
          %add3A_138 = arith.addi %add3A_135, %mul3A_137 : i32
          %dma_start3A = arith.constant 40 : i32
          %dma_start3A_139 = arith.constant 0 : i32
          %dma_start3A_140 = tpu.memref_slice %arg9[%dma_start3A, %dma_start3A_139] : memref<80x512xf32, #tpu.memory_space<vmem>> -> memref<40x512xf32, #tpu.memory_space<vmem>>
          %dma_start3A_141 = arith.constant 0 : i32
          %dma_start3A_142 = tpu.memref_slice %arg5[%add3A_138, %dma_start3A_141] : memref<204800x512xf32, #tpu.memory_space<hbm>> -> memref<40x512xf32, #tpu.memory_space<hbm>>
          %dma_start3A_143 = arith.constant 0 : i32
          %dma_start3A_144 = tpu.memref_slice %arg5[%add3A_138, %dma_start3A_143] : memref<204800x512xf32, #tpu.memory_space<hbm>> -> memref<40x512xf32, #tpu.memory_space<hbm>>
          %dma_start3A_145 = arith.constant 40 : i32
          %dma_start3A_146 = arith.constant 0 : i32
          %dma_start3A_147 = tpu.memref_slice %arg9[%dma_start3A_145, %dma_start3A_146] : memref<80x512xf32, #tpu.memory_space<vmem>> -> memref<40x512xf32, #tpu.memory_space<vmem>>
          tpu.enqueue_dma source(%dma_start3A_147 : memref<40x512xf32, #tpu.memory_space<vmem>>) target(%dma_start3A_144 : memref<40x512xf32, #tpu.memory_space<hbm>>) target_semaphore(%arg15 : memref<!tpu.dma_semaphore, #tpu.memory_space<semaphore_mem>>)
        } else {
        }
        %mul3A_94 = arith.constant 4 : i32
        %mul3A_95 = arith.muli %scan3A_66, %mul3A_94 : i32
        %add3A_96 = arith.constant 2 : i32
        %add3A_97 = arith.addi %mul3A_95, %add3A_96 : i32
        %sub3A_98 = arith.constant 2 : i32
        %sub3A_99 = arith.subi %add3A_97, %sub3A_98 : i32
        %lt3A_100 = arith.constant 32 : i32
        %lt3A_101 = arith.cmpi slt, %add3A_97, %lt3A_100 : i32
        %convert_element_type3A_102 = arith.extui %lt3A_101 : i1 to i32
        %cond3A_103 = arith.constant 0 : i32
        %cond3A_104 = arith.cmpi ne, %convert_element_type3A_102, %cond3A_103 : i32
        scf.if %cond3A_104 {
          %mul3A_127 = arith.constant 32 : i32
          %mul3A_128 = arith.muli %scan3A_57, %mul3A_127 : i32
          %add3A_129 = arith.addi %mul3A_128, %add3A_97 : i32
          %ge3A_130 = arith.constant 4 : i32
          %ge3A_131 = arith.cmpi sge, %add3A_129, %ge3A_130 : i32
          %convert_element_type3A_132 = arith.extui %ge3A_131 : i1 to i32
          %cond3A_133 = arith.constant 0 : i32
          %cond3A_134 = arith.cmpi ne, %convert_element_type3A_132, %cond3A_133 : i32
          scf.if %cond3A_134 {
            %dma_wait3A_161 = arith.constant 0 : i32
            %dma_wait3A_162 = arith.constant 0 : i32
            %dma_wait3A_163 = tpu.memref_slice %arg9[%dma_wait3A_161, %dma_wait3A_162] : memref<80x512xf32, #tpu.memory_space<vmem>> -> memref<40x512xf32, #tpu.memory_space<vmem>>
            %dma_wait3A_164 = arith.constant 0 : i32
            %dma_wait3A_165 = arith.constant 0 : i32
            %dma_wait3A_166 = tpu.memref_slice %arg5[%dma_wait3A_164, %dma_wait3A_165] : memref<204800x512xf32, #tpu.memory_space<hbm>> -> memref<40x512xf32, #tpu.memory_space<hbm>>
            %dma_wait3A_167 = arith.constant 0 : i32
            %dma_wait3A_168 = arith.constant 0 : i32
            %dma_wait3A_169 = tpu.memref_slice %arg5[%dma_wait3A_167, %dma_wait3A_168] : memref<204800x512xf32, #tpu.memory_space<hbm>> -> memref<40x512xf32, #tpu.memory_space<hbm>>
            %dma_wait3A_170 = arith.constant 0 : i32
            %dma_wait3A_171 = arith.constant 0 : i32
            %dma_wait3A_172 = tpu.memref_slice %arg9[%dma_wait3A_170, %dma_wait3A_171] : memref<80x512xf32, #tpu.memory_space<vmem>> -> memref<40x512xf32, #tpu.memory_space<vmem>>
            tpu.wait_dma2 semaphore(%arg14 : memref<!tpu.dma_semaphore, #tpu.memory_space<semaphore_mem>>) src(%dma_wait3A_172 : memref<40x512xf32, #tpu.memory_space<vmem>>) dst(%dma_wait3A_169 : memref<40x512xf32, #tpu.memory_space<hbm>>)
            %dma_wait3A_173 = arith.constant 40 : i32
            %dma_wait3A_174 = arith.constant 0 : i32
            %dma_wait3A_175 = tpu.memref_slice %arg9[%dma_wait3A_173, %dma_wait3A_174] : memref<80x512xf32, #tpu.memory_space<vmem>> -> memref<40x512xf32, #tpu.memory_space<vmem>>
            %dma_wait3A_176 = arith.constant 0 : i32
            %dma_wait3A_177 = arith.constant 0 : i32
            %dma_wait3A_178 = tpu.memref_slice %arg5[%dma_wait3A_176, %dma_wait3A_177] : memref<204800x512xf32, #tpu.memory_space<hbm>> -> memref<40x512xf32, #tpu.memory_space<hbm>>
            %dma_wait3A_179 = arith.constant 0 : i32
            %dma_wait3A_180 = arith.constant 0 : i32
            %dma_wait3A_181 = tpu.memref_slice %arg5[%dma_wait3A_179, %dma_wait3A_180] : memref<204800x512xf32, #tpu.memory_space<hbm>> -> memref<40x512xf32, #tpu.memory_space<hbm>>
            %dma_wait3A_182 = arith.constant 40 : i32
            %dma_wait3A_183 = arith.constant 0 : i32
            %dma_wait3A_184 = tpu.memref_slice %arg9[%dma_wait3A_182, %dma_wait3A_183] : memref<80x512xf32, #tpu.memory_space<vmem>> -> memref<40x512xf32, #tpu.memory_space<vmem>>
            tpu.wait_dma2 semaphore(%arg15 : memref<!tpu.dma_semaphore, #tpu.memory_space<semaphore_mem>>) src(%dma_wait3A_184 : memref<40x512xf32, #tpu.memory_space<vmem>>) dst(%dma_wait3A_181 : memref<40x512xf32, #tpu.memory_space<hbm>>)
          } else {
          }
          %jit3A = arith.constant 2 : i32
          %div3A = arith.divsi %add3A_97, %jit3A : i32
          %sign3A = arith.constant 0 : i32
          %sign3A_135 = arith.cmpi sgt, %add3A_97, %sign3A : i32
          %sign3A_136 = arith.extui %sign3A_135 : i1 to i32
          %sign3A_137 = arith.constant 0 : i32
          %sign3A_138 = arith.cmpi slt, %add3A_97, %sign3A_137 : i32
          %sign3A_139 = arith.extui %sign3A_138 : i1 to i32
          %sign3A_140 = arith.subi %sign3A_136, %sign3A_139 : i32
          %sign3A_141 = arith.constant 0 : i32
          %sign3A_142 = arith.cmpi sgt, %jit3A, %sign3A_141 : i32
          %sign3A_143 = arith.extui %sign3A_142 : i1 to i32
          %sign3A_144 = arith.constant 0 : i32
          %sign3A_145 = arith.cmpi slt, %jit3A, %sign3A_144 : i32
          %sign3A_146 = arith.extui %sign3A_145 : i1 to i32
          %sign3A_147 = arith.subi %sign3A_143, %sign3A_146 : i32
          %ne3A = arith.cmpi ne, %sign3A_140, %sign3A_147 : i32
          %rem3A = arith.remsi %add3A_97, %jit3A : i32
          %ne3A_148 = arith.constant 0 : i32
          %ne3A_149 = arith.cmpi ne, %rem3A, %ne3A_148 : i32
          %and3A_150 = arith.andi %ne3A, %ne3A_149 : i1
          %sub3A_151 = arith.constant 1 : i32
          %sub3A_152 = arith.subi %div3A, %sub3A_151 : i32
          %select_n3A = arith.select %and3A_150, %sub3A_152, %div3A : i32
          %mul3A_153 = arith.constant 5 : i32
          %mul3A_154 = arith.muli %select_n3A, %mul3A_153 : i32
          %add3A_155 = arith.addi %mul3A_154, %scan3A_57 : i32
          %dma_start3A = arith.constant 0 : i32
          %dma_start3A_156 = tpu.memref_slice %arg6[%add3A_155, %dma_start3A] : memref<80x80xi32, #tpu.memory_space<vmem>> -> memref<1x80xi32, #tpu.memory_space<vmem>>
          %dma_start3A_157 = tpu.memref_squeeze %dma_start3A_156 : memref<1x80xi32, #tpu.memory_space<vmem>> -> memref<80xi32, #tpu.memory_space<vmem>>
          %dma_start3A_158 = arith.constant 0 : i32
          %dma_start3A_159 = arith.constant 0 : i32
          %dma_start3A_160 = tpu.memref_slice %arg2[%dma_start3A_158, %dma_start3A_159] : memref<100000x512xf32, #tpu.memory_space<hbm>> -> memref<100000x512xf32, #tpu.memory_space<hbm>>
          tpu.enqueue_indirect_dma source(%dma_start3A_160 : memref<100000x512xf32, #tpu.memory_space<hbm>>) target(%arg9 : memref<80x512xf32, #tpu.memory_space<vmem>>) offsets(%dma_start3A_157 : memref<80xi32, #tpu.memory_space<vmem>>) semaphore(%arg11 : memref<!tpu.dma_semaphore, #tpu.memory_space<semaphore_mem>>)
        } else {
        }
        %ge3A_105 = arith.constant 0 : i32
        %ge3A_106 = arith.cmpi sge, %sub3A_99, %ge3A_105 : i32
        %lt3A_107 = arith.constant 32 : i32
        %lt3A_108 = arith.cmpi slt, %sub3A_99, %lt3A_107 : i32
        %and3A_109 = arith.andi %ge3A_106, %lt3A_108 : i1
        %convert_element_type3A_110 = arith.extui %and3A_109 : i1 to i32
        %cond3A_111 = arith.constant 0 : i32
        %cond3A_112 = arith.cmpi ne, %convert_element_type3A_110, %cond3A_111 : i32
        scf.if %cond3A_112 {
          %dma_wait3A_127 = arith.constant 0 : i32
          %dma_wait3A_128 = arith.constant 0 : i32
          %dma_wait3A_129 = tpu.memref_slice %arg2[%dma_wait3A_127, %dma_wait3A_128] : memref<100000x512xf32, #tpu.memory_space<hbm>> -> memref<80x512xf32, #tpu.memory_space<hbm>>
          %dma_wait3A_130 = arith.constant 0 : i32
          %dma_wait3A_131 = arith.constant 0 : i32
          %dma_wait3A_132 = tpu.memref_slice %arg2[%dma_wait3A_130, %dma_wait3A_131] : memref<100000x512xf32, #tpu.memory_space<hbm>> -> memref<80x512xf32, #tpu.memory_space<hbm>>
          tpu.wait_dma2 semaphore(%arg10 : memref<!tpu.dma_semaphore, #tpu.memory_space<semaphore_mem>>) src(%dma_wait3A_132 : memref<80x512xf32, #tpu.memory_space<hbm>>) dst(%arg8 : memref<80x512xf32, #tpu.memory_space<vmem>>)
          %scan3A_133 = arith.constant 0 : i32
          %scan3A_134 = arith.constant 0 : i32
          %scan3A_135 = arith.constant 40 : i32
          %scan3A_136 = arith.addi %scan3A_134, %scan3A_135 : i32
          %scan3A_137 = arith.constant 1 : i32
          scf.for %scan3A_154 = %scan3A_134 to %scan3A_136 step %scan3A_137  : i32 {
            %get3A = arith.index_cast %scan3A_154 : i32 to index
            %get3A_155 = arith.constant 0 : index
            %get3A_156 = tpu.vector_load %arg7[%get3A, %get3A_155] {strides = array<i32>} : memref<40x512xf32, #tpu.memory_space<vmem>>, vector<1x16xf32>,
            %get3A_157 = vector.shape_cast %get3A_156 : vector<1x16xf32> to vector<16xf32>
            %swap3A = arith.constant 0 : i32
            %swap3A_158 = arith.constant 0 : i32
            %swap3A_159 = tpu.memref_slice %arg8[%swap3A, %swap3A_158] : memref<80x512xf32, #tpu.memory_space<vmem>> -> memref<40x512xf32, #tpu.memory_space<vmem>>
            %swap3A_160 = arith.index_cast %scan3A_154 : i32 to index
            %swap3A_161 = arith.constant 0 : index
            %swap3A_162 = tpu.vector_load %swap3A_159[%swap3A_160, %swap3A_161] {strides = array<i32>} : memref<40x512xf32, #tpu.memory_space<vmem>>, vector<1x16xf32>,
            %swap3A_163 = vector.shape_cast %swap3A_162 : vector<1x16xf32> to vector<16xf32>
            %swap3A_164 = vector.shape_cast %get3A_157 : vector<16xf32> to vector<1x16xf32>
            tpu.vector_store %swap3A_159[%swap3A_160, %swap3A_161], %swap3A_164 {add = true, strides = array<i32>} : memref<40x512xf32, #tpu.memory_space<vmem>>, vector<1x16xf32>,
            %get3A_165 = arith.index_cast %scan3A_154 : i32 to index
            %get3A_166 = arith.constant 16 : index
            %get3A_167 = tpu.vector_load %arg7[%get3A_165, %get3A_166] {strides = array<i32>} : memref<40x512xf32, #tpu.memory_space<vmem>>, vector<1x16xf32>,
            %get3A_168 = vector.shape_cast %get3A_167 : vector<1x16xf32> to vector<16xf32>
            %swap3A_169 = arith.constant 0 : i32
            %swap3A_170 = arith.constant 0 : i32
            %swap3A_171 = tpu.memref_slice %arg8[%swap3A_169, %swap3A_170] : memref<80x512xf32, #tpu.memory_space<vmem>> -> memref<40x512xf32, #tpu.memory_space<vmem>>
            %swap3A_172 = arith.index_cast %scan3A_154 : i32 to index
            %swap3A_173 = arith.constant 16 : index
            %swap3A_174 = tpu.vector_load %swap3A_171[%swap3A_172, %swap3A_173] {strides = array<i32>} : memref<40x512xf32, #tpu.memory_space<vmem>>, vector<1x16xf32>,
            %swap3A_175 = vector.shape_cast %swap3A_174 : vector<1x16xf32> to vector<16xf32>
            %swap3A_176 = vector.shape_cast %get3A_168 : vector<16xf32> to vector<1x16xf32>
            tpu.vector_store %swap3A_171[%swap3A_172, %swap3A_173], %swap3A_176 {add = true, strides = array<i32>} : memref<40x512xf32, #tpu.memory_space<vmem>>, vector<1x16xf32>,
            %get3A_177 = arith.index_cast %scan3A_154 : i32 to index
            %get3A_178 = arith.constant 32 : index
            %get3A_179 = tpu.vector_load %arg7[%get3A_177, %get3A_178] {strides = array<i32>} : memref<40x512xf32, #tpu.memory_space<vmem>>, vector<1x16xf32>,
            %get3A_180 = vector.shape_cast %get3A_179 : vector<1x16xf32> to vector<16xf32>
            %swap3A_181 = arith.constant 0 : i32
            %swap3A_182 = arith.constant 0 : i32
            %swap3A_183 = tpu.memref_slice %arg8[%swap3A_181, %swap3A_182] : memref<80x512xf32, #tpu.memory_space<vmem>> -> memref<40x512xf32, #tpu.memory_space<vmem>>
            %swap3A_184 = arith.index_cast %scan3A_154 : i32 to index
            %swap3A_185 = arith.constant 32 : index
            %swap3A_186 = tpu.vector_load %swap3A_183[%swap3A_184, %swap3A_185] {strides = array<i32>} : memref<40x512xf32, #tpu.memory_space<vmem>>, vector<1x16xf32>,
            %swap3A_187 = vector.shape_cast %swap3A_186 : vector<1x16xf32> to vector<16xf32>
            %swap3A_188 = vector.shape_cast %get3A_180 : vector<16xf32> to vector<1x16xf32>
            tpu.vector_store %swap3A_183[%swap3A_184, %swap3A_185], %swap3A_188 {add = true, strides = array<i32>} : memref<40x512xf32, #tpu.memory_space<vmem>>, vector<1x16xf32>,
            %get3A_189 = arith.index_cast %scan3A_154 : i32 to index
            %get3A_190 = arith.constant 48 : index
            %get3A_191 = tpu.vector_load %arg7[%get3A_189, %get3A_190] {strides = array<i32>} : memref<40x512xf32, #tpu.memory_space<vmem>>, vector<1x16xf32>,
            %get3A_192 = vector.shape_cast %get3A_191 : vector<1x16xf32> to vector<16xf32>
            %swap3A_193 = arith.constant 0 : i32
            %swap3A_194 = arith.constant 0 : i32
            %swap3A_195 = tpu.memref_slice %arg8[%swap3A_193, %swap3A_194] : memref<80x512xf32, #tpu.memory_space<vmem>> -> memref<40x512xf32, #tpu.memory_space<vmem>>
            %swap3A_196 = arith.index_cast %scan3A_154 : i32 to index
            %swap3A_197 = arith.constant 48 : index
            %swap3A_198 = tpu.vector_load %swap3A_195[%swap3A_196, %swap3A_197] {strides = array<i32>} : memref<40x512xf32, #tpu.memory_space<vmem>>, vector<1x16xf32>,
            %swap3A_199 = vector.shape_cast %swap3A_198 : vector<1x16xf32> to vector<16xf32>
            %swap3A_200 = vector.shape_cast %get3A_192 : vector<16xf32> to vector<1x16xf32>
            tpu.vector_store %swap3A_195[%swap3A_196, %swap3A_197], %swap3A_200 {add = true, strides = array<i32>} : memref<40x512xf32, #tpu.memory_space<vmem>>, vector<1x16xf32>,
            %get3A_201 = arith.index_cast %scan3A_154 : i32 to index
            %get3A_202 = arith.constant 64 : index
            %get3A_203 = tpu.vector_load %arg7[%get3A_201, %get3A_202] {strides = array<i32>} : memref<40x512xf32, #tpu.memory_space<vmem>>, vector<1x16xf32>,
            %get3A_204 = vector.shape_cast %get3A_203 : vector<1x16xf32> to vector<16xf32>
            %swap3A_205 = arith.constant 0 : i32
            %swap3A_206 = arith.constant 0 : i32
            %swap3A_207 = tpu.memref_slice %arg8[%swap3A_205, %swap3A_206] : memref<80x512xf32, #tpu.memory_space<vmem>> -> memref<40x512xf32, #tpu.memory_space<vmem>>
            %swap3A_208 = arith.index_cast %scan3A_154 : i32 to index
            %swap3A_209 = arith.constant 64 : index
            %swap3A_210 = tpu.vector_load %swap3A_207[%swap3A_208, %swap3A_209] {strides = array<i32>} : memref<40x512xf32, #tpu.memory_space<vmem>>, vector<1x16xf32>,
            %swap3A_211 = vector.shape_cast %swap3A_210 : vector<1x16xf32> to vector<16xf32>
            %swap3A_212 = vector.shape_cast %get3A_204 : vector<16xf32> to vector<1x16xf32>
            tpu.vector_store %swap3A_207[%swap3A_208, %swap3A_209], %swap3A_212 {add = true, strides = array<i32>} : memref<40x512xf32, #tpu.memory_space<vmem>>, vector<1x16xf32>,
            %get3A_213 = arith.index_cast %scan3A_154 : i32 to index
            %get3A_214 = arith.constant 80 : index
            %get3A_215 = tpu.vector_load %arg7[%get3A_213, %get3A_214] {strides = array<i32>} : memref<40x512xf32, #tpu.memory_space<vmem>>, vector<1x16xf32>,
            %get3A_216 = vector.shape_cast %get3A_215 : vector<1x16xf32> to vector<16xf32>
            %swap3A_217 = arith.constant 0 : i32
            %swap3A_218 = arith.constant 0 : i32
            %swap3A_219 = tpu.memref_slice %arg8[%swap3A_217, %swap3A_218] : memref<80x512xf32, #tpu.memory_space<vmem>> -> memref<40x512xf32, #tpu.memory_space<vmem>>
            %swap3A_220 = arith.index_cast %scan3A_154 : i32 to index
            %swap3A_221 = arith.constant 80 : index
            %swap3A_222 = tpu.vector_load %swap3A_219[%swap3A_220, %swap3A_221] {strides = array<i32>} : memref<40x512xf32, #tpu.memory_space<vmem>>, vector<1x16xf32>,
            %swap3A_223 = vector.shape_cast %swap3A_222 : vector<1x16xf32> to vector<16xf32>
            %swap3A_224 = vector.shape_cast %get3A_216 : vector<16xf32> to vector<1x16xf32>
            tpu.vector_store %swap3A_219[%swap3A_220, %swap3A_221], %swap3A_224 {add = true, strides = array<i32>} : memref<40x512xf32, #tpu.memory_space<vmem>>, vector<1x16xf32>,
            %get3A_225 = arith.index_cast %scan3A_154 : i32 to index
            %get3A_226 = arith.constant 96 : index
            %get3A_227 = tpu.vector_load %arg7[%get3A_225, %get3A_226] {strides = array<i32>} : memref<40x512xf32, #tpu.memory_space<vmem>>, vector<1x16xf32>,
            %get3A_228 = vector.shape_cast %get3A_227 : vector<1x16xf32> to vector<16xf32>
            %swap3A_229 = arith.constant 0 : i32
            %swap3A_230 = arith.constant 0 : i32
            %swap3A_231 = tpu.memref_slice %arg8[%swap3A_229, %swap3A_230] : memref<80x512xf32, #tpu.memory_space<vmem>> -> memref<40x512xf32, #tpu.memory_space<vmem>>
            %swap3A_232 = arith.index_cast %scan3A_154 : i32 to index
            %swap3A_233 = arith.constant 96 : index
            %swap3A_234 = tpu.vector_load %swap3A_231[%swap3A_232, %swap3A_233] {strides = array<i32>} : memref<40x512xf32, #tpu.memory_space<vmem>>, vector<1x16xf32>,
            %swap3A_235 = vector.shape_cast %swap3A_234 : vector<1x16xf32> to vector<16xf32>
            %swap3A_236 = vector.shape_cast %get3A_228 : vector<16xf32> to vector<1x16xf32>
            tpu.vector_store %swap3A_231[%swap3A_232, %swap3A_233], %swap3A_236 {add = true, strides = array<i32>} : memref<40x512xf32, #tpu.memory_space<vmem>>, vector<1x16xf32>,
            %get3A_237 = arith.index_cast %scan3A_154 : i32 to index
            %get3A_238 = arith.constant 112 : index
            %get3A_239 = tpu.vector_load %arg7[%get3A_237, %get3A_238] {strides = array<i32>} : memref<40x512xf32, #tpu.memory_space<vmem>>, vector<1x16xf32>,
            %get3A_240 = vector.shape_cast %get3A_239 : vector<1x16xf32> to vector<16xf32>
            %swap3A_241 = arith.constant 0 : i32
            %swap3A_242 = arith.constant 0 : i32
            %swap3A_243 = tpu.memref_slice %arg8[%swap3A_241, %swap3A_242] : memref<80x512xf32, #tpu.memory_space<vmem>> -> memref<40x512xf32, #tpu.memory_space<vmem>>
            %swap3A_244 = arith.index_cast %scan3A_154 : i32 to index
            %swap3A_245 = arith.constant 112 : index
            %swap3A_246 = tpu.vector_load %swap3A_243[%swap3A_244, %swap3A_245] {strides = array<i32>} : memref<40x512xf32, #tpu.memory_space<vmem>>, vector<1x16xf32>,
            %swap3A_247 = vector.shape_cast %swap3A_246 : vector<1x16xf32> to vector<16xf32>
            %swap3A_248 = vector.shape_cast %get3A_240 : vector<16xf32> to vector<1x16xf32>
            tpu.vector_store %swap3A_243[%swap3A_244, %swap3A_245], %swap3A_248 {add = true, strides = array<i32>} : memref<40x512xf32, #tpu.memory_space<vmem>>, vector<1x16xf32>,
            %get3A_249 = arith.index_cast %scan3A_154 : i32 to index
            %get3A_250 = arith.constant 128 : index
            %get3A_251 = tpu.vector_load %arg7[%get3A_249, %get3A_250] {strides = array<i32>} : memref<40x512xf32, #tpu.memory_space<vmem>>, vector<1x16xf32>,
            %get3A_252 = vector.shape_cast %get3A_251 : vector<1x16xf32> to vector<16xf32>
            %swap3A_253 = arith.constant 0 : i32
            %swap3A_254 = arith.constant 0 : i32
            %swap3A_255 = tpu.memref_slice %arg8[%swap3A_253, %swap3A_254] : memref<80x512xf32, #tpu.memory_space<vmem>> -> memref<40x512xf32, #tpu.memory_space<vmem>>
            %swap3A_256 = arith.index_cast %scan3A_154 : i32 to index
            %swap3A_257 = arith.constant 128 : index
            %swap3A_258 = tpu.vector_load %swap3A_255[%swap3A_256, %swap3A_257] {strides = array<i32>} : memref<40x512xf32, #tpu.memory_space<vmem>>, vector<1x16xf32>,
            %swap3A_259 = vector.shape_cast %swap3A_258 : vector<1x16xf32> to vector<16xf32>
            %swap3A_260 = vector.shape_cast %get3A_252 : vector<16xf32> to vector<1x16xf32>
            tpu.vector_store %swap3A_255[%swap3A_256, %swap3A_257], %swap3A_260 {add = true, strides = array<i32>} : memref<40x512xf32, #tpu.memory_space<vmem>>, vector<1x16xf32>,
            %get3A_261 = arith.index_cast %scan3A_154 : i32 to index
            %get3A_262 = arith.constant 144 : index
            %get3A_263 = tpu.vector_load %arg7[%get3A_261, %get3A_262] {strides = array<i32>} : memref<40x512xf32, #tpu.memory_space<vmem>>, vector<1x16xf32>,
            %get3A_264 = vector.shape_cast %get3A_263 : vector<1x16xf32> to vector<16xf32>
            %swap3A_265 = arith.constant 0 : i32
            %swap3A_266 = arith.constant 0 : i32
            %swap3A_267 = tpu.memref_slice %arg8[%swap3A_265, %swap3A_266] : memref<80x512xf32, #tpu.memory_space<vmem>> -> memref<40x512xf32, #tpu.memory_space<vmem>>
            %swap3A_268 = arith.index_cast %scan3A_154 : i32 to index
            %swap3A_269 = arith.constant 144 : index
            %swap3A_270 = tpu.vector_load %swap3A_267[%swap3A_268, %swap3A_269] {strides = array<i32>} : memref<40x512xf32, #tpu.memory_space<vmem>>, vector<1x16xf32>,
            %swap3A_271 = vector.shape_cast %swap3A_270 : vector<1x16xf32> to vector<16xf32>
            %swap3A_272 = vector.shape_cast %get3A_264 : vector<16xf32> to vector<1x16xf32>
            tpu.vector_store %swap3A_267[%swap3A_268, %swap3A_269], %swap3A_272 {add = true, strides = array<i32>} : memref<40x512xf32, #tpu.memory_space<vmem>>, vector<1x16xf32>,
            %get3A_273 = arith.index_cast %scan3A_154 : i32 to index
            %get3A_274 = arith.constant 160 : index
            %get3A_275 = tpu.vector_load %arg7[%get3A_273, %get3A_274] {strides = array<i32>} : memref<40x512xf32, #tpu.memory_space<vmem>>, vector<1x16xf32>,
            %get3A_276 = vector.shape_cast %get3A_275 : vector<1x16xf32> to vector<16xf32>
            %swap3A_277 = arith.constant 0 : i32
            %swap3A_278 = arith.constant 0 : i32
            %swap3A_279 = tpu.memref_slice %arg8[%swap3A_277, %swap3A_278] : memref<80x512xf32, #tpu.memory_space<vmem>> -> memref<40x512xf32, #tpu.memory_space<vmem>>
            %swap3A_280 = arith.index_cast %scan3A_154 : i32 to index
            %swap3A_281 = arith.constant 160 : index
            %swap3A_282 = tpu.vector_load %swap3A_279[%swap3A_280, %swap3A_281] {strides = array<i32>} : memref<40x512xf32, #tpu.memory_space<vmem>>, vector<1x16xf32>,
            %swap3A_283 = vector.shape_cast %swap3A_282 : vector<1x16xf32> to vector<16xf32>
            %swap3A_284 = vector.shape_cast %get3A_276 : vector<16xf32> to vector<1x16xf32>
            tpu.vector_store %swap3A_279[%swap3A_280, %swap3A_281], %swap3A_284 {add = true, strides = array<i32>} : memref<40x512xf32, #tpu.memory_space<vmem>>, vector<1x16xf32>,
            %get3A_285 = arith.index_cast %scan3A_154 : i32 to index
            %get3A_286 = arith.constant 176 : index
            %get3A_287 = tpu.vector_load %arg7[%get3A_285, %get3A_286] {strides = array<i32>} : memref<40x512xf32, #tpu.memory_space<vmem>>, vector<1x16xf32>,
            %get3A_288 = vector.shape_cast %get3A_287 : vector<1x16xf32> to vector<16xf32>
            %swap3A_289 = arith.constant 0 : i32
            %swap3A_290 = arith.constant 0 : i32
            %swap3A_291 = tpu.memref_slice %arg8[%swap3A_289, %swap3A_290] : memref<80x512xf32, #tpu.memory_space<vmem>> -> memref<40x512xf32, #tpu.memory_space<vmem>>
            %swap3A_292 = arith.index_cast %scan3A_154 : i32 to index
            %swap3A_293 = arith.constant 176 : index
            %swap3A_294 = tpu.vector_load %swap3A_291[%swap3A_292, %swap3A_293] {strides = array<i32>} : memref<40x512xf32, #tpu.memory_space<vmem>>, vector<1x16xf32>,
            %swap3A_295 = vector.shape_cast %swap3A_294 : vector<1x16xf32> to vector<16xf32>
            %swap3A_296 = vector.shape_cast %get3A_288 : vector<16xf32> to vector<1x16xf32>
            tpu.vector_store %swap3A_291[%swap3A_292, %swap3A_293], %swap3A_296 {add = true, strides = array<i32>} : memref<40x512xf32, #tpu.memory_space<vmem>>, vector<1x16xf32>,
            %get3A_297 = arith.index_cast %scan3A_154 : i32 to index
            %get3A_298 = arith.constant 192 : index
            %get3A_299 = tpu.vector_load %arg7[%get3A_297, %get3A_298] {strides = array<i32>} : memref<40x512xf32, #tpu.memory_space<vmem>>, vector<1x16xf32>,
            %get3A_300 = vector.shape_cast %get3A_299 : vector<1x16xf32> to vector<16xf32>
            %swap3A_301 = arith.constant 0 : i32
            %swap3A_302 = arith.constant 0 : i32
            %swap3A_303 = tpu.memref_slice %arg8[%swap3A_301, %swap3A_302] : memref<80x512xf32, #tpu.memory_space<vmem>> -> memref<40x512xf32, #tpu.memory_space<vmem>>
            %swap3A_304 = arith.index_cast %scan3A_154 : i32 to index
            %swap3A_305 = arith.constant 192 : index
            %swap3A_306 = tpu.vector_load %swap3A_303[%swap3A_304, %swap3A_305] {strides = array<i32>} : memref<40x512xf32, #tpu.memory_space<vmem>>, vector<1x16xf32>,
            %swap3A_307 = vector.shape_cast %swap3A_306 : vector<1x16xf32> to vector<16xf32>
            %swap3A_308 = vector.shape_cast %get3A_300 : vector<16xf32> to vector<1x16xf32>
            tpu.vector_store %swap3A_303[%swap3A_304, %swap3A_305], %swap3A_308 {add = true, strides = array<i32>} : memref<40x512xf32, #tpu.memory_space<vmem>>, vector<1x16xf32>,
            %get3A_309 = arith.index_cast %scan3A_154 : i32 to index
            %get3A_310 = arith.constant 208 : index
            %get3A_311 = tpu.vector_load %arg7[%get3A_309, %get3A_310] {strides = array<i32>} : memref<40x512xf32, #tpu.memory_space<vmem>>, vector<1x16xf32>,
            %get3A_312 = vector.shape_cast %get3A_311 : vector<1x16xf32> to vector<16xf32>
            %swap3A_313 = arith.constant 0 : i32
            %swap3A_314 = arith.constant 0 : i32
            %swap3A_315 = tpu.memref_slice %arg8[%swap3A_313, %swap3A_314] : memref<80x512xf32, #tpu.memory_space<vmem>> -> memref<40x512xf32, #tpu.memory_space<vmem>>
            %swap3A_316 = arith.index_cast %scan3A_154 : i32 to index
            %swap3A_317 = arith.constant 208 : index
            %swap3A_318 = tpu.vector_load %swap3A_315[%swap3A_316, %swap3A_317] {strides = array<i32>} : memref<40x512xf32, #tpu.memory_space<vmem>>, vector<1x16xf32>,
            %swap3A_319 = vector.shape_cast %swap3A_318 : vector<1x16xf32> to vector<16xf32>
            %swap3A_320 = vector.shape_cast %get3A_312 : vector<16xf32> to vector<1x16xf32>
            tpu.vector_store %swap3A_315[%swap3A_316, %swap3A_317], %swap3A_320 {add = true, strides = array<i32>} : memref<40x512xf32, #tpu.memory_space<vmem>>, vector<1x16xf32>,
            %get3A_321 = arith.index_cast %scan3A_154 : i32 to index
            %get3A_322 = arith.constant 224 : index
            %get3A_323 = tpu.vector_load %arg7[%get3A_321, %get3A_322] {strides = array<i32>} : memref<40x512xf32, #tpu.memory_space<vmem>>, vector<1x16xf32>,
            %get3A_324 = vector.shape_cast %get3A_323 : vector<1x16xf32> to vector<16xf32>
            %swap3A_325 = arith.constant 0 : i32
            %swap3A_326 = arith.constant 0 : i32
            %swap3A_327 = tpu.memref_slice %arg8[%swap3A_325, %swap3A_326] : memref<80x512xf32, #tpu.memory_space<vmem>> -> memref<40x512xf32, #tpu.memory_space<vmem>>
            %swap3A_328 = arith.index_cast %scan3A_154 : i32 to index
            %swap3A_329 = arith.constant 224 : index
            %swap3A_330 = tpu.vector_load %swap3A_327[%swap3A_328, %swap3A_329] {strides = array<i32>} : memref<40x512xf32, #tpu.memory_space<vmem>>, vector<1x16xf32>,
            %swap3A_331 = vector.shape_cast %swap3A_330 : vector<1x16xf32> to vector<16xf32>
            %swap3A_332 = vector.shape_cast %get3A_324 : vector<16xf32> to vector<1x16xf32>
            tpu.vector_store %swap3A_327[%swap3A_328, %swap3A_329], %swap3A_332 {add = true, strides = array<i32>} : memref<40x512xf32, #tpu.memory_space<vmem>>, vector<1x16xf32>,
            %get3A_333 = arith.index_cast %scan3A_154 : i32 to index
            %get3A_334 = arith.constant 240 : index
            %get3A_335 = tpu.vector_load %arg7[%get3A_333, %get3A_334] {strides = array<i32>} : memref<40x512xf32, #tpu.memory_space<vmem>>, vector<1x16xf32>,
            %get3A_336 = vector.shape_cast %get3A_335 : vector<1x16xf32> to vector<16xf32>
            %swap3A_337 = arith.constant 0 : i32
            %swap3A_338 = arith.constant 0 : i32
            %swap3A_339 = tpu.memref_slice %arg8[%swap3A_337, %swap3A_338] : memref<80x512xf32, #tpu.memory_space<vmem>> -> memref<40x512xf32, #tpu.memory_space<vmem>>
            %swap3A_340 = arith.index_cast %scan3A_154 : i32 to index
            %swap3A_341 = arith.constant 240 : index
            %swap3A_342 = tpu.vector_load %swap3A_339[%swap3A_340, %swap3A_341] {strides = array<i32>} : memref<40x512xf32, #tpu.memory_space<vmem>>, vector<1x16xf32>,
            %swap3A_343 = vector.shape_cast %swap3A_342 : vector<1x16xf32> to vector<16xf32>
            %swap3A_344 = vector.shape_cast %get3A_336 : vector<16xf32> to vector<1x16xf32>
            tpu.vector_store %swap3A_339[%swap3A_340, %swap3A_341], %swap3A_344 {add = true, strides = array<i32>} : memref<40x512xf32, #tpu.memory_space<vmem>>, vector<1x16xf32>,
            %get3A_345 = arith.index_cast %scan3A_154 : i32 to index
            %get3A_346 = arith.constant 256 : index
            %get3A_347 = tpu.vector_load %arg7[%get3A_345, %get3A_346] {strides = array<i32>} : memref<40x512xf32, #tpu.memory_space<vmem>>, vector<1x16xf32>,
            %get3A_348 = vector.shape_cast %get3A_347 : vector<1x16xf32> to vector<16xf32>
            %swap3A_349 = arith.constant 0 : i32
            %swap3A_350 = arith.constant 0 : i32
            %swap3A_351 = tpu.memref_slice %arg8[%swap3A_349, %swap3A_350] : memref<80x512xf32, #tpu.memory_space<vmem>> -> memref<40x512xf32, #tpu.memory_space<vmem>>
            %swap3A_352 = arith.index_cast %scan3A_154 : i32 to index
            %swap3A_353 = arith.constant 256 : index
            %swap3A_354 = tpu.vector_load %swap3A_351[%swap3A_352, %swap3A_353] {strides = array<i32>} : memref<40x512xf32, #tpu.memory_space<vmem>>, vector<1x16xf32>,
            %swap3A_355 = vector.shape_cast %swap3A_354 : vector<1x16xf32> to vector<16xf32>
            %swap3A_356 = vector.shape_cast %get3A_348 : vector<16xf32> to vector<1x16xf32>
            tpu.vector_store %swap3A_351[%swap3A_352, %swap3A_353], %swap3A_356 {add = true, strides = array<i32>} : memref<40x512xf32, #tpu.memory_space<vmem>>, vector<1x16xf32>,
            %get3A_357 = arith.index_cast %scan3A_154 : i32 to index
            %get3A_358 = arith.constant 272 : index
            %get3A_359 = tpu.vector_load %arg7[%get3A_357, %get3A_358] {strides = array<i32>} : memref<40x512xf32, #tpu.memory_space<vmem>>, vector<1x16xf32>,
            %get3A_360 = vector.shape_cast %get3A_359 : vector<1x16xf32> to vector<16xf32>
            %swap3A_361 = arith.constant 0 : i32
            %swap3A_362 = arith.constant 0 : i32
            %swap3A_363 = tpu.memref_slice %arg8[%swap3A_361, %swap3A_362] : memref<80x512xf32, #tpu.memory_space<vmem>> -> memref<40x512xf32, #tpu.memory_space<vmem>>
            %swap3A_364 = arith.index_cast %scan3A_154 : i32 to index
            %swap3A_365 = arith.constant 272 : index
            %swap3A_366 = tpu.vector_load %swap3A_363[%swap3A_364, %swap3A_365] {strides = array<i32>} : memref<40x512xf32, #tpu.memory_space<vmem>>, vector<1x16xf32>,
            %swap3A_367 = vector.shape_cast %swap3A_366 : vector<1x16xf32> to vector<16xf32>
            %swap3A_368 = vector.shape_cast %get3A_360 : vector<16xf32> to vector<1x16xf32>
            tpu.vector_store %swap3A_363[%swap3A_364, %swap3A_365], %swap3A_368 {add = true, strides = array<i32>} : memref<40x512xf32, #tpu.memory_space<vmem>>, vector<1x16xf32>,
            %get3A_369 = arith.index_cast %scan3A_154 : i32 to index
            %get3A_370 = arith.constant 288 : index
            %get3A_371 = tpu.vector_load %arg7[%get3A_369, %get3A_370] {strides = array<i32>} : memref<40x512xf32, #tpu.memory_space<vmem>>, vector<1x16xf32>,
            %get3A_372 = vector.shape_cast %get3A_371 : vector<1x16xf32> to vector<16xf32>
            %swap3A_373 = arith.constant 0 : i32
            %swap3A_374 = arith.constant 0 : i32
            %swap3A_375 = tpu.memref_slice %arg8[%swap3A_373, %swap3A_374] : memref<80x512xf32, #tpu.memory_space<vmem>> -> memref<40x512xf32, #tpu.memory_space<vmem>>
            %swap3A_376 = arith.index_cast %scan3A_154 : i32 to index
            %swap3A_377 = arith.constant 288 : index
            %swap3A_378 = tpu.vector_load %swap3A_375[%swap3A_376, %swap3A_377] {strides = array<i32>} : memref<40x512xf32, #tpu.memory_space<vmem>>, vector<1x16xf32>,
            %swap3A_379 = vector.shape_cast %swap3A_378 : vector<1x16xf32> to vector<16xf32>
            %swap3A_380 = vector.shape_cast %get3A_372 : vector<16xf32> to vector<1x16xf32>
            tpu.vector_store %swap3A_375[%swap3A_376, %swap3A_377], %swap3A_380 {add = true, strides = array<i32>} : memref<40x512xf32, #tpu.memory_space<vmem>>, vector<1x16xf32>,
            %get3A_381 = arith.index_cast %scan3A_154 : i32 to index
            %get3A_382 = arith.constant 304 : index
            %get3A_383 = tpu.vector_load %arg7[%get3A_381, %get3A_382] {strides = array<i32>} : memref<40x512xf32, #tpu.memory_space<vmem>>, vector<1x16xf32>,
            %get3A_384 = vector.shape_cast %get3A_383 : vector<1x16xf32> to vector<16xf32>
            %swap3A_385 = arith.constant 0 : i32
            %swap3A_386 = arith.constant 0 : i32
            %swap3A_387 = tpu.memref_slice %arg8[%swap3A_385, %swap3A_386] : memref<80x512xf32, #tpu.memory_space<vmem>> -> memref<40x512xf32, #tpu.memory_space<vmem>>
            %swap3A_388 = arith.index_cast %scan3A_154 : i32 to index
            %swap3A_389 = arith.constant 304 : index
            %swap3A_390 = tpu.vector_load %swap3A_387[%swap3A_388, %swap3A_389] {strides = array<i32>} : memref<40x512xf32, #tpu.memory_space<vmem>>, vector<1x16xf32>,
            %swap3A_391 = vector.shape_cast %swap3A_390 : vector<1x16xf32> to vector<16xf32>
            %swap3A_392 = vector.shape_cast %get3A_384 : vector<16xf32> to vector<1x16xf32>
            tpu.vector_store %swap3A_387[%swap3A_388, %swap3A_389], %swap3A_392 {add = true, strides = array<i32>} : memref<40x512xf32, #tpu.memory_space<vmem>>, vector<1x16xf32>,
            %get3A_393 = arith.index_cast %scan3A_154 : i32 to index
            %get3A_394 = arith.constant 320 : index
            %get3A_395 = tpu.vector_load %arg7[%get3A_393, %get3A_394] {strides = array<i32>} : memref<40x512xf32, #tpu.memory_space<vmem>>, vector<1x16xf32>,
            %get3A_396 = vector.shape_cast %get3A_395 : vector<1x16xf32> to vector<16xf32>
            %swap3A_397 = arith.constant 0 : i32
            %swap3A_398 = arith.constant 0 : i32
            %swap3A_399 = tpu.memref_slice %arg8[%swap3A_397, %swap3A_398] : memref<80x512xf32, #tpu.memory_space<vmem>> -> memref<40x512xf32, #tpu.memory_space<vmem>>
            %swap3A_400 = arith.index_cast %scan3A_154 : i32 to index
            %swap3A_401 = arith.constant 320 : index
            %swap3A_402 = tpu.vector_load %swap3A_399[%swap3A_400, %swap3A_401] {strides = array<i32>} : memref<40x512xf32, #tpu.memory_space<vmem>>, vector<1x16xf32>,
            %swap3A_403 = vector.shape_cast %swap3A_402 : vector<1x16xf32> to vector<16xf32>
            %swap3A_404 = vector.shape_cast %get3A_396 : vector<16xf32> to vector<1x16xf32>
            tpu.vector_store %swap3A_399[%swap3A_400, %swap3A_401], %swap3A_404 {add = true, strides = array<i32>} : memref<40x512xf32, #tpu.memory_space<vmem>>, vector<1x16xf32>,
            %get3A_405 = arith.index_cast %scan3A_154 : i32 to index
            %get3A_406 = arith.constant 336 : index
            %get3A_407 = tpu.vector_load %arg7[%get3A_405, %get3A_406] {strides = array<i32>} : memref<40x512xf32, #tpu.memory_space<vmem>>, vector<1x16xf32>,
            %get3A_408 = vector.shape_cast %get3A_407 : vector<1x16xf32> to vector<16xf32>
            %swap3A_409 = arith.constant 0 : i32
            %swap3A_410 = arith.constant 0 : i32
            %swap3A_411 = tpu.memref_slice %arg8[%swap3A_409, %swap3A_410] : memref<80x512xf32, #tpu.memory_space<vmem>> -> memref<40x512xf32, #tpu.memory_space<vmem>>
            %swap3A_412 = arith.index_cast %scan3A_154 : i32 to index
            %swap3A_413 = arith.constant 336 : index
            %swap3A_414 = tpu.vector_load %swap3A_411[%swap3A_412, %swap3A_413] {strides = array<i32>} : memref<40x512xf32, #tpu.memory_space<vmem>>, vector<1x16xf32>,
            %swap3A_415 = vector.shape_cast %swap3A_414 : vector<1x16xf32> to vector<16xf32>
            %swap3A_416 = vector.shape_cast %get3A_408 : vector<16xf32> to vector<1x16xf32>
            tpu.vector_store %swap3A_411[%swap3A_412, %swap3A_413], %swap3A_416 {add = true, strides = array<i32>} : memref<40x512xf32, #tpu.memory_space<vmem>>, vector<1x16xf32>,
            %get3A_417 = arith.index_cast %scan3A_154 : i32 to index
            %get3A_418 = arith.constant 352 : index
            %get3A_419 = tpu.vector_load %arg7[%get3A_417, %get3A_418] {strides = array<i32>} : memref<40x512xf32, #tpu.memory_space<vmem>>, vector<1x16xf32>,
            %get3A_420 = vector.shape_cast %get3A_419 : vector<1x16xf32> to vector<16xf32>
            %swap3A_421 = arith.constant 0 : i32
            %swap3A_422 = arith.constant 0 : i32
            %swap3A_423 = tpu.memref_slice %arg8[%swap3A_421, %swap3A_422] : memref<80x512xf32, #tpu.memory_space<vmem>> -> memref<40x512xf32, #tpu.memory_space<vmem>>
            %swap3A_424 = arith.index_cast %scan3A_154 : i32 to index
            %swap3A_425 = arith.constant 352 : index
            %swap3A_426 = tpu.vector_load %swap3A_423[%swap3A_424, %swap3A_425] {strides = array<i32>} : memref<40x512xf32, #tpu.memory_space<vmem>>, vector<1x16xf32>,
            %swap3A_427 = vector.shape_cast %swap3A_426 : vector<1x16xf32> to vector<16xf32>
            %swap3A_428 = vector.shape_cast %get3A_420 : vector<16xf32> to vector<1x16xf32>
            tpu.vector_store %swap3A_423[%swap3A_424, %swap3A_425], %swap3A_428 {add = true, strides = array<i32>} : memref<40x512xf32, #tpu.memory_space<vmem>>, vector<1x16xf32>,
            %get3A_429 = arith.index_cast %scan3A_154 : i32 to index
            %get3A_430 = arith.constant 368 : index
            %get3A_431 = tpu.vector_load %arg7[%get3A_429, %get3A_430] {strides = array<i32>} : memref<40x512xf32, #tpu.memory_space<vmem>>, vector<1x16xf32>,
            %get3A_432 = vector.shape_cast %get3A_431 : vector<1x16xf32> to vector<16xf32>
            %swap3A_433 = arith.constant 0 : i32
            %swap3A_434 = arith.constant 0 : i32
            %swap3A_435 = tpu.memref_slice %arg8[%swap3A_433, %swap3A_434] : memref<80x512xf32, #tpu.memory_space<vmem>> -> memref<40x512xf32, #tpu.memory_space<vmem>>
            %swap3A_436 = arith.index_cast %scan3A_154 : i32 to index
            %swap3A_437 = arith.constant 368 : index
            %swap3A_438 = tpu.vector_load %swap3A_435[%swap3A_436, %swap3A_437] {strides = array<i32>} : memref<40x512xf32, #tpu.memory_space<vmem>>, vector<1x16xf32>,
            %swap3A_439 = vector.shape_cast %swap3A_438 : vector<1x16xf32> to vector<16xf32>
            %swap3A_440 = vector.shape_cast %get3A_432 : vector<16xf32> to vector<1x16xf32>
            tpu.vector_store %swap3A_435[%swap3A_436, %swap3A_437], %swap3A_440 {add = true, strides = array<i32>} : memref<40x512xf32, #tpu.memory_space<vmem>>, vector<1x16xf32>,
            %get3A_441 = arith.index_cast %scan3A_154 : i32 to index
            %get3A_442 = arith.constant 384 : index
            %get3A_443 = tpu.vector_load %arg7[%get3A_441, %get3A_442] {strides = array<i32>} : memref<40x512xf32, #tpu.memory_space<vmem>>, vector<1x16xf32>,
            %get3A_444 = vector.shape_cast %get3A_443 : vector<1x16xf32> to vector<16xf32>
            %swap3A_445 = arith.constant 0 : i32
            %swap3A_446 = arith.constant 0 : i32
            %swap3A_447 = tpu.memref_slice %arg8[%swap3A_445, %swap3A_446] : memref<80x512xf32, #tpu.memory_space<vmem>> -> memref<40x512xf32, #tpu.memory_space<vmem>>
            %swap3A_448 = arith.index_cast %scan3A_154 : i32 to index
            %swap3A_449 = arith.constant 384 : index
            %swap3A_450 = tpu.vector_load %swap3A_447[%swap3A_448, %swap3A_449] {strides = array<i32>} : memref<40x512xf32, #tpu.memory_space<vmem>>, vector<1x16xf32>,
            %swap3A_451 = vector.shape_cast %swap3A_450 : vector<1x16xf32> to vector<16xf32>
            %swap3A_452 = vector.shape_cast %get3A_444 : vector<16xf32> to vector<1x16xf32>
            tpu.vector_store %swap3A_447[%swap3A_448, %swap3A_449], %swap3A_452 {add = true, strides = array<i32>} : memref<40x512xf32, #tpu.memory_space<vmem>>, vector<1x16xf32>,
            %get3A_453 = arith.index_cast %scan3A_154 : i32 to index
            %get3A_454 = arith.constant 400 : index
            %get3A_455 = tpu.vector_load %arg7[%get3A_453, %get3A_454] {strides = array<i32>} : memref<40x512xf32, #tpu.memory_space<vmem>>, vector<1x16xf32>,
            %get3A_456 = vector.shape_cast %get3A_455 : vector<1x16xf32> to vector<16xf32>
            %swap3A_457 = arith.constant 0 : i32
            %swap3A_458 = arith.constant 0 : i32
            %swap3A_459 = tpu.memref_slice %arg8[%swap3A_457, %swap3A_458] : memref<80x512xf32, #tpu.memory_space<vmem>> -> memref<40x512xf32, #tpu.memory_space<vmem>>
            %swap3A_460 = arith.index_cast %scan3A_154 : i32 to index
            %swap3A_461 = arith.constant 400 : index
            %swap3A_462 = tpu.vector_load %swap3A_459[%swap3A_460, %swap3A_461] {strides = array<i32>} : memref<40x512xf32, #tpu.memory_space<vmem>>, vector<1x16xf32>,
            %swap3A_463 = vector.shape_cast %swap3A_462 : vector<1x16xf32> to vector<16xf32>
            %swap3A_464 = vector.shape_cast %get3A_456 : vector<16xf32> to vector<1x16xf32>
            tpu.vector_store %swap3A_459[%swap3A_460, %swap3A_461], %swap3A_464 {add = true, strides = array<i32>} : memref<40x512xf32, #tpu.memory_space<vmem>>, vector<1x16xf32>,
            %get3A_465 = arith.index_cast %scan3A_154 : i32 to index
            %get3A_466 = arith.constant 416 : index
            %get3A_467 = tpu.vector_load %arg7[%get3A_465, %get3A_466] {strides = array<i32>} : memref<40x512xf32, #tpu.memory_space<vmem>>, vector<1x16xf32>,
            %get3A_468 = vector.shape_cast %get3A_467 : vector<1x16xf32> to vector<16xf32>
            %swap3A_469 = arith.constant 0 : i32
            %swap3A_470 = arith.constant 0 : i32
            %swap3A_471 = tpu.memref_slice %arg8[%swap3A_469, %swap3A_470] : memref<80x512xf32, #tpu.memory_space<vmem>> -> memref<40x512xf32, #tpu.memory_space<vmem>>
            %swap3A_472 = arith.index_cast %scan3A_154 : i32 to index
            %swap3A_473 = arith.constant 416 : index
            %swap3A_474 = tpu.vector_load %swap3A_471[%swap3A_472, %swap3A_473] {strides = array<i32>} : memref<40x512xf32, #tpu.memory_space<vmem>>, vector<1x16xf32>,
            %swap3A_475 = vector.shape_cast %swap3A_474 : vector<1x16xf32> to vector<16xf32>
            %swap3A_476 = vector.shape_cast %get3A_468 : vector<16xf32> to vector<1x16xf32>
            tpu.vector_store %swap3A_471[%swap3A_472, %swap3A_473], %swap3A_476 {add = true, strides = array<i32>} : memref<40x512xf32, #tpu.memory_space<vmem>>, vector<1x16xf32>,
            %get3A_477 = arith.index_cast %scan3A_154 : i32 to index
            %get3A_478 = arith.constant 432 : index
            %get3A_479 = tpu.vector_load %arg7[%get3A_477, %get3A_478] {strides = array<i32>} : memref<40x512xf32, #tpu.memory_space<vmem>>, vector<1x16xf32>,
            %get3A_480 = vector.shape_cast %get3A_479 : vector<1x16xf32> to vector<16xf32>
            %swap3A_481 = arith.constant 0 : i32
            %swap3A_482 = arith.constant 0 : i32
            %swap3A_483 = tpu.memref_slice %arg8[%swap3A_481, %swap3A_482] : memref<80x512xf32, #tpu.memory_space<vmem>> -> memref<40x512xf32, #tpu.memory_space<vmem>>
            %swap3A_484 = arith.index_cast %scan3A_154 : i32 to index
            %swap3A_485 = arith.constant 432 : index
            %swap3A_486 = tpu.vector_load %swap3A_483[%swap3A_484, %swap3A_485] {strides = array<i32>} : memref<40x512xf32, #tpu.memory_space<vmem>>, vector<1x16xf32>,
            %swap3A_487 = vector.shape_cast %swap3A_486 : vector<1x16xf32> to vector<16xf32>
            %swap3A_488 = vector.shape_cast %get3A_480 : vector<16xf32> to vector<1x16xf32>
            tpu.vector_store %swap3A_483[%swap3A_484, %swap3A_485], %swap3A_488 {add = true, strides = array<i32>} : memref<40x512xf32, #tpu.memory_space<vmem>>, vector<1x16xf32>,
            %get3A_489 = arith.index_cast %scan3A_154 : i32 to index
            %get3A_490 = arith.constant 448 : index
            %get3A_491 = tpu.vector_load %arg7[%get3A_489, %get3A_490] {strides = array<i32>} : memref<40x512xf32, #tpu.memory_space<vmem>>, vector<1x16xf32>,
            %get3A_492 = vector.shape_cast %get3A_491 : vector<1x16xf32> to vector<16xf32>
            %swap3A_493 = arith.constant 0 : i32
            %swap3A_494 = arith.constant 0 : i32
            %swap3A_495 = tpu.memref_slice %arg8[%swap3A_493, %swap3A_494] : memref<80x512xf32, #tpu.memory_space<vmem>> -> memref<40x512xf32, #tpu.memory_space<vmem>>
            %swap3A_496 = arith.index_cast %scan3A_154 : i32 to index
            %swap3A_497 = arith.constant 448 : index
            %swap3A_498 = tpu.vector_load %swap3A_495[%swap3A_496, %swap3A_497] {strides = array<i32>} : memref<40x512xf32, #tpu.memory_space<vmem>>, vector<1x16xf32>,
            %swap3A_499 = vector.shape_cast %swap3A_498 : vector<1x16xf32> to vector<16xf32>
            %swap3A_500 = vector.shape_cast %get3A_492 : vector<16xf32> to vector<1x16xf32>
            tpu.vector_store %swap3A_495[%swap3A_496, %swap3A_497], %swap3A_500 {add = true, strides = array<i32>} : memref<40x512xf32, #tpu.memory_space<vmem>>, vector<1x16xf32>,
            %get3A_501 = arith.index_cast %scan3A_154 : i32 to index
            %get3A_502 = arith.constant 464 : index
            %get3A_503 = tpu.vector_load %arg7[%get3A_501, %get3A_502] {strides = array<i32>} : memref<40x512xf32, #tpu.memory_space<vmem>>, vector<1x16xf32>,
            %get3A_504 = vector.shape_cast %get3A_503 : vector<1x16xf32> to vector<16xf32>
            %swap3A_505 = arith.constant 0 : i32
            %swap3A_506 = arith.constant 0 : i32
            %swap3A_507 = tpu.memref_slice %arg8[%swap3A_505, %swap3A_506] : memref<80x512xf32, #tpu.memory_space<vmem>> -> memref<40x512xf32, #tpu.memory_space<vmem>>
            %swap3A_508 = arith.index_cast %scan3A_154 : i32 to index
            %swap3A_509 = arith.constant 464 : index
            %swap3A_510 = tpu.vector_load %swap3A_507[%swap3A_508, %swap3A_509] {strides = array<i32>} : memref<40x512xf32, #tpu.memory_space<vmem>>, vector<1x16xf32>,
            %swap3A_511 = vector.shape_cast %swap3A_510 : vector<1x16xf32> to vector<16xf32>
            %swap3A_512 = vector.shape_cast %get3A_504 : vector<16xf32> to vector<1x16xf32>
            tpu.vector_store %swap3A_507[%swap3A_508, %swap3A_509], %swap3A_512 {add = true, strides = array<i32>} : memref<40x512xf32, #tpu.memory_space<vmem>>, vector<1x16xf32>,
            %get3A_513 = arith.index_cast %scan3A_154 : i32 to index
            %get3A_514 = arith.constant 480 : index
            %get3A_515 = tpu.vector_load %arg7[%get3A_513, %get3A_514] {strides = array<i32>} : memref<40x512xf32, #tpu.memory_space<vmem>>, vector<1x16xf32>,
            %get3A_516 = vector.shape_cast %get3A_515 : vector<1x16xf32> to vector<16xf32>
            %swap3A_517 = arith.constant 0 : i32
            %swap3A_518 = arith.constant 0 : i32
            %swap3A_519 = tpu.memref_slice %arg8[%swap3A_517, %swap3A_518] : memref<80x512xf32, #tpu.memory_space<vmem>> -> memref<40x512xf32, #tpu.memory_space<vmem>>
            %swap3A_520 = arith.index_cast %scan3A_154 : i32 to index
            %swap3A_521 = arith.constant 480 : index
            %swap3A_522 = tpu.vector_load %swap3A_519[%swap3A_520, %swap3A_521] {strides = array<i32>} : memref<40x512xf32, #tpu.memory_space<vmem>>, vector<1x16xf32>,
            %swap3A_523 = vector.shape_cast %swap3A_522 : vector<1x16xf32> to vector<16xf32>
            %swap3A_524 = vector.shape_cast %get3A_516 : vector<16xf32> to vector<1x16xf32>
            tpu.vector_store %swap3A_519[%swap3A_520, %swap3A_521], %swap3A_524 {add = true, strides = array<i32>} : memref<40x512xf32, #tpu.memory_space<vmem>>, vector<1x16xf32>,
            %get3A_525 = arith.index_cast %scan3A_154 : i32 to index
            %get3A_526 = arith.constant 496 : index
            %get3A_527 = tpu.vector_load %arg7[%get3A_525, %get3A_526] {strides = array<i32>} : memref<40x512xf32, #tpu.memory_space<vmem>>, vector<1x16xf32>,
            %get3A_528 = vector.shape_cast %get3A_527 : vector<1x16xf32> to vector<16xf32>
            %swap3A_529 = arith.constant 0 : i32
            %swap3A_530 = arith.constant 0 : i32
            %swap3A_531 = tpu.memref_slice %arg8[%swap3A_529, %swap3A_530] : memref<80x512xf32, #tpu.memory_space<vmem>> -> memref<40x512xf32, #tpu.memory_space<vmem>>
            %swap3A_532 = arith.index_cast %scan3A_154 : i32 to index
            %swap3A_533 = arith.constant 496 : index
            %swap3A_534 = tpu.vector_load %swap3A_531[%swap3A_532, %swap3A_533] {strides = array<i32>} : memref<40x512xf32, #tpu.memory_space<vmem>>, vector<1x16xf32>,
            %swap3A_535 = vector.shape_cast %swap3A_534 : vector<1x16xf32> to vector<16xf32>
            %swap3A_536 = vector.shape_cast %get3A_528 : vector<16xf32> to vector<1x16xf32>
            tpu.vector_store %swap3A_531[%swap3A_532, %swap3A_533], %swap3A_536 {add = true, strides = array<i32>} : memref<40x512xf32, #tpu.memory_space<vmem>>, vector<1x16xf32>,
          }
          %scan3A_138 = arith.constant 40 : i32
          %mul3A_139 = arith.constant 200 : i32
          %mul3A_140 = arith.muli %sub3A_99, %mul3A_139 : i32
          %add3A_141 = arith.addi %mul3A_2, %mul3A_140 : i32
          %mul3A_142 = arith.constant 40 : i32
          %mul3A_143 = arith.muli %scan3A_57, %mul3A_142 : i32
          %add3A_144 = arith.addi %add3A_141, %mul3A_143 : i32
          %dma_start3A = arith.constant 0 : i32
          %dma_start3A_145 = arith.constant 0 : i32
          %dma_start3A_146 = tpu.memref_slice %arg8[%dma_start3A, %dma_start3A_145] : memref<80x512xf32, #tpu.memory_space<vmem>> -> memref<40x512xf32, #tpu.memory_space<vmem>>
          %dma_start3A_147 = arith.constant 0 : i32
          %dma_start3A_148 = tpu.memref_slice %arg5[%add3A_144, %dma_start3A_147] : memref<204800x512xf32, #tpu.memory_space<hbm>> -> memref<40x512xf32, #tpu.memory_space<hbm>>
          %dma_start3A_149 = arith.constant 0 : i32
          %dma_start3A_150 = tpu.memref_slice %arg5[%add3A_144, %dma_start3A_149] : memref<204800x512xf32, #tpu.memory_space<hbm>> -> memref<40x512xf32, #tpu.memory_space<hbm>>
          %dma_start3A_151 = arith.constant 0 : i32
          %dma_start3A_152 = arith.constant 0 : i32
          %dma_start3A_153 = tpu.memref_slice %arg8[%dma_start3A_151, %dma_start3A_152] : memref<80x512xf32, #tpu.memory_space<vmem>> -> memref<40x512xf32, #tpu.memory_space<vmem>>
          tpu.enqueue_dma source(%dma_start3A_153 : memref<40x512xf32, #tpu.memory_space<vmem>>) target(%dma_start3A_150 : memref<40x512xf32, #tpu.memory_space<hbm>>) target_semaphore(%arg12 : memref<!tpu.dma_semaphore, #tpu.memory_space<semaphore_mem>>)
        } else {
        }
        %mul3A_113 = arith.constant 4 : i32
        %mul3A_114 = arith.muli %scan3A_66, %mul3A_113 : i32
        %add3A_115 = arith.constant 3 : i32
        %add3A_116 = arith.addi %mul3A_114, %add3A_115 : i32
        %sub3A_117 = arith.constant 2 : i32
        %sub3A_118 = arith.subi %add3A_116, %sub3A_117 : i32
        %ge3A_119 = arith.constant 0 : i32
        %ge3A_120 = arith.cmpi sge, %sub3A_118, %ge3A_119 : i32
        %lt3A_121 = arith.constant 32 : i32
        %lt3A_122 = arith.cmpi slt, %sub3A_118, %lt3A_121 : i32
        %and3A_123 = arith.andi %ge3A_120, %lt3A_122 : i1
        %convert_element_type3A_124 = arith.extui %and3A_123 : i1 to i32
        %cond3A_125 = arith.constant 0 : i32
        %cond3A_126 = arith.cmpi ne, %convert_element_type3A_124, %cond3A_125 : i32
        scf.if %cond3A_126 {
          %scan3A_127 = arith.constant 0 : i32
          %scan3A_128 = arith.constant 0 : i32
          %scan3A_129 = arith.constant 40 : i32
          %scan3A_130 = arith.addi %scan3A_128, %scan3A_129 : i32
          %scan3A_131 = arith.constant 1 : i32
          scf.for %scan3A_148 = %scan3A_128 to %scan3A_130 step %scan3A_131  : i32 {
            %get3A = arith.index_cast %scan3A_148 : i32 to index
            %get3A_149 = arith.constant 0 : index
            %get3A_150 = tpu.vector_load %arg7[%get3A, %get3A_149] {strides = array<i32>} : memref<40x512xf32, #tpu.memory_space<vmem>>, vector<1x16xf32>,
            %get3A_151 = vector.shape_cast %get3A_150 : vector<1x16xf32> to vector<16xf32>
            %swap3A = arith.constant 40 : i32
            %swap3A_152 = arith.constant 0 : i32
            %swap3A_153 = tpu.memref_slice %arg8[%swap3A, %swap3A_152] : memref<80x512xf32, #tpu.memory_space<vmem>> -> memref<40x512xf32, #tpu.memory_space<vmem>>
            %swap3A_154 = arith.index_cast %scan3A_148 : i32 to index
            %swap3A_155 = arith.constant 0 : index
            %swap3A_156 = tpu.vector_load %swap3A_153[%swap3A_154, %swap3A_155] {strides = array<i32>} : memref<40x512xf32, #tpu.memory_space<vmem>>, vector<1x16xf32>,
            %swap3A_157 = vector.shape_cast %swap3A_156 : vector<1x16xf32> to vector<16xf32>
            %swap3A_158 = vector.shape_cast %get3A_151 : vector<16xf32> to vector<1x16xf32>
            tpu.vector_store %swap3A_153[%swap3A_154, %swap3A_155], %swap3A_158 {add = true, strides = array<i32>} : memref<40x512xf32, #tpu.memory_space<vmem>>, vector<1x16xf32>,
            %get3A_159 = arith.index_cast %scan3A_148 : i32 to index
            %get3A_160 = arith.constant 16 : index
            %get3A_161 = tpu.vector_load %arg7[%get3A_159, %get3A_160] {strides = array<i32>} : memref<40x512xf32, #tpu.memory_space<vmem>>, vector<1x16xf32>,
            %get3A_162 = vector.shape_cast %get3A_161 : vector<1x16xf32> to vector<16xf32>
            %swap3A_163 = arith.constant 40 : i32
            %swap3A_164 = arith.constant 0 : i32
            %swap3A_165 = tpu.memref_slice %arg8[%swap3A_163, %swap3A_164] : memref<80x512xf32, #tpu.memory_space<vmem>> -> memref<40x512xf32, #tpu.memory_space<vmem>>
            %swap3A_166 = arith.index_cast %scan3A_148 : i32 to index
            %swap3A_167 = arith.constant 16 : index
            %swap3A_168 = tpu.vector_load %swap3A_165[%swap3A_166, %swap3A_167] {strides = array<i32>} : memref<40x512xf32, #tpu.memory_space<vmem>>, vector<1x16xf32>,
            %swap3A_169 = vector.shape_cast %swap3A_168 : vector<1x16xf32> to vector<16xf32>
            %swap3A_170 = vector.shape_cast %get3A_162 : vector<16xf32> to vector<1x16xf32>
            tpu.vector_store %swap3A_165[%swap3A_166, %swap3A_167], %swap3A_170 {add = true, strides = array<i32>} : memref<40x512xf32, #tpu.memory_space<vmem>>, vector<1x16xf32>,
            %get3A_171 = arith.index_cast %scan3A_148 : i32 to index
            %get3A_172 = arith.constant 32 : index
            %get3A_173 = tpu.vector_load %arg7[%get3A_171, %get3A_172] {strides = array<i32>} : memref<40x512xf32, #tpu.memory_space<vmem>>, vector<1x16xf32>,
            %get3A_174 = vector.shape_cast %get3A_173 : vector<1x16xf32> to vector<16xf32>
            %swap3A_175 = arith.constant 40 : i32
            %swap3A_176 = arith.constant 0 : i32
            %swap3A_177 = tpu.memref_slice %arg8[%swap3A_175, %swap3A_176] : memref<80x512xf32, #tpu.memory_space<vmem>> -> memref<40x512xf32, #tpu.memory_space<vmem>>
            %swap3A_178 = arith.index_cast %scan3A_148 : i32 to index
            %swap3A_179 = arith.constant 32 : index
            %swap3A_180 = tpu.vector_load %swap3A_177[%swap3A_178, %swap3A_179] {strides = array<i32>} : memref<40x512xf32, #tpu.memory_space<vmem>>, vector<1x16xf32>,
            %swap3A_181 = vector.shape_cast %swap3A_180 : vector<1x16xf32> to vector<16xf32>
            %swap3A_182 = vector.shape_cast %get3A_174 : vector<16xf32> to vector<1x16xf32>
            tpu.vector_store %swap3A_177[%swap3A_178, %swap3A_179], %swap3A_182 {add = true, strides = array<i32>} : memref<40x512xf32, #tpu.memory_space<vmem>>, vector<1x16xf32>,
            %get3A_183 = arith.index_cast %scan3A_148 : i32 to index
            %get3A_184 = arith.constant 48 : index
            %get3A_185 = tpu.vector_load %arg7[%get3A_183, %get3A_184] {strides = array<i32>} : memref<40x512xf32, #tpu.memory_space<vmem>>, vector<1x16xf32>,
            %get3A_186 = vector.shape_cast %get3A_185 : vector<1x16xf32> to vector<16xf32>
            %swap3A_187 = arith.constant 40 : i32
            %swap3A_188 = arith.constant 0 : i32
            %swap3A_189 = tpu.memref_slice %arg8[%swap3A_187, %swap3A_188] : memref<80x512xf32, #tpu.memory_space<vmem>> -> memref<40x512xf32, #tpu.memory_space<vmem>>
            %swap3A_190 = arith.index_cast %scan3A_148 : i32 to index
            %swap3A_191 = arith.constant 48 : index
            %swap3A_192 = tpu.vector_load %swap3A_189[%swap3A_190, %swap3A_191] {strides = array<i32>} : memref<40x512xf32, #tpu.memory_space<vmem>>, vector<1x16xf32>,
            %swap3A_193 = vector.shape_cast %swap3A_192 : vector<1x16xf32> to vector<16xf32>
            %swap3A_194 = vector.shape_cast %get3A_186 : vector<16xf32> to vector<1x16xf32>
            tpu.vector_store %swap3A_189[%swap3A_190, %swap3A_191], %swap3A_194 {add = true, strides = array<i32>} : memref<40x512xf32, #tpu.memory_space<vmem>>, vector<1x16xf32>,
            %get3A_195 = arith.index_cast %scan3A_148 : i32 to index
            %get3A_196 = arith.constant 64 : index
            %get3A_197 = tpu.vector_load %arg7[%get3A_195, %get3A_196] {strides = array<i32>} : memref<40x512xf32, #tpu.memory_space<vmem>>, vector<1x16xf32>,
            %get3A_198 = vector.shape_cast %get3A_197 : vector<1x16xf32> to vector<16xf32>
            %swap3A_199 = arith.constant 40 : i32
            %swap3A_200 = arith.constant 0 : i32
            %swap3A_201 = tpu.memref_slice %arg8[%swap3A_199, %swap3A_200] : memref<80x512xf32, #tpu.memory_space<vmem>> -> memref<40x512xf32, #tpu.memory_space<vmem>>
            %swap3A_202 = arith.index_cast %scan3A_148 : i32 to index
            %swap3A_203 = arith.constant 64 : index
            %swap3A_204 = tpu.vector_load %swap3A_201[%swap3A_202, %swap3A_203] {strides = array<i32>} : memref<40x512xf32, #tpu.memory_space<vmem>>, vector<1x16xf32>,
            %swap3A_205 = vector.shape_cast %swap3A_204 : vector<1x16xf32> to vector<16xf32>
            %swap3A_206 = vector.shape_cast %get3A_198 : vector<16xf32> to vector<1x16xf32>
            tpu.vector_store %swap3A_201[%swap3A_202, %swap3A_203], %swap3A_206 {add = true, strides = array<i32>} : memref<40x512xf32, #tpu.memory_space<vmem>>, vector<1x16xf32>,
            %get3A_207 = arith.index_cast %scan3A_148 : i32 to index
            %get3A_208 = arith.constant 80 : index
            %get3A_209 = tpu.vector_load %arg7[%get3A_207, %get3A_208] {strides = array<i32>} : memref<40x512xf32, #tpu.memory_space<vmem>>, vector<1x16xf32>,
            %get3A_210 = vector.shape_cast %get3A_209 : vector<1x16xf32> to vector<16xf32>
            %swap3A_211 = arith.constant 40 : i32
            %swap3A_212 = arith.constant 0 : i32
            %swap3A_213 = tpu.memref_slice %arg8[%swap3A_211, %swap3A_212] : memref<80x512xf32, #tpu.memory_space<vmem>> -> memref<40x512xf32, #tpu.memory_space<vmem>>
            %swap3A_214 = arith.index_cast %scan3A_148 : i32 to index
            %swap3A_215 = arith.constant 80 : index
            %swap3A_216 = tpu.vector_load %swap3A_213[%swap3A_214, %swap3A_215] {strides = array<i32>} : memref<40x512xf32, #tpu.memory_space<vmem>>, vector<1x16xf32>,
            %swap3A_217 = vector.shape_cast %swap3A_216 : vector<1x16xf32> to vector<16xf32>
            %swap3A_218 = vector.shape_cast %get3A_210 : vector<16xf32> to vector<1x16xf32>
            tpu.vector_store %swap3A_213[%swap3A_214, %swap3A_215], %swap3A_218 {add = true, strides = array<i32>} : memref<40x512xf32, #tpu.memory_space<vmem>>, vector<1x16xf32>,
            %get3A_219 = arith.index_cast %scan3A_148 : i32 to index
            %get3A_220 = arith.constant 96 : index
            %get3A_221 = tpu.vector_load %arg7[%get3A_219, %get3A_220] {strides = array<i32>} : memref<40x512xf32, #tpu.memory_space<vmem>>, vector<1x16xf32>,
            %get3A_222 = vector.shape_cast %get3A_221 : vector<1x16xf32> to vector<16xf32>
            %swap3A_223 = arith.constant 40 : i32
            %swap3A_224 = arith.constant 0 : i32
            %swap3A_225 = tpu.memref_slice %arg8[%swap3A_223, %swap3A_224] : memref<80x512xf32, #tpu.memory_space<vmem>> -> memref<40x512xf32, #tpu.memory_space<vmem>>
            %swap3A_226 = arith.index_cast %scan3A_148 : i32 to index
            %swap3A_227 = arith.constant 96 : index
            %swap3A_228 = tpu.vector_load %swap3A_225[%swap3A_226, %swap3A_227] {strides = array<i32>} : memref<40x512xf32, #tpu.memory_space<vmem>>, vector<1x16xf32>,
            %swap3A_229 = vector.shape_cast %swap3A_228 : vector<1x16xf32> to vector<16xf32>
            %swap3A_230 = vector.shape_cast %get3A_222 : vector<16xf32> to vector<1x16xf32>
            tpu.vector_store %swap3A_225[%swap3A_226, %swap3A_227], %swap3A_230 {add = true, strides = array<i32>} : memref<40x512xf32, #tpu.memory_space<vmem>>, vector<1x16xf32>,
            %get3A_231 = arith.index_cast %scan3A_148 : i32 to index
            %get3A_232 = arith.constant 112 : index
            %get3A_233 = tpu.vector_load %arg7[%get3A_231, %get3A_232] {strides = array<i32>} : memref<40x512xf32, #tpu.memory_space<vmem>>, vector<1x16xf32>,
            %get3A_234 = vector.shape_cast %get3A_233 : vector<1x16xf32> to vector<16xf32>
            %swap3A_235 = arith.constant 40 : i32
            %swap3A_236 = arith.constant 0 : i32
            %swap3A_237 = tpu.memref_slice %arg8[%swap3A_235, %swap3A_236] : memref<80x512xf32, #tpu.memory_space<vmem>> -> memref<40x512xf32, #tpu.memory_space<vmem>>
            %swap3A_238 = arith.index_cast %scan3A_148 : i32 to index
            %swap3A_239 = arith.constant 112 : index
            %swap3A_240 = tpu.vector_load %swap3A_237[%swap3A_238, %swap3A_239] {strides = array<i32>} : memref<40x512xf32, #tpu.memory_space<vmem>>, vector<1x16xf32>,
            %swap3A_241 = vector.shape_cast %swap3A_240 : vector<1x16xf32> to vector<16xf32>
            %swap3A_242 = vector.shape_cast %get3A_234 : vector<16xf32> to vector<1x16xf32>
            tpu.vector_store %swap3A_237[%swap3A_238, %swap3A_239], %swap3A_242 {add = true, strides = array<i32>} : memref<40x512xf32, #tpu.memory_space<vmem>>, vector<1x16xf32>,
            %get3A_243 = arith.index_cast %scan3A_148 : i32 to index
            %get3A_244 = arith.constant 128 : index
            %get3A_245 = tpu.vector_load %arg7[%get3A_243, %get3A_244] {strides = array<i32>} : memref<40x512xf32, #tpu.memory_space<vmem>>, vector<1x16xf32>,
            %get3A_246 = vector.shape_cast %get3A_245 : vector<1x16xf32> to vector<16xf32>
            %swap3A_247 = arith.constant 40 : i32
            %swap3A_248 = arith.constant 0 : i32
            %swap3A_249 = tpu.memref_slice %arg8[%swap3A_247, %swap3A_248] : memref<80x512xf32, #tpu.memory_space<vmem>> -> memref<40x512xf32, #tpu.memory_space<vmem>>
            %swap3A_250 = arith.index_cast %scan3A_148 : i32 to index
            %swap3A_251 = arith.constant 128 : index
            %swap3A_252 = tpu.vector_load %swap3A_249[%swap3A_250, %swap3A_251] {strides = array<i32>} : memref<40x512xf32, #tpu.memory_space<vmem>>, vector<1x16xf32>,
            %swap3A_253 = vector.shape_cast %swap3A_252 : vector<1x16xf32> to vector<16xf32>
            %swap3A_254 = vector.shape_cast %get3A_246 : vector<16xf32> to vector<1x16xf32>
            tpu.vector_store %swap3A_249[%swap3A_250, %swap3A_251], %swap3A_254 {add = true, strides = array<i32>} : memref<40x512xf32, #tpu.memory_space<vmem>>, vector<1x16xf32>,
            %get3A_255 = arith.index_cast %scan3A_148 : i32 to index
            %get3A_256 = arith.constant 144 : index
            %get3A_257 = tpu.vector_load %arg7[%get3A_255, %get3A_256] {strides = array<i32>} : memref<40x512xf32, #tpu.memory_space<vmem>>, vector<1x16xf32>,
            %get3A_258 = vector.shape_cast %get3A_257 : vector<1x16xf32> to vector<16xf32>
            %swap3A_259 = arith.constant 40 : i32
            %swap3A_260 = arith.constant 0 : i32
            %swap3A_261 = tpu.memref_slice %arg8[%swap3A_259, %swap3A_260] : memref<80x512xf32, #tpu.memory_space<vmem>> -> memref<40x512xf32, #tpu.memory_space<vmem>>
            %swap3A_262 = arith.index_cast %scan3A_148 : i32 to index
            %swap3A_263 = arith.constant 144 : index
            %swap3A_264 = tpu.vector_load %swap3A_261[%swap3A_262, %swap3A_263] {strides = array<i32>} : memref<40x512xf32, #tpu.memory_space<vmem>>, vector<1x16xf32>,
            %swap3A_265 = vector.shape_cast %swap3A_264 : vector<1x16xf32> to vector<16xf32>
            %swap3A_266 = vector.shape_cast %get3A_258 : vector<16xf32> to vector<1x16xf32>
            tpu.vector_store %swap3A_261[%swap3A_262, %swap3A_263], %swap3A_266 {add = true, strides = array<i32>} : memref<40x512xf32, #tpu.memory_space<vmem>>, vector<1x16xf32>,
            %get3A_267 = arith.index_cast %scan3A_148 : i32 to index
            %get3A_268 = arith.constant 160 : index
            %get3A_269 = tpu.vector_load %arg7[%get3A_267, %get3A_268] {strides = array<i32>} : memref<40x512xf32, #tpu.memory_space<vmem>>, vector<1x16xf32>,
            %get3A_270 = vector.shape_cast %get3A_269 : vector<1x16xf32> to vector<16xf32>
            %swap3A_271 = arith.constant 40 : i32
            %swap3A_272 = arith.constant 0 : i32
            %swap3A_273 = tpu.memref_slice %arg8[%swap3A_271, %swap3A_272] : memref<80x512xf32, #tpu.memory_space<vmem>> -> memref<40x512xf32, #tpu.memory_space<vmem>>
            %swap3A_274 = arith.index_cast %scan3A_148 : i32 to index
            %swap3A_275 = arith.constant 160 : index
            %swap3A_276 = tpu.vector_load %swap3A_273[%swap3A_274, %swap3A_275] {strides = array<i32>} : memref<40x512xf32, #tpu.memory_space<vmem>>, vector<1x16xf32>,
            %swap3A_277 = vector.shape_cast %swap3A_276 : vector<1x16xf32> to vector<16xf32>
            %swap3A_278 = vector.shape_cast %get3A_270 : vector<16xf32> to vector<1x16xf32>
            tpu.vector_store %swap3A_273[%swap3A_274, %swap3A_275], %swap3A_278 {add = true, strides = array<i32>} : memref<40x512xf32, #tpu.memory_space<vmem>>, vector<1x16xf32>,
            %get3A_279 = arith.index_cast %scan3A_148 : i32 to index
            %get3A_280 = arith.constant 176 : index
            %get3A_281 = tpu.vector_load %arg7[%get3A_279, %get3A_280] {strides = array<i32>} : memref<40x512xf32, #tpu.memory_space<vmem>>, vector<1x16xf32>,
            %get3A_282 = vector.shape_cast %get3A_281 : vector<1x16xf32> to vector<16xf32>
            %swap3A_283 = arith.constant 40 : i32
            %swap3A_284 = arith.constant 0 : i32
            %swap3A_285 = tpu.memref_slice %arg8[%swap3A_283, %swap3A_284] : memref<80x512xf32, #tpu.memory_space<vmem>> -> memref<40x512xf32, #tpu.memory_space<vmem>>
            %swap3A_286 = arith.index_cast %scan3A_148 : i32 to index
            %swap3A_287 = arith.constant 176 : index
            %swap3A_288 = tpu.vector_load %swap3A_285[%swap3A_286, %swap3A_287] {strides = array<i32>} : memref<40x512xf32, #tpu.memory_space<vmem>>, vector<1x16xf32>,
            %swap3A_289 = vector.shape_cast %swap3A_288 : vector<1x16xf32> to vector<16xf32>
            %swap3A_290 = vector.shape_cast %get3A_282 : vector<16xf32> to vector<1x16xf32>
            tpu.vector_store %swap3A_285[%swap3A_286, %swap3A_287], %swap3A_290 {add = true, strides = array<i32>} : memref<40x512xf32, #tpu.memory_space<vmem>>, vector<1x16xf32>,
            %get3A_291 = arith.index_cast %scan3A_148 : i32 to index
            %get3A_292 = arith.constant 192 : index
            %get3A_293 = tpu.vector_load %arg7[%get3A_291, %get3A_292] {strides = array<i32>} : memref<40x512xf32, #tpu.memory_space<vmem>>, vector<1x16xf32>,
            %get3A_294 = vector.shape_cast %get3A_293 : vector<1x16xf32> to vector<16xf32>
            %swap3A_295 = arith.constant 40 : i32
            %swap3A_296 = arith.constant 0 : i32
            %swap3A_297 = tpu.memref_slice %arg8[%swap3A_295, %swap3A_296] : memref<80x512xf32, #tpu.memory_space<vmem>> -> memref<40x512xf32, #tpu.memory_space<vmem>>
            %swap3A_298 = arith.index_cast %scan3A_148 : i32 to index
            %swap3A_299 = arith.constant 192 : index
            %swap3A_300 = tpu.vector_load %swap3A_297[%swap3A_298, %swap3A_299] {strides = array<i32>} : memref<40x512xf32, #tpu.memory_space<vmem>>, vector<1x16xf32>,
            %swap3A_301 = vector.shape_cast %swap3A_300 : vector<1x16xf32> to vector<16xf32>
            %swap3A_302 = vector.shape_cast %get3A_294 : vector<16xf32> to vector<1x16xf32>
            tpu.vector_store %swap3A_297[%swap3A_298, %swap3A_299], %swap3A_302 {add = true, strides = array<i32>} : memref<40x512xf32, #tpu.memory_space<vmem>>, vector<1x16xf32>,
            %get3A_303 = arith.index_cast %scan3A_148 : i32 to index
            %get3A_304 = arith.constant 208 : index
            %get3A_305 = tpu.vector_load %arg7[%get3A_303, %get3A_304] {strides = array<i32>} : memref<40x512xf32, #tpu.memory_space<vmem>>, vector<1x16xf32>,
            %get3A_306 = vector.shape_cast %get3A_305 : vector<1x16xf32> to vector<16xf32>
            %swap3A_307 = arith.constant 40 : i32
            %swap3A_308 = arith.constant 0 : i32
            %swap3A_309 = tpu.memref_slice %arg8[%swap3A_307, %swap3A_308] : memref<80x512xf32, #tpu.memory_space<vmem>> -> memref<40x512xf32, #tpu.memory_space<vmem>>
            %swap3A_310 = arith.index_cast %scan3A_148 : i32 to index
            %swap3A_311 = arith.constant 208 : index
            %swap3A_312 = tpu.vector_load %swap3A_309[%swap3A_310, %swap3A_311] {strides = array<i32>} : memref<40x512xf32, #tpu.memory_space<vmem>>, vector<1x16xf32>,
            %swap3A_313 = vector.shape_cast %swap3A_312 : vector<1x16xf32> to vector<16xf32>
            %swap3A_314 = vector.shape_cast %get3A_306 : vector<16xf32> to vector<1x16xf32>
            tpu.vector_store %swap3A_309[%swap3A_310, %swap3A_311], %swap3A_314 {add = true, strides = array<i32>} : memref<40x512xf32, #tpu.memory_space<vmem>>, vector<1x16xf32>,
            %get3A_315 = arith.index_cast %scan3A_148 : i32 to index
            %get3A_316 = arith.constant 224 : index
            %get3A_317 = tpu.vector_load %arg7[%get3A_315, %get3A_316] {strides = array<i32>} : memref<40x512xf32, #tpu.memory_space<vmem>>, vector<1x16xf32>,
            %get3A_318 = vector.shape_cast %get3A_317 : vector<1x16xf32> to vector<16xf32>
            %swap3A_319 = arith.constant 40 : i32
            %swap3A_320 = arith.constant 0 : i32
            %swap3A_321 = tpu.memref_slice %arg8[%swap3A_319, %swap3A_320] : memref<80x512xf32, #tpu.memory_space<vmem>> -> memref<40x512xf32, #tpu.memory_space<vmem>>
            %swap3A_322 = arith.index_cast %scan3A_148 : i32 to index
            %swap3A_323 = arith.constant 224 : index
            %swap3A_324 = tpu.vector_load %swap3A_321[%swap3A_322, %swap3A_323] {strides = array<i32>} : memref<40x512xf32, #tpu.memory_space<vmem>>, vector<1x16xf32>,
            %swap3A_325 = vector.shape_cast %swap3A_324 : vector<1x16xf32> to vector<16xf32>
            %swap3A_326 = vector.shape_cast %get3A_318 : vector<16xf32> to vector<1x16xf32>
            tpu.vector_store %swap3A_321[%swap3A_322, %swap3A_323], %swap3A_326 {add = true, strides = array<i32>} : memref<40x512xf32, #tpu.memory_space<vmem>>, vector<1x16xf32>,
            %get3A_327 = arith.index_cast %scan3A_148 : i32 to index
            %get3A_328 = arith.constant 240 : index
            %get3A_329 = tpu.vector_load %arg7[%get3A_327, %get3A_328] {strides = array<i32>} : memref<40x512xf32, #tpu.memory_space<vmem>>, vector<1x16xf32>,
            %get3A_330 = vector.shape_cast %get3A_329 : vector<1x16xf32> to vector<16xf32>
            %swap3A_331 = arith.constant 40 : i32
            %swap3A_332 = arith.constant 0 : i32
            %swap3A_333 = tpu.memref_slice %arg8[%swap3A_331, %swap3A_332] : memref<80x512xf32, #tpu.memory_space<vmem>> -> memref<40x512xf32, #tpu.memory_space<vmem>>
            %swap3A_334 = arith.index_cast %scan3A_148 : i32 to index
            %swap3A_335 = arith.constant 240 : index
            %swap3A_336 = tpu.vector_load %swap3A_333[%swap3A_334, %swap3A_335] {strides = array<i32>} : memref<40x512xf32, #tpu.memory_space<vmem>>, vector<1x16xf32>,
            %swap3A_337 = vector.shape_cast %swap3A_336 : vector<1x16xf32> to vector<16xf32>
            %swap3A_338 = vector.shape_cast %get3A_330 : vector<16xf32> to vector<1x16xf32>
            tpu.vector_store %swap3A_333[%swap3A_334, %swap3A_335], %swap3A_338 {add = true, strides = array<i32>} : memref<40x512xf32, #tpu.memory_space<vmem>>, vector<1x16xf32>,
            %get3A_339 = arith.index_cast %scan3A_148 : i32 to index
            %get3A_340 = arith.constant 256 : index
            %get3A_341 = tpu.vector_load %arg7[%get3A_339, %get3A_340] {strides = array<i32>} : memref<40x512xf32, #tpu.memory_space<vmem>>, vector<1x16xf32>,
            %get3A_342 = vector.shape_cast %get3A_341 : vector<1x16xf32> to vector<16xf32>
            %swap3A_343 = arith.constant 40 : i32
            %swap3A_344 = arith.constant 0 : i32
            %swap3A_345 = tpu.memref_slice %arg8[%swap3A_343, %swap3A_344] : memref<80x512xf32, #tpu.memory_space<vmem>> -> memref<40x512xf32, #tpu.memory_space<vmem>>
            %swap3A_346 = arith.index_cast %scan3A_148 : i32 to index
            %swap3A_347 = arith.constant 256 : index
            %swap3A_348 = tpu.vector_load %swap3A_345[%swap3A_346, %swap3A_347] {strides = array<i32>} : memref<40x512xf32, #tpu.memory_space<vmem>>, vector<1x16xf32>,
            %swap3A_349 = vector.shape_cast %swap3A_348 : vector<1x16xf32> to vector<16xf32>
            %swap3A_350 = vector.shape_cast %get3A_342 : vector<16xf32> to vector<1x16xf32>
            tpu.vector_store %swap3A_345[%swap3A_346, %swap3A_347], %swap3A_350 {add = true, strides = array<i32>} : memref<40x512xf32, #tpu.memory_space<vmem>>, vector<1x16xf32>,
            %get3A_351 = arith.index_cast %scan3A_148 : i32 to index
            %get3A_352 = arith.constant 272 : index
            %get3A_353 = tpu.vector_load %arg7[%get3A_351, %get3A_352] {strides = array<i32>} : memref<40x512xf32, #tpu.memory_space<vmem>>, vector<1x16xf32>,
            %get3A_354 = vector.shape_cast %get3A_353 : vector<1x16xf32> to vector<16xf32>
            %swap3A_355 = arith.constant 40 : i32
            %swap3A_356 = arith.constant 0 : i32
            %swap3A_357 = tpu.memref_slice %arg8[%swap3A_355, %swap3A_356] : memref<80x512xf32, #tpu.memory_space<vmem>> -> memref<40x512xf32, #tpu.memory_space<vmem>>
            %swap3A_358 = arith.index_cast %scan3A_148 : i32 to index
            %swap3A_359 = arith.constant 272 : index
            %swap3A_360 = tpu.vector_load %swap3A_357[%swap3A_358, %swap3A_359] {strides = array<i32>} : memref<40x512xf32, #tpu.memory_space<vmem>>, vector<1x16xf32>,
            %swap3A_361 = vector.shape_cast %swap3A_360 : vector<1x16xf32> to vector<16xf32>
            %swap3A_362 = vector.shape_cast %get3A_354 : vector<16xf32> to vector<1x16xf32>
            tpu.vector_store %swap3A_357[%swap3A_358, %swap3A_359], %swap3A_362 {add = true, strides = array<i32>} : memref<40x512xf32, #tpu.memory_space<vmem>>, vector<1x16xf32>,
            %get3A_363 = arith.index_cast %scan3A_148 : i32 to index
            %get3A_364 = arith.constant 288 : index
            %get3A_365 = tpu.vector_load %arg7[%get3A_363, %get3A_364] {strides = array<i32>} : memref<40x512xf32, #tpu.memory_space<vmem>>, vector<1x16xf32>,
            %get3A_366 = vector.shape_cast %get3A_365 : vector<1x16xf32> to vector<16xf32>
            %swap3A_367 = arith.constant 40 : i32
            %swap3A_368 = arith.constant 0 : i32
            %swap3A_369 = tpu.memref_slice %arg8[%swap3A_367, %swap3A_368] : memref<80x512xf32, #tpu.memory_space<vmem>> -> memref<40x512xf32, #tpu.memory_space<vmem>>
            %swap3A_370 = arith.index_cast %scan3A_148 : i32 to index
            %swap3A_371 = arith.constant 288 : index
            %swap3A_372 = tpu.vector_load %swap3A_369[%swap3A_370, %swap3A_371] {strides = array<i32>} : memref<40x512xf32, #tpu.memory_space<vmem>>, vector<1x16xf32>,
            %swap3A_373 = vector.shape_cast %swap3A_372 : vector<1x16xf32> to vector<16xf32>
            %swap3A_374 = vector.shape_cast %get3A_366 : vector<16xf32> to vector<1x16xf32>
            tpu.vector_store %swap3A_369[%swap3A_370, %swap3A_371], %swap3A_374 {add = true, strides = array<i32>} : memref<40x512xf32, #tpu.memory_space<vmem>>, vector<1x16xf32>,
            %get3A_375 = arith.index_cast %scan3A_148 : i32 to index
            %get3A_376 = arith.constant 304 : index
            %get3A_377 = tpu.vector_load %arg7[%get3A_375, %get3A_376] {strides = array<i32>} : memref<40x512xf32, #tpu.memory_space<vmem>>, vector<1x16xf32>,
            %get3A_378 = vector.shape_cast %get3A_377 : vector<1x16xf32> to vector<16xf32>
            %swap3A_379 = arith.constant 40 : i32
            %swap3A_380 = arith.constant 0 : i32
            %swap3A_381 = tpu.memref_slice %arg8[%swap3A_379, %swap3A_380] : memref<80x512xf32, #tpu.memory_space<vmem>> -> memref<40x512xf32, #tpu.memory_space<vmem>>
            %swap3A_382 = arith.index_cast %scan3A_148 : i32 to index
            %swap3A_383 = arith.constant 304 : index
            %swap3A_384 = tpu.vector_load %swap3A_381[%swap3A_382, %swap3A_383] {strides = array<i32>} : memref<40x512xf32, #tpu.memory_space<vmem>>, vector<1x16xf32>,
            %swap3A_385 = vector.shape_cast %swap3A_384 : vector<1x16xf32> to vector<16xf32>
            %swap3A_386 = vector.shape_cast %get3A_378 : vector<16xf32> to vector<1x16xf32>
            tpu.vector_store %swap3A_381[%swap3A_382, %swap3A_383], %swap3A_386 {add = true, strides = array<i32>} : memref<40x512xf32, #tpu.memory_space<vmem>>, vector<1x16xf32>,
            %get3A_387 = arith.index_cast %scan3A_148 : i32 to index
            %get3A_388 = arith.constant 320 : index
            %get3A_389 = tpu.vector_load %arg7[%get3A_387, %get3A_388] {strides = array<i32>} : memref<40x512xf32, #tpu.memory_space<vmem>>, vector<1x16xf32>,
            %get3A_390 = vector.shape_cast %get3A_389 : vector<1x16xf32> to vector<16xf32>
            %swap3A_391 = arith.constant 40 : i32
            %swap3A_392 = arith.constant 0 : i32
            %swap3A_393 = tpu.memref_slice %arg8[%swap3A_391, %swap3A_392] : memref<80x512xf32, #tpu.memory_space<vmem>> -> memref<40x512xf32, #tpu.memory_space<vmem>>
            %swap3A_394 = arith.index_cast %scan3A_148 : i32 to index
            %swap3A_395 = arith.constant 320 : index
            %swap3A_396 = tpu.vector_load %swap3A_393[%swap3A_394, %swap3A_395] {strides = array<i32>} : memref<40x512xf32, #tpu.memory_space<vmem>>, vector<1x16xf32>,
            %swap3A_397 = vector.shape_cast %swap3A_396 : vector<1x16xf32> to vector<16xf32>
            %swap3A_398 = vector.shape_cast %get3A_390 : vector<16xf32> to vector<1x16xf32>
            tpu.vector_store %swap3A_393[%swap3A_394, %swap3A_395], %swap3A_398 {add = true, strides = array<i32>} : memref<40x512xf32, #tpu.memory_space<vmem>>, vector<1x16xf32>,
            %get3A_399 = arith.index_cast %scan3A_148 : i32 to index
            %get3A_400 = arith.constant 336 : index
            %get3A_401 = tpu.vector_load %arg7[%get3A_399, %get3A_400] {strides = array<i32>} : memref<40x512xf32, #tpu.memory_space<vmem>>, vector<1x16xf32>,
            %get3A_402 = vector.shape_cast %get3A_401 : vector<1x16xf32> to vector<16xf32>
            %swap3A_403 = arith.constant 40 : i32
            %swap3A_404 = arith.constant 0 : i32
            %swap3A_405 = tpu.memref_slice %arg8[%swap3A_403, %swap3A_404] : memref<80x512xf32, #tpu.memory_space<vmem>> -> memref<40x512xf32, #tpu.memory_space<vmem>>
            %swap3A_406 = arith.index_cast %scan3A_148 : i32 to index
            %swap3A_407 = arith.constant 336 : index
            %swap3A_408 = tpu.vector_load %swap3A_405[%swap3A_406, %swap3A_407] {strides = array<i32>} : memref<40x512xf32, #tpu.memory_space<vmem>>, vector<1x16xf32>,
            %swap3A_409 = vector.shape_cast %swap3A_408 : vector<1x16xf32> to vector<16xf32>
            %swap3A_410 = vector.shape_cast %get3A_402 : vector<16xf32> to vector<1x16xf32>
            tpu.vector_store %swap3A_405[%swap3A_406, %swap3A_407], %swap3A_410 {add = true, strides = array<i32>} : memref<40x512xf32, #tpu.memory_space<vmem>>, vector<1x16xf32>,
            %get3A_411 = arith.index_cast %scan3A_148 : i32 to index
            %get3A_412 = arith.constant 352 : index
            %get3A_413 = tpu.vector_load %arg7[%get3A_411, %get3A_412] {strides = array<i32>} : memref<40x512xf32, #tpu.memory_space<vmem>>, vector<1x16xf32>,
            %get3A_414 = vector.shape_cast %get3A_413 : vector<1x16xf32> to vector<16xf32>
            %swap3A_415 = arith.constant 40 : i32
            %swap3A_416 = arith.constant 0 : i32
            %swap3A_417 = tpu.memref_slice %arg8[%swap3A_415, %swap3A_416] : memref<80x512xf32, #tpu.memory_space<vmem>> -> memref<40x512xf32, #tpu.memory_space<vmem>>
            %swap3A_418 = arith.index_cast %scan3A_148 : i32 to index
            %swap3A_419 = arith.constant 352 : index
            %swap3A_420 = tpu.vector_load %swap3A_417[%swap3A_418, %swap3A_419] {strides = array<i32>} : memref<40x512xf32, #tpu.memory_space<vmem>>, vector<1x16xf32>,
            %swap3A_421 = vector.shape_cast %swap3A_420 : vector<1x16xf32> to vector<16xf32>
            %swap3A_422 = vector.shape_cast %get3A_414 : vector<16xf32> to vector<1x16xf32>
            tpu.vector_store %swap3A_417[%swap3A_418, %swap3A_419], %swap3A_422 {add = true, strides = array<i32>} : memref<40x512xf32, #tpu.memory_space<vmem>>, vector<1x16xf32>,
            %get3A_423 = arith.index_cast %scan3A_148 : i32 to index
            %get3A_424 = arith.constant 368 : index
            %get3A_425 = tpu.vector_load %arg7[%get3A_423, %get3A_424] {strides = array<i32>} : memref<40x512xf32, #tpu.memory_space<vmem>>, vector<1x16xf32>,
            %get3A_426 = vector.shape_cast %get3A_425 : vector<1x16xf32> to vector<16xf32>
            %swap3A_427 = arith.constant 40 : i32
            %swap3A_428 = arith.constant 0 : i32
            %swap3A_429 = tpu.memref_slice %arg8[%swap3A_427, %swap3A_428] : memref<80x512xf32, #tpu.memory_space<vmem>> -> memref<40x512xf32, #tpu.memory_space<vmem>>
            %swap3A_430 = arith.index_cast %scan3A_148 : i32 to index
            %swap3A_431 = arith.constant 368 : index
            %swap3A_432 = tpu.vector_load %swap3A_429[%swap3A_430, %swap3A_431] {strides = array<i32>} : memref<40x512xf32, #tpu.memory_space<vmem>>, vector<1x16xf32>,
            %swap3A_433 = vector.shape_cast %swap3A_432 : vector<1x16xf32> to vector<16xf32>
            %swap3A_434 = vector.shape_cast %get3A_426 : vector<16xf32> to vector<1x16xf32>
            tpu.vector_store %swap3A_429[%swap3A_430, %swap3A_431], %swap3A_434 {add = true, strides = array<i32>} : memref<40x512xf32, #tpu.memory_space<vmem>>, vector<1x16xf32>,
            %get3A_435 = arith.index_cast %scan3A_148 : i32 to index
            %get3A_436 = arith.constant 384 : index
            %get3A_437 = tpu.vector_load %arg7[%get3A_435, %get3A_436] {strides = array<i32>} : memref<40x512xf32, #tpu.memory_space<vmem>>, vector<1x16xf32>,
            %get3A_438 = vector.shape_cast %get3A_437 : vector<1x16xf32> to vector<16xf32>
            %swap3A_439 = arith.constant 40 : i32
            %swap3A_440 = arith.constant 0 : i32
            %swap3A_441 = tpu.memref_slice %arg8[%swap3A_439, %swap3A_440] : memref<80x512xf32, #tpu.memory_space<vmem>> -> memref<40x512xf32, #tpu.memory_space<vmem>>
            %swap3A_442 = arith.index_cast %scan3A_148 : i32 to index
            %swap3A_443 = arith.constant 384 : index
            %swap3A_444 = tpu.vector_load %swap3A_441[%swap3A_442, %swap3A_443] {strides = array<i32>} : memref<40x512xf32, #tpu.memory_space<vmem>>, vector<1x16xf32>,
            %swap3A_445 = vector.shape_cast %swap3A_444 : vector<1x16xf32> to vector<16xf32>
            %swap3A_446 = vector.shape_cast %get3A_438 : vector<16xf32> to vector<1x16xf32>
            tpu.vector_store %swap3A_441[%swap3A_442, %swap3A_443], %swap3A_446 {add = true, strides = array<i32>} : memref<40x512xf32, #tpu.memory_space<vmem>>, vector<1x16xf32>,
            %get3A_447 = arith.index_cast %scan3A_148 : i32 to index
            %get3A_448 = arith.constant 400 : index
            %get3A_449 = tpu.vector_load %arg7[%get3A_447, %get3A_448] {strides = array<i32>} : memref<40x512xf32, #tpu.memory_space<vmem>>, vector<1x16xf32>,
            %get3A_450 = vector.shape_cast %get3A_449 : vector<1x16xf32> to vector<16xf32>
            %swap3A_451 = arith.constant 40 : i32
            %swap3A_452 = arith.constant 0 : i32
            %swap3A_453 = tpu.memref_slice %arg8[%swap3A_451, %swap3A_452] : memref<80x512xf32, #tpu.memory_space<vmem>> -> memref<40x512xf32, #tpu.memory_space<vmem>>
            %swap3A_454 = arith.index_cast %scan3A_148 : i32 to index
            %swap3A_455 = arith.constant 400 : index
            %swap3A_456 = tpu.vector_load %swap3A_453[%swap3A_454, %swap3A_455] {strides = array<i32>} : memref<40x512xf32, #tpu.memory_space<vmem>>, vector<1x16xf32>,
            %swap3A_457 = vector.shape_cast %swap3A_456 : vector<1x16xf32> to vector<16xf32>
            %swap3A_458 = vector.shape_cast %get3A_450 : vector<16xf32> to vector<1x16xf32>
            tpu.vector_store %swap3A_453[%swap3A_454, %swap3A_455], %swap3A_458 {add = true, strides = array<i32>} : memref<40x512xf32, #tpu.memory_space<vmem>>, vector<1x16xf32>,
            %get3A_459 = arith.index_cast %scan3A_148 : i32 to index
            %get3A_460 = arith.constant 416 : index
            %get3A_461 = tpu.vector_load %arg7[%get3A_459, %get3A_460] {strides = array<i32>} : memref<40x512xf32, #tpu.memory_space<vmem>>, vector<1x16xf32>,
            %get3A_462 = vector.shape_cast %get3A_461 : vector<1x16xf32> to vector<16xf32>
            %swap3A_463 = arith.constant 40 : i32
            %swap3A_464 = arith.constant 0 : i32
            %swap3A_465 = tpu.memref_slice %arg8[%swap3A_463, %swap3A_464] : memref<80x512xf32, #tpu.memory_space<vmem>> -> memref<40x512xf32, #tpu.memory_space<vmem>>
            %swap3A_466 = arith.index_cast %scan3A_148 : i32 to index
            %swap3A_467 = arith.constant 416 : index
            %swap3A_468 = tpu.vector_load %swap3A_465[%swap3A_466, %swap3A_467] {strides = array<i32>} : memref<40x512xf32, #tpu.memory_space<vmem>>, vector<1x16xf32>,
            %swap3A_469 = vector.shape_cast %swap3A_468 : vector<1x16xf32> to vector<16xf32>
            %swap3A_470 = vector.shape_cast %get3A_462 : vector<16xf32> to vector<1x16xf32>
            tpu.vector_store %swap3A_465[%swap3A_466, %swap3A_467], %swap3A_470 {add = true, strides = array<i32>} : memref<40x512xf32, #tpu.memory_space<vmem>>, vector<1x16xf32>,
            %get3A_471 = arith.index_cast %scan3A_148 : i32 to index
            %get3A_472 = arith.constant 432 : index
            %get3A_473 = tpu.vector_load %arg7[%get3A_471, %get3A_472] {strides = array<i32>} : memref<40x512xf32, #tpu.memory_space<vmem>>, vector<1x16xf32>,
            %get3A_474 = vector.shape_cast %get3A_473 : vector<1x16xf32> to vector<16xf32>
            %swap3A_475 = arith.constant 40 : i32
            %swap3A_476 = arith.constant 0 : i32
            %swap3A_477 = tpu.memref_slice %arg8[%swap3A_475, %swap3A_476] : memref<80x512xf32, #tpu.memory_space<vmem>> -> memref<40x512xf32, #tpu.memory_space<vmem>>
            %swap3A_478 = arith.index_cast %scan3A_148 : i32 to index
            %swap3A_479 = arith.constant 432 : index
            %swap3A_480 = tpu.vector_load %swap3A_477[%swap3A_478, %swap3A_479] {strides = array<i32>} : memref<40x512xf32, #tpu.memory_space<vmem>>, vector<1x16xf32>,
            %swap3A_481 = vector.shape_cast %swap3A_480 : vector<1x16xf32> to vector<16xf32>
            %swap3A_482 = vector.shape_cast %get3A_474 : vector<16xf32> to vector<1x16xf32>
            tpu.vector_store %swap3A_477[%swap3A_478, %swap3A_479], %swap3A_482 {add = true, strides = array<i32>} : memref<40x512xf32, #tpu.memory_space<vmem>>, vector<1x16xf32>,
            %get3A_483 = arith.index_cast %scan3A_148 : i32 to index
            %get3A_484 = arith.constant 448 : index
            %get3A_485 = tpu.vector_load %arg7[%get3A_483, %get3A_484] {strides = array<i32>} : memref<40x512xf32, #tpu.memory_space<vmem>>, vector<1x16xf32>,
            %get3A_486 = vector.shape_cast %get3A_485 : vector<1x16xf32> to vector<16xf32>
            %swap3A_487 = arith.constant 40 : i32
            %swap3A_488 = arith.constant 0 : i32
            %swap3A_489 = tpu.memref_slice %arg8[%swap3A_487, %swap3A_488] : memref<80x512xf32, #tpu.memory_space<vmem>> -> memref<40x512xf32, #tpu.memory_space<vmem>>
            %swap3A_490 = arith.index_cast %scan3A_148 : i32 to index
            %swap3A_491 = arith.constant 448 : index
            %swap3A_492 = tpu.vector_load %swap3A_489[%swap3A_490, %swap3A_491] {strides = array<i32>} : memref<40x512xf32, #tpu.memory_space<vmem>>, vector<1x16xf32>,
            %swap3A_493 = vector.shape_cast %swap3A_492 : vector<1x16xf32> to vector<16xf32>
            %swap3A_494 = vector.shape_cast %get3A_486 : vector<16xf32> to vector<1x16xf32>
            tpu.vector_store %swap3A_489[%swap3A_490, %swap3A_491], %swap3A_494 {add = true, strides = array<i32>} : memref<40x512xf32, #tpu.memory_space<vmem>>, vector<1x16xf32>,
            %get3A_495 = arith.index_cast %scan3A_148 : i32 to index
            %get3A_496 = arith.constant 464 : index
            %get3A_497 = tpu.vector_load %arg7[%get3A_495, %get3A_496] {strides = array<i32>} : memref<40x512xf32, #tpu.memory_space<vmem>>, vector<1x16xf32>,
            %get3A_498 = vector.shape_cast %get3A_497 : vector<1x16xf32> to vector<16xf32>
            %swap3A_499 = arith.constant 40 : i32
            %swap3A_500 = arith.constant 0 : i32
            %swap3A_501 = tpu.memref_slice %arg8[%swap3A_499, %swap3A_500] : memref<80x512xf32, #tpu.memory_space<vmem>> -> memref<40x512xf32, #tpu.memory_space<vmem>>
            %swap3A_502 = arith.index_cast %scan3A_148 : i32 to index
            %swap3A_503 = arith.constant 464 : index
            %swap3A_504 = tpu.vector_load %swap3A_501[%swap3A_502, %swap3A_503] {strides = array<i32>} : memref<40x512xf32, #tpu.memory_space<vmem>>, vector<1x16xf32>,
            %swap3A_505 = vector.shape_cast %swap3A_504 : vector<1x16xf32> to vector<16xf32>
            %swap3A_506 = vector.shape_cast %get3A_498 : vector<16xf32> to vector<1x16xf32>
            tpu.vector_store %swap3A_501[%swap3A_502, %swap3A_503], %swap3A_506 {add = true, strides = array<i32>} : memref<40x512xf32, #tpu.memory_space<vmem>>, vector<1x16xf32>,
            %get3A_507 = arith.index_cast %scan3A_148 : i32 to index
            %get3A_508 = arith.constant 480 : index
            %get3A_509 = tpu.vector_load %arg7[%get3A_507, %get3A_508] {strides = array<i32>} : memref<40x512xf32, #tpu.memory_space<vmem>>, vector<1x16xf32>,
            %get3A_510 = vector.shape_cast %get3A_509 : vector<1x16xf32> to vector<16xf32>
            %swap3A_511 = arith.constant 40 : i32
            %swap3A_512 = arith.constant 0 : i32
            %swap3A_513 = tpu.memref_slice %arg8[%swap3A_511, %swap3A_512] : memref<80x512xf32, #tpu.memory_space<vmem>> -> memref<40x512xf32, #tpu.memory_space<vmem>>
            %swap3A_514 = arith.index_cast %scan3A_148 : i32 to index
            %swap3A_515 = arith.constant 480 : index
            %swap3A_516 = tpu.vector_load %swap3A_513[%swap3A_514, %swap3A_515] {strides = array<i32>} : memref<40x512xf32, #tpu.memory_space<vmem>>, vector<1x16xf32>,
            %swap3A_517 = vector.shape_cast %swap3A_516 : vector<1x16xf32> to vector<16xf32>
            %swap3A_518 = vector.shape_cast %get3A_510 : vector<16xf32> to vector<1x16xf32>
            tpu.vector_store %swap3A_513[%swap3A_514, %swap3A_515], %swap3A_518 {add = true, strides = array<i32>} : memref<40x512xf32, #tpu.memory_space<vmem>>, vector<1x16xf32>,
            %get3A_519 = arith.index_cast %scan3A_148 : i32 to index
            %get3A_520 = arith.constant 496 : index
            %get3A_521 = tpu.vector_load %arg7[%get3A_519, %get3A_520] {strides = array<i32>} : memref<40x512xf32, #tpu.memory_space<vmem>>, vector<1x16xf32>,
            %get3A_522 = vector.shape_cast %get3A_521 : vector<1x16xf32> to vector<16xf32>
            %swap3A_523 = arith.constant 40 : i32
            %swap3A_524 = arith.constant 0 : i32
            %swap3A_525 = tpu.memref_slice %arg8[%swap3A_523, %swap3A_524] : memref<80x512xf32, #tpu.memory_space<vmem>> -> memref<40x512xf32, #tpu.memory_space<vmem>>
            %swap3A_526 = arith.index_cast %scan3A_148 : i32 to index
            %swap3A_527 = arith.constant 496 : index
            %swap3A_528 = tpu.vector_load %swap3A_525[%swap3A_526, %swap3A_527] {strides = array<i32>} : memref<40x512xf32, #tpu.memory_space<vmem>>, vector<1x16xf32>,
            %swap3A_529 = vector.shape_cast %swap3A_528 : vector<1x16xf32> to vector<16xf32>
            %swap3A_530 = vector.shape_cast %get3A_522 : vector<16xf32> to vector<1x16xf32>
            tpu.vector_store %swap3A_525[%swap3A_526, %swap3A_527], %swap3A_530 {add = true, strides = array<i32>} : memref<40x512xf32, #tpu.memory_space<vmem>>, vector<1x16xf32>,
          }
          %scan3A_132 = arith.constant 40 : i32
          %mul3A_133 = arith.constant 200 : i32
          %mul3A_134 = arith.muli %sub3A_118, %mul3A_133 : i32
          %add3A_135 = arith.addi %mul3A_2, %mul3A_134 : i32
          %mul3A_136 = arith.constant 40 : i32
          %mul3A_137 = arith.muli %scan3A_57, %mul3A_136 : i32
          %add3A_138 = arith.addi %add3A_135, %mul3A_137 : i32
          %dma_start3A = arith.constant 40 : i32
          %dma_start3A_139 = arith.constant 0 : i32
          %dma_start3A_140 = tpu.memref_slice %arg8[%dma_start3A, %dma_start3A_139] : memref<80x512xf32, #tpu.memory_space<vmem>> -> memref<40x512xf32, #tpu.memory_space<vmem>>
          %dma_start3A_141 = arith.constant 0 : i32
          %dma_start3A_142 = tpu.memref_slice %arg5[%add3A_138, %dma_start3A_141] : memref<204800x512xf32, #tpu.memory_space<hbm>> -> memref<40x512xf32, #tpu.memory_space<hbm>>
          %dma_start3A_143 = arith.constant 0 : i32
          %dma_start3A_144 = tpu.memref_slice %arg5[%add3A_138, %dma_start3A_143] : memref<204800x512xf32, #tpu.memory_space<hbm>> -> memref<40x512xf32, #tpu.memory_space<hbm>>
          %dma_start3A_145 = arith.constant 40 : i32
          %dma_start3A_146 = arith.constant 0 : i32
          %dma_start3A_147 = tpu.memref_slice %arg8[%dma_start3A_145, %dma_start3A_146] : memref<80x512xf32, #tpu.memory_space<vmem>> -> memref<40x512xf32, #tpu.memory_space<vmem>>
          tpu.enqueue_dma source(%dma_start3A_147 : memref<40x512xf32, #tpu.memory_space<vmem>>) target(%dma_start3A_144 : memref<40x512xf32, #tpu.memory_space<hbm>>) target_semaphore(%arg13 : memref<!tpu.dma_semaphore, #tpu.memory_space<semaphore_mem>>)
        } else {
        }
      }
      %scan3A_65 = arith.constant 9 : i32
    }
    %scan3A_9 = arith.constant 5 : i32
    %dma_wait3A = arith.constant 0 : i32
    %dma_wait3A_10 = arith.constant 0 : i32
    %dma_wait3A_11 = tpu.memref_slice %arg8[%dma_wait3A, %dma_wait3A_10] : memref<80x512xf32, #tpu.memory_space<vmem>> -> memref<40x512xf32, #tpu.memory_space<vmem>>
    %dma_wait3A_12 = arith.constant 0 : i32
    %dma_wait3A_13 = arith.constant 0 : i32
    %dma_wait3A_14 = tpu.memref_slice %arg5[%dma_wait3A_12, %dma_wait3A_13] : memref<204800x512xf32, #tpu.memory_space<hbm>> -> memref<40x512xf32, #tpu.memory_space<hbm>>
    %dma_wait3A_15 = arith.constant 0 : i32
    %dma_wait3A_16 = arith.constant 0 : i32
    %dma_wait3A_17 = tpu.memref_slice %arg5[%dma_wait3A_15, %dma_wait3A_16] : memref<204800x512xf32, #tpu.memory_space<hbm>> -> memref<40x512xf32, #tpu.memory_space<hbm>>
    %dma_wait3A_18 = arith.constant 0 : i32
    %dma_wait3A_19 = arith.constant 0 : i32
    %dma_wait3A_20 = tpu.memref_slice %arg8[%dma_wait3A_18, %dma_wait3A_19] : memref<80x512xf32, #tpu.memory_space<vmem>> -> memref<40x512xf32, #tpu.memory_space<vmem>>
    tpu.wait_dma2 semaphore(%arg12 : memref<!tpu.dma_semaphore, #tpu.memory_space<semaphore_mem>>) src(%dma_wait3A_20 : memref<40x512xf32, #tpu.memory_space<vmem>>) dst(%dma_wait3A_17 : memref<40x512xf32, #tpu.memory_space<hbm>>)
    %dma_wait3A_21 = arith.constant 40 : i32
    %dma_wait3A_22 = arith.constant 0 : i32
    %dma_wait3A_23 = tpu.memref_slice %arg8[%dma_wait3A_21, %dma_wait3A_22] : memref<80x512xf32, #tpu.memory_space<vmem>> -> memref<40x512xf32, #tpu.memory_space<vmem>>
    %dma_wait3A_24 = arith.constant 0 : i32
    %dma_wait3A_25 = arith.constant 0 : i32
    %dma_wait3A_26 = tpu.memref_slice %arg5[%dma_wait3A_24, %dma_wait3A_25] : memref<204800x512xf32, #tpu.memory_space<hbm>> -> memref<40x512xf32, #tpu.memory_space<hbm>>
    %dma_wait3A_27 = arith.constant 0 : i32
    %dma_wait3A_28 = arith.constant 0 : i32
    %dma_wait3A_29 = tpu.memref_slice %arg5[%dma_wait3A_27, %dma_wait3A_28] : memref<204800x512xf32, #tpu.memory_space<hbm>> -> memref<40x512xf32, #tpu.memory_space<hbm>>
    %dma_wait3A_30 = arith.constant 40 : i32
    %dma_wait3A_31 = arith.constant 0 : i32
    %dma_wait3A_32 = tpu.memref_slice %arg8[%dma_wait3A_30, %dma_wait3A_31] : memref<80x512xf32, #tpu.memory_space<vmem>> -> memref<40x512xf32, #tpu.memory_space<vmem>>
    tpu.wait_dma2 semaphore(%arg13 : memref<!tpu.dma_semaphore, #tpu.memory_space<semaphore_mem>>) src(%dma_wait3A_32 : memref<40x512xf32, #tpu.memory_space<vmem>>) dst(%dma_wait3A_29 : memref<40x512xf32, #tpu.memory_space<hbm>>)
    %dma_wait3A_33 = arith.constant 0 : i32
    %dma_wait3A_34 = arith.constant 0 : i32
    %dma_wait3A_35 = tpu.memref_slice %arg9[%dma_wait3A_33, %dma_wait3A_34] : memref<80x512xf32, #tpu.memory_space<vmem>> -> memref<40x512xf32, #tpu.memory_space<vmem>>
    %dma_wait3A_36 = arith.constant 0 : i32
    %dma_wait3A_37 = arith.constant 0 : i32
    %dma_wait3A_38 = tpu.memref_slice %arg5[%dma_wait3A_36, %dma_wait3A_37] : memref<204800x512xf32, #tpu.memory_space<hbm>> -> memref<40x512xf32, #tpu.memory_space<hbm>>
    %dma_wait3A_39 = arith.constant 0 : i32
    %dma_wait3A_40 = arith.constant 0 : i32
    %dma_wait3A_41 = tpu.memref_slice %arg5[%dma_wait3A_39, %dma_wait3A_40] : memref<204800x512xf32, #tpu.memory_space<hbm>> -> memref<40x512xf32, #tpu.memory_space<hbm>>
    %dma_wait3A_42 = arith.constant 0 : i32
    %dma_wait3A_43 = arith.constant 0 : i32
    %dma_wait3A_44 = tpu.memref_slice %arg9[%dma_wait3A_42, %dma_wait3A_43] : memref<80x512xf32, #tpu.memory_space<vmem>> -> memref<40x512xf32, #tpu.memory_space<vmem>>
    tpu.wait_dma2 semaphore(%arg14 : memref<!tpu.dma_semaphore, #tpu.memory_space<semaphore_mem>>) src(%dma_wait3A_44 : memref<40x512xf32, #tpu.memory_space<vmem>>) dst(%dma_wait3A_41 : memref<40x512xf32, #tpu.memory_space<hbm>>)
    %dma_wait3A_45 = arith.constant 40 : i32
    %dma_wait3A_46 = arith.constant 0 : i32
    %dma_wait3A_47 = tpu.memref_slice %arg9[%dma_wait3A_45, %dma_wait3A_46] : memref<80x512xf32, #tpu.memory_space<vmem>> -> memref<40x512xf32, #tpu.memory_space<vmem>>
    %dma_wait3A_48 = arith.constant 0 : i32
    %dma_wait3A_49 = arith.constant 0 : i32
    %dma_wait3A_50 = tpu.memref_slice %arg5[%dma_wait3A_48, %dma_wait3A_49] : memref<204800x512xf32, #tpu.memory_space<hbm>> -> memref<40x512xf32, #tpu.memory_space<hbm>>
    %dma_wait3A_51 = arith.constant 0 : i32
    %dma_wait3A_52 = arith.constant 0 : i32
    %dma_wait3A_53 = tpu.memref_slice %arg5[%dma_wait3A_51, %dma_wait3A_52] : memref<204800x512xf32, #tpu.memory_space<hbm>> -> memref<40x512xf32, #tpu.memory_space<hbm>>
    %dma_wait3A_54 = arith.constant 40 : i32
    %dma_wait3A_55 = arith.constant 0 : i32
    %dma_wait3A_56 = tpu.memref_slice %arg9[%dma_wait3A_54, %dma_wait3A_55] : memref<80x512xf32, #tpu.memory_space<vmem>> -> memref<40x512xf32, #tpu.memory_space<vmem>>
    tpu.wait_dma2 semaphore(%arg15 : memref<!tpu.dma_semaphore, #tpu.memory_space<semaphore_mem>>) src(%dma_wait3A_56 : memref<40x512xf32, #tpu.memory_space<vmem>>) dst(%dma_wait3A_53 : memref<40x512xf32, #tpu.memory_space<hbm>>)
    return
  }
}

</mosaic_0001>

<sc_bundles>
// kernel: kernel.3.cloned.1.call-start
scs
__scs_entry_jumppad:
0x0: {  	(pc) =	sbr.rel $0x88, $3  }
0x1: {  	(tag) =	ssettag $0x0;
	lr =	simm.s32 $0x1  }
0x2: {  	[smem:$0x3F9F] =	sst lr;
	_ =	strace $0xD0000000  }
0x3: {  	_ = 	snop  }
0x4: {  	_ = 	snop  }
0x5: {  	_ = 	snop  }
0x6: {  	_ = 	snop  }
0x7: {  	_ = 	snop  }
__scs_overlays_trampoline_lowered:
0x8: {  	[smem:$0x3FAE] =	sst s0  }
0x9: {  	[smem:$0x3FAF] =	sst s1  }
0xa: {  	[smem:$0x3FB0] =	sst s2  }
0xb: {  	[smem:$0x3FB1] =	sst s3  }
0xc: {  	[smem:$0x3FB2] =	sst s4  }
0xd: {  	[smem:$0x3FB3] =	sst s5  }
0xe: {  	[smem:$0x3FB4] =	sst s6  }
0xf: {  	[smem:$0x3FB5] =	sst s7  }
0x10: {  	[smem:$0x3FB6] =	sst s8  }
0x11: {  	[smem:$0x3FB7] =	sst s9;
	s0 =	simm.s32 @!p0 $0x0  }
0x12: {  	s1 =	sld [smem:$0x3F9D];
	s0 =	simm.s32 @p0 $0x1  }
0x13: {  	[smem:$0x3FB8] =	sst s0;
	s0 =	simm.s32 @!p1 $0x0  }
0x14: {  	s2 =	sld [smem:$0x3F9C];
	s0 =	simm.s32 @p1 $0x1  }
0x15: {  	[smem:$0x3FB9] =	sst s0;
	s0 =	simm.s32 @!p2 $0x0  }
0x16: {  	s3 =	sld [smem:$0x3FDB];
	s0 =	simm.s32 @p2 $0x1  }
0x17: {  	s4 =	simm.s32 $0x1BF5;
	[smem:$0x3FBB] =	sst s0  }
0x18: {  	s0 =	sld [smem:$0x3F9E];
	_ =	swait.ge [sflag:s4], $0x0  }
0x19: {  	s7 =	sld [smem:$0x3F9F]  }
0x1a: {  	s8 =	sadd.s32 $0xFFFFE003, lr  }
0x1b: {  	s9 =	sadd.s32 $0xFFFFFEF7, lr;
	s5 =	simm.s32 $0xFFFFFFFF;
	p2 =	slt.u32 s8, $0xFFFFF086  }
0x1c: {  	p1 =	slt.u32 s9, $0xF7A;
	s5 =	simm.s32 @!p2 $0x0  }
0x1d: {  	s5 =	simm.s32 @p1 $0x1;
	p0 =	seq.s32 s7, s2  }
0x1e: {  	s7 =	smul.u32 @!p0 $0xF7A, s2;
	p2 =	seq.s32 @!p0 s5, $0x0  }
0x1f: {  	s9 =	smul.u32 $0xF7A, s1;
	s8 =	simm.s32 @!p0 $0x1BF5;
	p2 =	por !p2, p0  }
0x20: {  	[sflag:s8] =	ssyncset.s32 @!p0 $0xFFFFF086;
	s6 =	sadd.s32 @!p0 s3, s7;
	s7 =	simm.s32 @!p0 $0x108  }
0x21: {  	s3 =	sadd.s32 s3, s9;
	s6 =	sadd.s32 @!p0 $0x88, s6;
	s7 =	simm.s32 @p2 $0x1082  }
0x22: {  	[simem:s7], [sflag:s8] =	dma.local @!p0 [hbm:s6], $0xF7A  }
0x23: {  	s9 =	sor.u32 $0xD0000000, s2;
	s6 =	simm.s32 $0x108;
	_ =	swait.ge @!p0 [sflag:s8], $0x0  }
0x24: {  	s3 =	sadd.s32 $0x88, s3;
	s6 =	simm.s32 @!p1 $0x1082;
	[sflag:s4] =	ssyncset.s32 $0xFFFFF086  }
0x25: {  	[simem:s6], [sflag:s4] =	dma.local [hbm:s3], $0xF7A  }
0x26: {  	[smem:$0x3F9F] =	sst s1;
	(tag) =	ssettag s2;
	_ =	strace s9  }
0x27: {  	s1 =	sld [smem:$0x3FAF]  }
0x28: {  	s2 =	sld [smem:$0x3FB0]  }
0x29: {  	s4 =	sld [smem:$0x3FB2]  }
0x2a: {  	p0 =	seq.s32 s5, $0x0;
	s5 =	sld [smem:$0x3FB3]  }
0x2b: {  	s6 =	sld [smem:$0x3FB4]  }
0x2c: {  	s7 =	sld [smem:$0x3FB5]  }
0x2d: {  	s3 =	simm.s32 $0x108;
	s8 =	sld [smem:$0x3FB6]  }
0x2e: {  	s3 =	simm.s32 @!p0 $0x1082;
	s9 =	sld [smem:$0x3FB7]  }
0x2f: {  	lr =	sadd.s32 s0, s3;
	s0 =	sld [smem:$0x3FAE]  }
0x30: {  	s3 =	sld [smem:$0x3FB1]  }
0x31: {  	[smem:$0x3FBA] =	sst s10  }
0x32: {  	s10 =	sld [smem:$0x3FB8];
	_ =	sdelay $0x3  }
0x33: {  	p0 =	seq.s32 s10, $0x1;
	s10 =	sld [smem:$0x3FBA];
	_ =	sdelay $0x3  }
0x34: {  	[smem:$0x3FBA] =	sst s10  }
0x35: {  	s10 =	sld [smem:$0x3FB9];
	_ =	sdelay $0x3  }
0x36: {  	p1 =	seq.s32 s10, $0x1;
	s10 =	sld [smem:$0x3FBA];
	_ =	sdelay $0x3  }
0x37: {  	[smem:$0x3FBA] =	sst s10  }
0x38: {  	s10 =	sld [smem:$0x3FBB]  }
0x39: {  	_ = 	snop;
	(pc) =	sbr.ind lr, $3  }
0x3a: {  	_ = 	snop  }
0x3b: {  	_ = 	snop  }
0x3c: {  	p2 =	seq.s32 s10, $0x1;
	s10 =	sld [smem:$0x3FBA]  }
0x3d: {  	_ =	shalt  }
0x3e: {  	_ =	shalt  }
0x3f: {  	_ =	shalt  }
0x40: {  	_ =	shalt  }
0x41: {  	_ =	shalt  }
0x42: {  	_ =	shalt  }
0x43: {  	_ =	shalt  }
0x44: {  	_ =	shalt  }
0x45: {  	_ =	shalt  }
0x46: {  	_ =	shalt  }
0x47: {  	_ =	shalt  }
0x48: {  	_ =	shalt  }
0x49: {  	_ =	shalt  }
0x4a: {  	_ =	shalt  }
0x4b: {  	_ =	shalt  }
0x4c: {  	_ =	shalt  }
0x4d: {  	_ =	shalt  }
0x4e: {  	_ =	shalt  }
0x4f: {  	_ =	shalt  }
0x50: {  	_ =	shalt  }
0x51: {  	_ =	shalt  }
0x52: {  	_ =	shalt  }
0x53: {  	_ =	shalt  }
0x54: {  	_ =	shalt  }
0x55: {  	_ =	shalt  }
0x56: {  	_ =	shalt  }
0x57: {  	_ =	shalt  }
0x58: {  	_ =	shalt  }
0x59: {  	_ =	shalt  }
0x5a: {  	_ =	shalt  }
0x5b: {  	_ =	shalt  }
0x5c: {  	_ =	shalt  }
0x5d: {  	_ =	shalt  }
0x5e: {  	_ =	shalt  }
0x5f: {  	_ =	shalt  }
0x60: {  	_ =	shalt  }
0x61: {  	_ =	shalt  }
0x62: {  	_ =	shalt  }
0x63: {  	_ =	shalt  }
0x64: {  	_ =	shalt  }
0x65: {  	_ =	shalt  }
0x66: {  	_ =	shalt  }
0x67: {  	_ =	shalt  }
0x68: {  	_ =	shalt  }
0x69: {  	_ =	shalt  }
0x6a: {  	_ =	shalt  }
0x6b: {  	_ =	shalt  }
0x6c: {  	_ =	shalt  }
0x6d: {  	_ =	shalt  }
0x6e: {  	_ =	shalt  }
0x6f: {  	_ =	shalt  }
0x70: {  	_ =	shalt  }
0x71: {  	_ =	shalt  }
0x72: {  	_ =	shalt  }
0x73: {  	_ =	shalt  }
0x74: {  	_ =	shalt  }
0x75: {  	_ =	shalt  }
0x76: {  	_ =	shalt  }
0x77: {  	_ =	shalt  }
0x78: {  	_ =	shalt  }
0x79: {  	_ =	shalt  }
0x7a: {  	_ =	shalt  }
0x7b: {  	_ =	shalt  }
0x7c: {  	_ =	shalt  }
0x7d: {  	_ =	shalt  }
0x7e: {  	_ =	shalt  }
0x7f: {  	_ =	shalt  }
0x80: {  	_ =	shalt  }
0x81: {  	_ =	shalt  }
0x82: {  	_ =	shalt  }
0x83: {  	_ =	shalt  }
0x84: {  	_ =	shalt  }
0x85: {  	_ =	shalt  }
0x86: {  	_ =	shalt  }
0x87: {  	_ =	shalt  }
.Lfunc_end0:
.L_simem_size_0:
called_computation_lowered:
.L_overlay_start_0:
0x88: {  	s2 =	sld [smem:$0x3FD9]  }
0x89: {  	s3 =	sld [smem:$0x3FFE];
	_ =	sdelay $0x1  }
0x8a: {  	s1 =	srdreg.scid  }
0x8b: {  	s0 =	sand.u32 $0x1, s1  }
0x8c: {  	s17 =	sshll.u32 s0, $0xA;
	s2 =	sadd.s32 s3, s2  }
0x8d: {  	s2 =	sadd.s32 s2, s17  }
0x8e: {  	[smem:$0x3FC6] =	sst s2  }
0x8f: {  	_ = 	snop  }
0x90: {  	s2 =	sld [smem:$0x3FC8]  }
0x91: {  	s18 =	sld [smem:$0x3FD0];
	(tm) =	ssettm $0x1  }
0x92: {  	s4 =	sld [smem:$0x3FFB];
	_ =	sdelay $0x3  }
0x93: {  	_ =	strace s4  }
0x94: {  	s4 =	sld [smem:$0x3FFC];
	_ =	sdelay $0x3  }
0x95: {  	_ =	strace s4  }
0x96: {  	s4 =	sld [smem:$0x3FFD];
	_ =	sdelay $0x3  }
0x97: {  	_ =	strace s4  }
0x98: {  	_ =	strace $0x8FFFFFFF  }
0x99: {  	s19 =	sld [smem:$0x3FDB];
	_ =	sdelay $0x1  }
0x9a: {  	s5 =	simm.s32 $_scs_section_size  }
0x9b: {  	s6 =	simm.s32 $_size__tile_overlayer_lowered;
	s7 =	simm.s32 $_tile_overlayer_lowered  }
0x9c: {  	s22 =	simm.s32 $0x1BFF;
	s21 =	sshll.u32 s7, $0x1;
	s4 =	sadd.s32 s5, s19  }
0x9d: {  	s8 =	simm.s32 $0x0;
	s20 =	sshll.u32 s6, $0x1;
	s6 =	sadd.s32 s21, s4  }
0x9e: {  	[timem:s8], [sflag:s22] =	dma.local [hbm:s6], s20  }
0x9f: {  	_ =	swait.ge [sflag:s22], s20  }
0xa0: {  	s5 =	ssub.s32 $0x0, s20;
	[sflag:s22] =	ssyncset.done $0x0  }
0xa1: {  	[sflag:s22] =	ssyncadd.s32 s5;
	_ =	sdelay $0x1  }
0xa2: {  	s23 =	simm.s32 $0x1B8B  }
0xa3: {  	_ =	swait.ge [sflag:s23], $0x1  }
0xa4: {  	[sflag:s23] =	ssyncset.done $0x0  }
0xa5: {  	s25 =	simm.s32 $0x1B8E;
	s24 =	sld [smem:$0x3FFE];
	[sflag:s23] =	ssyncadd.s32 $0xFFFFFFFF  }
0xa6: {  	s26 =	simm.s32 $execute0_lowered;
	[smem:$0x3FD2] =	sst s25  }
0xa7: {  	s6 =	sshll.u32 s26, $0x1;
	_ =	strace $0x80000046;
	[dreg:$0x1] =	wrdreg $0xFFFFFFFF  }
0xa8: {  	s28 =	simm.s32 $_size_execute0_lowered;
	s4 =	sadd.s32 s4, s6;
	[dreg:$0x0] =	wrdreg $0x0  }
0xa9: {  	s6 =	sshll.u32 s28, $0x1;
	[dreg:$0x2] =	wrdreg s4  }
0xaa: {  	[dreg:$0x3] =	wrdreg s6  }
0xab: {  	[dreg:$0x4] =	wrdreg $0xC0  }
0xac: {  	_ =	task [dreg:s8], $0x5FFFF  }
0xad: {  	[dreg:$0x1] =	wrdreg $0xFFFFFFFF  }
0xae: {  	[dreg:$0x0] =	wrdreg $0x60  }
0xaf: {  	[dreg:$0x2] =	wrdreg s2  }
0xb0: {  	[dreg:$0x3] =	wrdreg s24  }
0xb1: {  	[dreg:$0x4] =	wrdreg s18  }
0xb2: {  	[dreg:$0x5] =	wrdreg $0x9  }
0xb3: {  	_ =	task.clear_ibuf [dreg:s8], $0x6FFFF;
	_ =	strace $0x90000046  }
0xb4: {  	s29 =	simm.s32 $0x9;
	_ =	strace $0x80000048  }
0xb5: {  	_ =	swait.ge [sflag:s29], $0x1  }
0xb6: {  	[sflag:s29] =	ssyncadd.s32 $0xFFFFFFFF  }
0xb7: {  	_ =	strace $0x90000048  }
0xb8: {  	_ =	sfence  }
0xb9: {  	s30 =	sld [smem:$0x0];
	_ =	sdelay $0x2  }
0xba: {  	s31 =	sshll.u32 s1, $0xD;
	s1 =	sshrl.u32 s1, $0x2  }
0xbb: {  	s3 =	sand.u32 $0x4000, s31;
	s1 =	sadd.s32 s1, s30  }
0xbc: {  	s0 =	sor.u32 s3, s0;
	s1 =	sshll.u32 s1, $0x11  }
0xbd: {  	s0 =	sor.u32 s1, s0  }
0xbe: {  	s0 =	sadd.s32 $0x8F2B, s0  }
0xbf: {  	[sflag:s0] =	ssyncadd.remote.s32 $0x1  }
0xc0: {  	_ =	sfence.sel $0xFFFF  }
0xc1: {  	[dreg:$0x0] =	wrdreg $0xFFFFFFFF;
	(pc) =	sbr.abs _section_cstart, $3  }
0xc2: {  	[dreg:$0x1] =	wrdreg $0xFFFFFFFF  }
0xc3: {  	_ =	task.clear_ibuf [dreg:s8], $0x2FFFF;
	_ =	strace $0x9FFFFFFF  }
0xc4: {  	(tm) =	ssettm $0x7FFFFFFF  }
0xc5: {  	_ =	shalt  }
tec
execute0_lowered:
.L_overlay_start_1:
0x0: {  	(tag) =	ssettag $0x1  }
0x1: {  	s1 =	rddreg [dreg:$0x0];
	s0 =	srdreg.scid  }
0x2: {  	s3 =	stileid.u32;
	s2 =	rddreg [dreg:$0x1]  }
0x3: {  	s13 =	simm.s32 $0x2;
	s14 =	simm.s32 $0x11800;
	s15 =	simm.s32 $0x16800  }
0x4: {  	s31 =	simm.s32 $0x17800;
	s7 =	simm.s32 $0x19000;
	s10 =	simm.s32 $0x19800  }
0x5: {  	s16 =	simm.s32 $0x1A000;
	s17 =	simm.s32 $0x1A800;
	s18 =	simm.s32 $0x1B000  }
0x6: {  	s19 =	simm.s32 $0x1;
	s0 =	sand.u32 $0x1, s0;
	s4 =	sshll.u32 s3, $0x1  }
0x7: {  	s12 =	simm.s32 $0x7800;
	s11 =	simm.s32 $0x0;
	s5 =	sor.u32 s0, s4  }
0x8: {  	s3 =	rddreg [dreg:$0x2];
	s4 =	simm.s32 $0x0;
	s6 =	smul.u32 $0x500, s5  }
0x9: {  	s0 =	ssub.s32 $0x2, s0;
	[smem:$0x7FF] =	sst s4;
	s5 =	smul.u32 $0x1900, s5  }
0xa: {  	s28 =	sshrl.u32 s0, $0x1;
	_ =	strace $0x80000047;
	s6 =	sadd.s32 s6, s2  }
.Ltmp0:
0xb: {  	s2 =	sadd.s32 $0x800, s2;
	[dreg:$0x5] =	wrdreg s5;
	(pc) =	sbr.rel .LBB2_1-.Ltmp0, $4  }
0xc: {  	s0 =	ssub.s32 s0, s28;
	s30 =	sor.u32 $0xC8, s5;
	[dreg:$0x4] =	wrdreg s2  }
0xd: {  	v2 =	vlaneseq.u32;
	s8 =	sadd.s32 $0x100, s1;
	s0 =	smax.u32 s0, $0x1;
	[dreg:$0x7] =	wrdreg s30  }
0xe: {  	vm0 =	vmmov $0xffff;
	v1 =	vshrl.u32 v2, $0x3;
	s5 =	simm.s32 $0xC800;
	s29 =	sadd.s32 $0x3A00, s6;
	[dreg:$0x8] =	wrdreg s0  }
0xf: {  	v0 =	vand.u32 $0x7, v2;
	v2 =	vor.u32 $0x8, v2;
	v1 =	vmul.u32 $0x8, v1;
	s2 =	simm.s32 $0x18000;
	s0 =	simm.s32 $0x18800;
	[dreg:$0x6] =	wrdreg s29  }
.LBB2_20:
0x10: {  	s6 =	simm.s32 $0x3  }
0x11: {  	_ =	swait.ge [sflag:s6], $0x5000  }
0x12: {  	[sflag:s6] =	ssyncset.done $0x0  }
0x13: {  	s28 =	simm.s32 $0x4;
	[sflag:s6] =	ssyncadd.s32 $0xFFFFB000  }
0x14: {  	_ =	swait.ge [sflag:s28], $0x5000  }
0x15: {  	[sflag:s28] =	ssyncset.done $0x0  }
0x16: {  	s29 =	simm.s32 $0x5;
	[sflag:s28] =	ssyncadd.s32 $0xFFFFB000  }
0x17: {  	_ =	swait.ge [sflag:s29], $0x5000  }
0x18: {  	[sflag:s29] =	ssyncset.done $0x0  }
0x19: {  	s9 =	simm.s32 $0x6;
	[sflag:s29] =	ssyncadd.s32 $0xFFFFB000  }
0x1a: {  	_ =	swait.ge [sflag:s9], $0x5000  }
0x1b: {  	s11 =	rddreg [dreg:$0x9]  }
0x1c: {  	s30 =	rddreg [dreg:$0x8];
	s11 =	sadd.s32 $0x1, s11  }
0x1d: {  	p0 =	sne.s32 s11, s30  }
.Ltmp1:
0x1e: {  	_ = 	snop;
	(pc) =	sbr.rel @!p0 .LBB2_21-.Ltmp1, $3  }
0x1f: {  	_ =	sdelay $0x1  }
0x20: {  	[sflag:s9] =	ssyncset.done $0x0  }
0x21: {  	[sflag:s9] =	ssyncadd.s32 $0xFFFFB000  }
.LBB2_1:
0x22: {  	[dreg:$0x9] =	wrdreg s11  }
.Ltmp2:
0x23: {  	s6 =	rddreg [dreg:$0x6];
	s30 =	simm.s32 $0x7;
	(pc) =	sbr.rel .LBB2_2-.Ltmp2, $4  }
0x24: {  	[tilespmem:s4], [sflag:$0x7] =	stream.linear.gather [hbm4b:s6+s4], $0x2800, $0x38;
	[tilespmem:$0x1B800] =	vst v63  }
0x25: {  	_ =	swait.ge [sflag:s30], $0x2800  }
0x26: {  	[sflag:s30] =	ssyncset.done $0x0  }
0x27: {  	s6 =	simm.s32 $0x0;
	[sflag:s30] =	ssyncadd.s32 $0xFFFFD800  }
.LBB2_19:
0x28: {  	s6 =	sadd.s32 $0x1, s6  }
0x29: {  	p0 =	sne.s32 s6, $0x5  }
.Ltmp3:
0x2a: {  	_ = 	snop;
	(pc) =	sbr.rel @!p0 .LBB2_20-.Ltmp3, $1  }
0x2b: {  	_ =	sdelay $0x3  }
.LBB2_2:
0x2c: {  	s9 =	smul.u32 $0xA00, s6  }
0x2d: {  	s11 =	rddreg [dreg:$0x4];
	s20 =	simm.s32 $0x2800  }
0x2e: {  	s29 =	simm.s32 $0x7;
	s11 =	sadd.s32 s11, s9;
	s9 =	simm.s32 $0x0  }
0x2f: {  	[tilespmem:s20], [sflag:$0x7] =	stream.linear.gather [hbm4b:s11+s9], $0x5000, $0x38;
	[tilespmem:$0x1B800] =	vst v63  }
0x30: {  	_ =	swait.ge [sflag:s29], $0x5000  }
0x31: {  	s21 =	smul.u32 $0x28, s6;
	[sflag:s29] =	ssyncset.done $0x0;
	s30 =	rddreg [dreg:$0x5]  }
0x32: {  	s20 =	sshll.u32 s6, $0x5;
	s22 =	rddreg [dreg:$0x7];
	[sflag:s29] =	ssyncadd.s32 $0xFFFFB000  }
0x33: {  	s11 =	sadd.s32 s30, s21;
	s21 =	sadd.s32 s21, s22;
	s22 =	sadd.s32 $0x5, s6  }
.LBB2_3:
0x34: {  	p0 =	seq.s32 s9, $0x8  }
.Ltmp4:
0x35: {  	_ = 	snop;
	(pc) =	sbr.rel @p0 .LBB2_5-.Ltmp4, $1  }
0x36: {  	_ =	sdelay $0x3  }
0x37: {  	s23 =	sor.u32 s6, s9  }
0x38: {  	p1 =	seq.s32 s23, $0x0  }
0x39: {  	s23 =	simm.s32 @!p1 $0x3  }
0x3a: {  	_ =	swait.ge @!p1 [sflag:s23], $0x5000  }
0x3b: {  	s24 =	smul.u32 $0xA, s9;
	[sflag:s23] =	ssyncset.done @!p1 $0x0  }
0x3c: {  	[sflag:s23] =	ssyncadd.s32 @!p1 $0xFFFFB000;
	s23 =	simm.s32 @!p1 $0x4  }
0x3d: {  	s24 =	sadd.s32 s6, s24;
	_ =	swait.ge @!p1 [sflag:s23], $0x5000  }
0x3e: {  	s24 =	sshll.u32 s24, $0x7;
	[sflag:s23] =	ssyncset.done @!p1 $0x0  }
0x3f: {  	[sflag:s23] =	ssyncadd.s32 @!p1 $0xFFFFB000;
	s23 =	sand.u32 $0x3FFFFF80, s24  }
0x40: {  	v3 =	vld [tilespmem:s23+$0x0];
	_ =	sdelay $0x4  }
0x41: {  	v4 =	vshll.u32 v3, $0x2  }
0x42: {  	v3 =	vand.u32 $0x7, v3;
	v4 =	vand.u32 $0xFFFFFFE0, v4  }
0x43: {  	v3 =	vor.u32 v3, v4  }
0x44: {  	v4 =	vperm.xlane v3, v0;
	_ =	sdelay $0x1  }
0x45: {  	v4 =	vadd.s32 v1, v4;
	_ =	sdelay $0x1  }
0x46: {  	v3 =	vperm.xlane v3, v2;
	_ =	sdelay $0x1  }
0x47: {  	v3 =	vadd.s32 v1, v3  }
0x48: {  	[tilespmem:s12], [sflag:$0x1] =	stream.indirect_vreg.gather [hbm4b:s1+s4], $0x80, v4, vm0, $0xb8;
	[tilespmem:$0x1B800] =	vst v63  }
0x49: {  	s28 =	simm.s32 $0x8000  }
0x4a: {  	[tilespmem:s28], [sflag:$0x1] =	stream.indirect_vreg.gather [hbm4b:s8+s4], $0x80, v4, vm0, $0xb8;
	[tilespmem:$0x1B800] =	vst v63  }
0x4b: {  	s29 =	simm.s32 $0x8800  }
0x4c: {  	[tilespmem:s29], [sflag:$0x1] =	stream.indirect_vreg.gather [hbm4b:s1+s4], $0x80, v3, vm0, $0xb8;
	[tilespmem:$0x1B800] =	vst v63  }
0x4d: {  	s30 =	simm.s32 $0x9000  }
0x4e: {  	[tilespmem:s30], [sflag:$0x1] =	stream.indirect_vreg.gather [hbm4b:s8+s4], $0x80, v3, vm0, $0xb8;
	[tilespmem:$0x1B800] =	vst v63  }
0x4f: {  	v3 =	vld [tilespmem:s23+$0x10];
	_ =	sdelay $0x4  }
0x50: {  	v60 =	vshll.u32 v3, $0x2  }
0x51: {  	v3 =	vand.u32 $0x7, v3;
	v4 =	vand.u32 $0xFFFFFFE0, v60  }
0x52: {  	v3 =	vor.u32 v3, v4  }
0x53: {  	v4 =	vperm.xlane v3, v0;
	_ =	sdelay $0x1  }
0x54: {  	v4 =	vadd.s32 v1, v4;
	_ =	sdelay $0x1  }
0x55: {  	v3 =	vperm.xlane v3, v2;
	_ =	sdelay $0x1  }
0x56: {  	s25 =	simm.s32 $0x9800;
	v3 =	vadd.s32 v1, v3  }
0x57: {  	[tilespmem:s25], [sflag:$0x1] =	stream.indirect_vreg.gather [hbm4b:s1+s4], $0x80, v4, vm0, $0xb8;
	[tilespmem:$0x1B800] =	vst v63  }
0x58: {  	s26 =	simm.s32 $0xA000  }
0x59: {  	[tilespmem:s26], [sflag:$0x1] =	stream.indirect_vreg.gather [hbm4b:s8+s4], $0x80, v4, vm0, $0xb8;
	[tilespmem:$0x1B800] =	vst v63  }
0x5a: {  	s28 =	simm.s32 $0xA800  }
0x5b: {  	[tilespmem:s28], [sflag:$0x1] =	stream.indirect_vreg.gather [hbm4b:s1+s4], $0x80, v3, vm0, $0xb8;
	[tilespmem:$0x1B800] =	vst v63  }
0x5c: {  	s29 =	simm.s32 $0xB000  }
0x5d: {  	[tilespmem:s29], [sflag:$0x1] =	stream.indirect_vreg.gather [hbm4b:s8+s4], $0x80, v3, vm0, $0xb8;
	[tilespmem:$0x1B800] =	vst v63  }
0x5e: {  	v3 =	vld [tilespmem:s23+$0x20];
	_ =	sdelay $0x4  }
0x5f: {  	v61 =	vshll.u32 v3, $0x2  }
0x60: {  	v3 =	vand.u32 $0x7, v3;
	v4 =	vand.u32 $0xFFFFFFE0, v61  }
0x61: {  	v3 =	vor.u32 v3, v4  }
0x62: {  	v4 =	vperm.xlane v3, v0;
	_ =	sdelay $0x1  }
0x63: {  	v4 =	vadd.s32 v1, v4;
	_ =	sdelay $0x1  }
0x64: {  	v3 =	vperm.xlane v3, v2;
	_ =	sdelay $0x1  }
0x65: {  	s30 =	simm.s32 $0xB800;
	v3 =	vadd.s32 v1, v3  }
0x66: {  	[tilespmem:s30], [sflag:$0x1] =	stream.indirect_vreg.gather [hbm4b:s1+s4], $0x80, v4, vm0, $0xb8;
	[tilespmem:$0x1B800] =	vst v63  }
0x67: {  	s25 =	simm.s32 $0xC000  }
0x68: {  	[tilespmem:s25], [sflag:$0x1] =	stream.indirect_vreg.gather [hbm4b:s8+s4], $0x80, v4, vm0, $0xb8;
	[tilespmem:$0x1B800] =	vst v63  }
0x69: {  	_ = 	snop  }
0x6a: {  	[tilespmem:s5], [sflag:$0x1] =	stream.indirect_vreg.gather [hbm4b:s1+s4], $0x80, v3, vm0, $0xb8;
	[tilespmem:$0x1B800] =	vst v63  }
0x6b: {  	s26 =	simm.s32 $0xD000  }
0x6c: {  	[tilespmem:s26], [sflag:$0x1] =	stream.indirect_vreg.gather [hbm4b:s8+s4], $0x80, v3, vm0, $0xb8;
	[tilespmem:$0x1B800] =	vst v63  }
0x6d: {  	v3 =	vld [tilespmem:s23+$0x30];
	_ =	sdelay $0x4  }
0x6e: {  	v62 =	vshll.u32 v3, $0x2  }
0x6f: {  	v3 =	vand.u32 $0x7, v3;
	v4 =	vand.u32 $0xFFFFFFE0, v62  }
0x70: {  	v3 =	vor.u32 v3, v4  }
0x71: {  	v4 =	vperm.xlane v3, v0;
	_ =	sdelay $0x1  }
0x72: {  	v4 =	vadd.s32 v1, v4;
	_ =	sdelay $0x1  }
0x73: {  	v3 =	vperm.xlane v3, v2;
	_ =	sdelay $0x1  }
0x74: {  	s28 =	simm.s32 $0xD800;
	v3 =	vadd.s32 v1, v3  }
0x75: {  	[tilespmem:s28], [sflag:$0x1] =	stream.indirect_vreg.gather [hbm4b:s1+s4], $0x80, v4, vm0, $0xb8;
	[tilespmem:$0x1B800] =	vst v63  }
0x76: {  	s29 =	simm.s32 $0xE000  }
0x77: {  	[tilespmem:s29], [sflag:$0x1] =	stream.indirect_vreg.gather [hbm4b:s8+s4], $0x80, v4, vm0, $0xb8;
	[tilespmem:$0x1B800] =	vst v63  }
0x78: {  	s30 =	simm.s32 $0xE800  }
0x79: {  	[tilespmem:s30], [sflag:$0x1] =	stream.indirect_vreg.gather [hbm4b:s1+s4], $0x80, v3, vm0, $0xb8;
	[tilespmem:$0x1B800] =	vst v63  }
0x7a: {  	s25 =	simm.s32 $0xF000  }
0x7b: {  	[tilespmem:s25], [sflag:$0x1] =	stream.indirect_vreg.gather [hbm4b:s8+s4], $0x80, v3, vm0, $0xb8;
	[tilespmem:$0x1B800] =	vst v63  }
0x7c: {  	v3 =	vld [tilespmem:s23+$0x40];
	_ =	sdelay $0x4  }
0x7d: {  	v63 =	vshll.u32 v3, $0x2  }
0x7e: {  	v3 =	vand.u32 $0x7, v3;
	v4 =	vand.u32 $0xFFFFFFE0, v63  }
0x7f: {  	v3 =	vor.u32 v3, v4  }
0x80: {  	v4 =	vperm.xlane v3, v0;
	_ =	sdelay $0x1  }
0x81: {  	v4 =	vadd.s32 v1, v4;
	_ =	sdelay $0x1  }
0x82: {  	v3 =	vperm.xlane v3, v2;
	_ =	sdelay $0x1  }
0x83: {  	s26 =	simm.s32 $0xF800;
	v3 =	vadd.s32 v1, v3  }
0x84: {  	[tilespmem:s26], [sflag:$0x1] =	stream.indirect_vreg.gather [hbm4b:s1+s4], $0x80, v4, vm0, $0xb8;
	[tilespmem:$0x1B800] =	vst v63  }
0x85: {  	s28 =	simm.s32 $0x10000  }
0x86: {  	[tilespmem:s28], [sflag:$0x1] =	stream.indirect_vreg.gather [hbm4b:s8+s4], $0x80, v4, vm0, $0xb8;
	[tilespmem:$0x1B800] =	vst v63  }
0x87: {  	s29 =	simm.s32 $0x10800  }
0x88: {  	[tilespmem:s29], [sflag:$0x1] =	stream.indirect_vreg.gather [hbm4b:s1+s4], $0x80, v3, vm0, $0xb8;
	[tilespmem:$0x1B800] =	vst v63  }
0x89: {  	s30 =	simm.s32 $0x11000  }
0x8a: {  	[tilespmem:s30], [sflag:$0x1] =	stream.indirect_vreg.gather [hbm4b:s8+s4], $0x80, v3, vm0, $0xb8;
	[tilespmem:$0x1B800] =	vst v63  }
.LBB2_5:
0x8b: {  	s23 =	sshll.u32 s9, $0x2  }
0x8c: {  	s24 =	sadd.s32 $0xFFFFFFFE, s23  }
0x8d: {  	p1 =	sgt.u32 s24, $0x1F  }
.Ltmp5:
0x8e: {  	_ = 	snop;
	(pc) =	sbr.rel @p1 .LBB2_9-.Ltmp5, $1  }
0x8f: {  	_ =	sdelay $0x3  }
0x90: {  	_ =	swait.ge [sflag:s13], $0xA000;
	s25 =	simm.s32 $0x0  }
0x91: {  	[sflag:s13] =	ssyncset.done $0x0;
	s26 =	sand.u32 $0x7000, s25;
	s25 =	sand.u32 $0x380, s25  }
0x92: {  	[sflag:s13] =	ssyncadd.s32 $0xFFFF6000;
	s25 =	sor.u32 s25, s26  }
0x93: {  	v3 =	vld [tilespmem:s25+$0x3470]  }
0x94: {  	v4 =	vld [tilespmem:s25+$0x2800]  }
0x95: {  	v5 =	vld [tilespmem:s25+$0x2810]  }
0x96: {  	v6 =	vld [tilespmem:s25+$0x2820]  }
0x97: {  	v7 =	vld [tilespmem:s25+$0x2830]  }
0x98: {  	v8 =	vld [tilespmem:s25+$0x2840]  }
0x99: {  	v9 =	vld [tilespmem:s25+$0x2850]  }
0x9a: {  	v10 =	vld [tilespmem:s25+$0x2860]  }
0x9b: {  	v11 =	vld [tilespmem:s25+$0x2870]  }
0x9c: {  	v12 =	vld [tilespmem:s25+$0x2C00]  }
0x9d: {  	v13 =	vld [tilespmem:s25+$0x2C10]  }
0x9e: {  	v14 =	vld [tilespmem:s25+$0x2C20]  }
0x9f: {  	v15 =	vld [tilespmem:s25+$0x2C30]  }
0xa0: {  	v16 =	vld [tilespmem:s25+$0x2C40]  }
0xa1: {  	v17 =	vld [tilespmem:s25+$0x2C50]  }
0xa2: {  	v18 =	vld [tilespmem:s25+$0x2C60]  }
0xa3: {  	v19 =	vld [tilespmem:s25+$0x2C70]  }
0xa4: {  	v20 =	vld [tilespmem:s25+$0x3000]  }
0xa5: {  	v21 =	vld [tilespmem:s25+$0x3010]  }
0xa6: {  	v22 =	vld [tilespmem:s25+$0x3020]  }
0xa7: {  	v23 =	vld [tilespmem:s25+$0x3030]  }
0xa8: {  	v24 =	vld [tilespmem:s25+$0x3040]  }
0xa9: {  	v25 =	vld [tilespmem:s25+$0x3050]  }
0xaa: {  	v26 =	vld [tilespmem:s25+$0x3060]  }
0xab: {  	v27 =	vld [tilespmem:s25+$0x3070]  }
0xac: {  	v28 =	vld [tilespmem:s25+$0x3400]  }
0xad: {  	v29 =	vld [tilespmem:s25+$0x3410]  }
0xae: {  	v30 =	vld [tilespmem:s25+$0x3420]  }
0xaf: {  	v31 =	vld [tilespmem:s25+$0x3430]  }
0xb0: {  	v32 =	vld [tilespmem:s25+$0x3440]  }
0xb1: {  	v33 =	vld [tilespmem:s25+$0x3450]  }
0xb2: {  	[tilespmem:s25+$0x12470] =	vst.add.f32.msk $0xffff, v3  }
0xb3: {  	v3 =	vld [tilespmem:s25+$0x3460]  }
0xb4: {  	[tilespmem:s25+$0x11800] =	vst.add.f32.msk $0xffff, v4  }
0xb5: {  	[tilespmem:s25+$0x11810] =	vst.add.f32.msk $0xffff, v5  }
0xb6: {  	[tilespmem:s25+$0x11820] =	vst.add.f32.msk $0xffff, v6  }
0xb7: {  	[tilespmem:s25+$0x11830] =	vst.add.f32.msk $0xffff, v7  }
0xb8: {  	[tilespmem:s25+$0x11840] =	vst.add.f32.msk $0xffff, v8  }
0xb9: {  	[tilespmem:s25+$0x11850] =	vst.add.f32.msk $0xffff, v9  }
0xba: {  	[tilespmem:s25+$0x11860] =	vst.add.f32.msk $0xffff, v10  }
0xbb: {  	[tilespmem:s25+$0x11870] =	vst.add.f32.msk $0xffff, v11  }
0xbc: {  	[tilespmem:s25+$0x11C00] =	vst.add.f32.msk $0xffff, v12  }
0xbd: {  	[tilespmem:s25+$0x11C10] =	vst.add.f32.msk $0xffff, v13  }
0xbe: {  	[tilespmem:s25+$0x11C20] =	vst.add.f32.msk $0xffff, v14  }
0xbf: {  	[tilespmem:s25+$0x11C30] =	vst.add.f32.msk $0xffff, v15  }
0xc0: {  	[tilespmem:s25+$0x11C40] =	vst.add.f32.msk $0xffff, v16  }
0xc1: {  	[tilespmem:s25+$0x11C50] =	vst.add.f32.msk $0xffff, v17  }
0xc2: {  	[tilespmem:s25+$0x11C60] =	vst.add.f32.msk $0xffff, v18  }
0xc3: {  	[tilespmem:s25+$0x11C70] =	vst.add.f32.msk $0xffff, v19  }
0xc4: {  	[tilespmem:s25+$0x12000] =	vst.add.f32.msk $0xffff, v20  }
0xc5: {  	[tilespmem:s25+$0x12010] =	vst.add.f32.msk $0xffff, v21  }
0xc6: {  	[tilespmem:s25+$0x12020] =	vst.add.f32.msk $0xffff, v22  }
0xc7: {  	[tilespmem:s25+$0x12030] =	vst.add.f32.msk $0xffff, v23  }
0xc8: {  	[tilespmem:s25+$0x12040] =	vst.add.f32.msk $0xffff, v24  }
0xc9: {  	[tilespmem:s25+$0x12050] =	vst.add.f32.msk $0xffff, v25  }
0xca: {  	[tilespmem:s25+$0x12060] =	vst.add.f32.msk $0xffff, v26  }
0xcb: {  	[tilespmem:s25+$0x12070] =	vst.add.f32.msk $0xffff, v27  }
0xcc: {  	[tilespmem:s25+$0x12400] =	vst.add.f32.msk $0xffff, v28  }
0xcd: {  	[tilespmem:s25+$0x12410] =	vst.add.f32.msk $0xffff, v29  }
0xce: {  	[tilespmem:s25+$0x12420] =	vst.add.f32.msk $0xffff, v30  }
0xcf: {  	[tilespmem:s25+$0x12430] =	vst.add.f32.msk $0xffff, v31  }
0xd0: {  	s28 =	simm.s32 $0x200;
	s26 =	simm.s32 $0x80;
	[tilespmem:s25+$0x12440] =	vst.add.f32.msk $0xffff, v32  }
0xd1: {  	s29 =	sand.u32 $0x7000, s28;
	s28 =	simm.s32 $0x400;
	s30 =	sand.u32 $0x380, s26;
	[tilespmem:s25+$0x12450] =	vst.add.f32.msk $0xffff, v33  }
.LBB2_7:
0xd2: {  	p1 =	sne.s32 s28, $0x4E00;
	[tilespmem:s25+$0x12460] =	vst.add.f32.msk $0xffff, v3;
	s25 =	sor.u32 s30, s29  }
0xd3: {  	v3 =	vld [tilespmem:s25+$0x3470]  }
0xd4: {  	v4 =	vld [tilespmem:s25+$0x2800]  }
0xd5: {  	v5 =	vld [tilespmem:s25+$0x2810]  }
0xd6: {  	v6 =	vld [tilespmem:s25+$0x2820]  }
0xd7: {  	v7 =	vld [tilespmem:s25+$0x2830]  }
0xd8: {  	[tilespmem:s25+$0x12470] =	vst.add.f32.msk $0xffff, v3  }
0xd9: {  	v8 =	vld [tilespmem:s25+$0x2840]  }
0xda: {  	v9 =	vld [tilespmem:s25+$0x2850]  }
0xdb: {  	v10 =	vld [tilespmem:s25+$0x2860]  }
0xdc: {  	v11 =	vld [tilespmem:s25+$0x2870]  }
0xdd: {  	v12 =	vld [tilespmem:s25+$0x2C00]  }
0xde: {  	v13 =	vld [tilespmem:s25+$0x2C10]  }
0xdf: {  	v14 =	vld [tilespmem:s25+$0x2C20]  }
0xe0: {  	v15 =	vld [tilespmem:s25+$0x2C30]  }
0xe1: {  	v16 =	vld [tilespmem:s25+$0x2C40]  }
0xe2: {  	v17 =	vld [tilespmem:s25+$0x2C50]  }
0xe3: {  	v18 =	vld [tilespmem:s25+$0x2C60]  }
0xe4: {  	v19 =	vld [tilespmem:s25+$0x2C70]  }
0xe5: {  	v20 =	vld [tilespmem:s25+$0x3000]  }
0xe6: {  	v21 =	vld [tilespmem:s25+$0x3010]  }
0xe7: {  	v22 =	vld [tilespmem:s25+$0x3020]  }
0xe8: {  	v23 =	vld [tilespmem:s25+$0x3030]  }
0xe9: {  	v24 =	vld [tilespmem:s25+$0x3040]  }
0xea: {  	v25 =	vld [tilespmem:s25+$0x3050]  }
0xeb: {  	v26 =	vld [tilespmem:s25+$0x3060]  }
0xec: {  	v27 =	vld [tilespmem:s25+$0x3070]  }
0xed: {  	v28 =	vld [tilespmem:s25+$0x3400]  }
0xee: {  	v29 =	vld [tilespmem:s25+$0x3410]  }
0xef: {  	v30 =	vld [tilespmem:s25+$0x3420]  }
0xf0: {  	v31 =	vld [tilespmem:s25+$0x3430]  }
0xf1: {  	v32 =	vld [tilespmem:s25+$0x3440]  }
0xf2: {  	v33 =	vld [tilespmem:s25+$0x3450]  }
0xf3: {  	v3 =	vld [tilespmem:s25+$0x3460]  }
0xf4: {  	[tilespmem:s25+$0x11800] =	vst.add.f32.msk $0xffff, v4  }
0xf5: {  	[tilespmem:s25+$0x11810] =	vst.add.f32.msk $0xffff, v5  }
0xf6: {  	[tilespmem:s25+$0x11820] =	vst.add.f32.msk $0xffff, v6  }
0xf7: {  	[tilespmem:s25+$0x11830] =	vst.add.f32.msk $0xffff, v7  }
0xf8: {  	[tilespmem:s25+$0x11840] =	vst.add.f32.msk $0xffff, v8  }
0xf9: {  	[tilespmem:s25+$0x11850] =	vst.add.f32.msk $0xffff, v9  }
0xfa: {  	[tilespmem:s25+$0x11860] =	vst.add.f32.msk $0xffff, v10  }
0xfb: {  	[tilespmem:s25+$0x11870] =	vst.add.f32.msk $0xffff, v11  }
0xfc: {  	[tilespmem:s25+$0x11C00] =	vst.add.f32.msk $0xffff, v12  }
0xfd: {  	[tilespmem:s25+$0x11C10] =	vst.add.f32.msk $0xffff, v13  }
0xfe: {  	[tilespmem:s25+$0x11C20] =	vst.add.f32.msk $0xffff, v14  }
0xff: {  	[tilespmem:s25+$0x11C30] =	vst.add.f32.msk $0xffff, v15  }
0x100: {  	[tilespmem:s25+$0x11C40] =	vst.add.f32.msk $0xffff, v16  }
0x101: {  	[tilespmem:s25+$0x11C50] =	vst.add.f32.msk $0xffff, v17  }
0x102: {  	[tilespmem:s25+$0x11C60] =	vst.add.f32.msk $0xffff, v18  }
0x103: {  	[tilespmem:s25+$0x11C70] =	vst.add.f32.msk $0xffff, v19  }
0x104: {  	[tilespmem:s25+$0x12000] =	vst.add.f32.msk $0xffff, v20  }
0x105: {  	[tilespmem:s25+$0x12010] =	vst.add.f32.msk $0xffff, v21  }
0x106: {  	[tilespmem:s25+$0x12020] =	vst.add.f32.msk $0xffff, v22  }
0x107: {  	[tilespmem:s25+$0x12030] =	vst.add.f32.msk $0xffff, v23  }
0x108: {  	[tilespmem:s25+$0x12040] =	vst.add.f32.msk $0xffff, v24  }
0x109: {  	[tilespmem:s25+$0x12050] =	vst.add.f32.msk $0xffff, v25  }
0x10a: {  	[tilespmem:s25+$0x12060] =	vst.add.f32.msk $0xffff, v26  }
0x10b: {  	[tilespmem:s25+$0x12070] =	vst.add.f32.msk $0xffff, v27  }
0x10c: {  	[tilespmem:s25+$0x12400] =	vst.add.f32.msk $0xffff, v28  }
.Ltmp6:
0x10d: {  	[tilespmem:s25+$0x12410] =	vst.add.f32.msk $0xffff, v29;
	(pc) =	sbr.rel @p1 .LBB2_7-.Ltmp6, $4  }
0x10e: {  	[tilespmem:s25+$0x12420] =	vst.add.f32.msk $0xffff, v30  }
0x10f: {  	[tilespmem:s25+$0x12430] =	vst.add.f32.msk $0xffff, v31  }
0x110: {  	s26 =	sadd.s32 $0x80, s26;
	[tilespmem:s25+$0x12440] =	vst.add.f32.msk $0xffff, v32  }
0x111: {  	s29 =	sand.u32 $0x7000, s28;
	s28 =	sadd.s32 $0x200, s28;
	s30 =	sand.u32 $0x380, s26;
	[tilespmem:s25+$0x12450] =	vst.add.f32.msk $0xffff, v33  }
0x112: {  	s26 =	sor.u32 s30, s29;
	[tilespmem:s25+$0x12460] =	vst.add.f32.msk $0xffff, v3  }
0x113: {  	v3 =	vld [tilespmem:s26+$0x3470]  }
0x114: {  	v4 =	vld [tilespmem:s26+$0x2800]  }
0x115: {  	v5 =	vld [tilespmem:s26+$0x2810]  }
0x116: {  	v6 =	vld [tilespmem:s26+$0x2820]  }
0x117: {  	v7 =	vld [tilespmem:s26+$0x2830]  }
0x118: {  	v8 =	vld [tilespmem:s26+$0x2850]  }
0x119: {  	v9 =	vld [tilespmem:s26+$0x2860]  }
0x11a: {  	v10 =	vld [tilespmem:s26+$0x2870]  }
0x11b: {  	v11 =	vld [tilespmem:s26+$0x2C00]  }
0x11c: {  	v12 =	vld [tilespmem:s26+$0x2C10]  }
0x11d: {  	v13 =	vld [tilespmem:s26+$0x2C20]  }
0x11e: {  	v14 =	vld [tilespmem:s26+$0x2C30]  }
0x11f: {  	v15 =	vld [tilespmem:s26+$0x2C40]  }
0x120: {  	v16 =	vld [tilespmem:s26+$0x2C50]  }
0x121: {  	v17 =	vld [tilespmem:s26+$0x2C60]  }
0x122: {  	v18 =	vld [tilespmem:s26+$0x2C70]  }
0x123: {  	v19 =	vld [tilespmem:s26+$0x3000]  }
0x124: {  	v20 =	vld [tilespmem:s26+$0x3010]  }
0x125: {  	v21 =	vld [tilespmem:s26+$0x3020]  }
0x126: {  	v22 =	vld [tilespmem:s26+$0x3030]  }
0x127: {  	v23 =	vld [tilespmem:s26+$0x3040]  }
0x128: {  	v24 =	vld [tilespmem:s26+$0x3050]  }
0x129: {  	v25 =	vld [tilespmem:s26+$0x3060]  }
0x12a: {  	v26 =	vld [tilespmem:s26+$0x3070]  }
0x12b: {  	v27 =	vld [tilespmem:s26+$0x3400]  }
0x12c: {  	v28 =	vld [tilespmem:s26+$0x3410]  }
0x12d: {  	v29 =	vld [tilespmem:s26+$0x3420]  }
0x12e: {  	v30 =	vld [tilespmem:s26+$0x3430]  }
0x12f: {  	v31 =	vld [tilespmem:s26+$0x3440]  }
0x130: {  	v32 =	vld [tilespmem:s26+$0x3450]  }
0x131: {  	v33 =	vld [tilespmem:s26+$0x3460]  }
0x132: {  	[tilespmem:s26+$0x12470] =	vst.add.f32.msk $0xffff, v3  }
0x133: {  	v3 =	vld [tilespmem:s26+$0x2840]  }
0x134: {  	[tilespmem:s26+$0x11800] =	vst.add.f32.msk $0xffff, v4  }
0x135: {  	[tilespmem:s26+$0x11810] =	vst.add.f32.msk $0xffff, v5  }
0x136: {  	[tilespmem:s26+$0x11820] =	vst.add.f32.msk $0xffff, v6  }
0x137: {  	[tilespmem:s26+$0x11830] =	vst.add.f32.msk $0xffff, v7  }
0x138: {  	[tilespmem:s26+$0x11850] =	vst.add.f32.msk $0xffff, v8  }
0x139: {  	[tilespmem:s26+$0x11860] =	vst.add.f32.msk $0xffff, v9  }
0x13a: {  	[tilespmem:s26+$0x11870] =	vst.add.f32.msk $0xffff, v10  }
0x13b: {  	[tilespmem:s26+$0x11C00] =	vst.add.f32.msk $0xffff, v11  }
0x13c: {  	[tilespmem:s26+$0x11C10] =	vst.add.f32.msk $0xffff, v12  }
0x13d: {  	[tilespmem:s26+$0x11C20] =	vst.add.f32.msk $0xffff, v13  }
0x13e: {  	[tilespmem:s26+$0x11C30] =	vst.add.f32.msk $0xffff, v14  }
0x13f: {  	[tilespmem:s26+$0x11C40] =	vst.add.f32.msk $0xffff, v15  }
0x140: {  	[tilespmem:s26+$0x11C50] =	vst.add.f32.msk $0xffff, v16  }
0x141: {  	[tilespmem:s26+$0x11C60] =	vst.add.f32.msk $0xffff, v17  }
0x142: {  	[tilespmem:s26+$0x11C70] =	vst.add.f32.msk $0xffff, v18  }
0x143: {  	[tilespmem:s26+$0x12000] =	vst.add.f32.msk $0xffff, v19  }
0x144: {  	[tilespmem:s26+$0x12010] =	vst.add.f32.msk $0xffff, v20  }
0x145: {  	[tilespmem:s26+$0x12020] =	vst.add.f32.msk $0xffff, v21  }
0x146: {  	[tilespmem:s26+$0x12030] =	vst.add.f32.msk $0xffff, v22  }
0x147: {  	[tilespmem:s26+$0x12040] =	vst.add.f32.msk $0xffff, v23  }
0x148: {  	[tilespmem:s26+$0x12050] =	vst.add.f32.msk $0xffff, v24  }
0x149: {  	[tilespmem:s26+$0x12060] =	vst.add.f32.msk $0xffff, v25  }
0x14a: {  	[tilespmem:s26+$0x12070] =	vst.add.f32.msk $0xffff, v26  }
0x14b: {  	[tilespmem:s26+$0x12400] =	vst.add.f32.msk $0xffff, v27  }
0x14c: {  	[tilespmem:s26+$0x12410] =	vst.add.f32.msk $0xffff, v28  }
0x14d: {  	[tilespmem:s26+$0x12420] =	vst.add.f32.msk $0xffff, v29  }
0x14e: {  	s24 =	smul.u32 $0xC8, s24;
	[tilespmem:s26+$0x12430] =	vst.add.f32.msk $0xffff, v30  }
0x14f: {  	[tilespmem:s26+$0x12440] =	vst.add.f32.msk $0xffff, v31  }
0x150: {  	s24 =	sadd.s32 s24, s11;
	[tilespmem:s26+$0x12450] =	vst.add.f32.msk $0xffff, v32  }
0x151: {  	s24 =	sshll.u32 s24, $0x6;
	[tilespmem:s26+$0x12460] =	vst.add.f32.msk $0xffff, v33  }
0x152: {  	s24 =	sadd.s32 s3, s24;
	[tilespmem:s26+$0x11840] =	vst.add.f32.msk $0xffff, v3  }
0x153: {  	[hbm4b:s24+s4] =	stream.linear.scatter [tilespmem:s14], [sflag:$0x5], $0x5000, $0x38;
	[tilespmem:$0x1B800] =	vst v63  }
.LBB2_9:
0x154: {  	s24 =	sadd.s32 $0xFFFFFFFF, s23  }
0x155: {  	p1 =	sgt.u32 s24, $0x1F  }
.Ltmp7:
0x156: {  	_ = 	snop;
	(pc) =	sbr.rel @p1 .LBB2_13-.Ltmp7, $2  }
0x157: {  	_ =	sdelay $0x2  }
0x158: {  	s26 =	simm.s32 $0x0  }
0x159: {  	s25 =	sand.u32 $0x7000, s26;
	s28 =	sand.u32 $0x380, s26  }
0x15a: {  	s25 =	sor.u32 s28, s25  }
0x15b: {  	v3 =	vld [tilespmem:s25+$0x3470]  }
0x15c: {  	v4 =	vld [tilespmem:s25+$0x2800]  }
0x15d: {  	v5 =	vld [tilespmem:s25+$0x2810]  }
0x15e: {  	v6 =	vld [tilespmem:s25+$0x2820]  }
0x15f: {  	v7 =	vld [tilespmem:s25+$0x2830]  }
0x160: {  	v8 =	vld [tilespmem:s25+$0x2840]  }
0x161: {  	v9 =	vld [tilespmem:s25+$0x2850]  }
0x162: {  	v10 =	vld [tilespmem:s25+$0x2860]  }
0x163: {  	v11 =	vld [tilespmem:s25+$0x2870]  }
0x164: {  	v12 =	vld [tilespmem:s25+$0x2C00]  }
0x165: {  	v13 =	vld [tilespmem:s25+$0x2C10]  }
0x166: {  	v14 =	vld [tilespmem:s25+$0x2C20]  }
0x167: {  	v15 =	vld [tilespmem:s25+$0x2C30]  }
0x168: {  	v16 =	vld [tilespmem:s25+$0x2C40]  }
0x169: {  	v17 =	vld [tilespmem:s25+$0x2C50]  }
0x16a: {  	v18 =	vld [tilespmem:s25+$0x2C60]  }
0x16b: {  	v19 =	vld [tilespmem:s25+$0x2C70]  }
0x16c: {  	v20 =	vld [tilespmem:s25+$0x3000]  }
0x16d: {  	v21 =	vld [tilespmem:s25+$0x3010]  }
0x16e: {  	v22 =	vld [tilespmem:s25+$0x3020]  }
0x16f: {  	v23 =	vld [tilespmem:s25+$0x3030]  }
0x170: {  	v24 =	vld [tilespmem:s25+$0x3040]  }
0x171: {  	v25 =	vld [tilespmem:s25+$0x3050]  }
0x172: {  	v26 =	vld [tilespmem:s25+$0x3060]  }
0x173: {  	v27 =	vld [tilespmem:s25+$0x3070]  }
0x174: {  	v28 =	vld [tilespmem:s25+$0x3400]  }
0x175: {  	v29 =	vld [tilespmem:s25+$0x3410]  }
0x176: {  	v30 =	vld [tilespmem:s25+$0x3420]  }
0x177: {  	v31 =	vld [tilespmem:s25+$0x3430]  }
0x178: {  	v32 =	vld [tilespmem:s25+$0x3440]  }
0x179: {  	v33 =	vld [tilespmem:s25+$0x3450]  }
0x17a: {  	[tilespmem:s25+$0x17470] =	vst.add.f32.msk $0xffff, v3  }
0x17b: {  	v3 =	vld [tilespmem:s25+$0x3460]  }
0x17c: {  	[tilespmem:s25+$0x16800] =	vst.add.f32.msk $0xffff, v4  }
0x17d: {  	[tilespmem:s25+$0x16810] =	vst.add.f32.msk $0xffff, v5  }
0x17e: {  	[tilespmem:s25+$0x16820] =	vst.add.f32.msk $0xffff, v6  }
0x17f: {  	[tilespmem:s25+$0x16830] =	vst.add.f32.msk $0xffff, v7  }
0x180: {  	[tilespmem:s25+$0x16840] =	vst.add.f32.msk $0xffff, v8  }
0x181: {  	[tilespmem:s25+$0x16850] =	vst.add.f32.msk $0xffff, v9  }
0x182: {  	[tilespmem:s25+$0x16860] =	vst.add.f32.msk $0xffff, v10  }
0x183: {  	[tilespmem:s25+$0x16870] =	vst.add.f32.msk $0xffff, v11  }
0x184: {  	[tilespmem:s25+$0x16C00] =	vst.add.f32.msk $0xffff, v12  }
0x185: {  	[tilespmem:s25+$0x16C10] =	vst.add.f32.msk $0xffff, v13  }
0x186: {  	[tilespmem:s25+$0x16C20] =	vst.add.f32.msk $0xffff, v14  }
0x187: {  	[tilespmem:s25+$0x16C30] =	vst.add.f32.msk $0xffff, v15  }
0x188: {  	[tilespmem:s25+$0x16C40] =	vst.add.f32.msk $0xffff, v16  }
0x189: {  	[tilespmem:s25+$0x16C50] =	vst.add.f32.msk $0xffff, v17  }
0x18a: {  	[tilespmem:s25+$0x16C60] =	vst.add.f32.msk $0xffff, v18  }
0x18b: {  	[tilespmem:s25+$0x16C70] =	vst.add.f32.msk $0xffff, v19  }
0x18c: {  	[tilespmem:s25+$0x17000] =	vst.add.f32.msk $0xffff, v20  }
0x18d: {  	[tilespmem:s25+$0x17010] =	vst.add.f32.msk $0xffff, v21  }
0x18e: {  	[tilespmem:s25+$0x17020] =	vst.add.f32.msk $0xffff, v22  }
0x18f: {  	[tilespmem:s25+$0x17030] =	vst.add.f32.msk $0xffff, v23  }
0x190: {  	[tilespmem:s25+$0x17040] =	vst.add.f32.msk $0xffff, v24  }
0x191: {  	[tilespmem:s25+$0x17050] =	vst.add.f32.msk $0xffff, v25  }
0x192: {  	[tilespmem:s25+$0x17060] =	vst.add.f32.msk $0xffff, v26  }
0x193: {  	[tilespmem:s25+$0x17070] =	vst.add.f32.msk $0xffff, v27  }
0x194: {  	[tilespmem:s25+$0x17400] =	vst.add.f32.msk $0xffff, v28  }
0x195: {  	[tilespmem:s25+$0x17410] =	vst.add.f32.msk $0xffff, v29  }
0x196: {  	[tilespmem:s25+$0x17420] =	vst.add.f32.msk $0xffff, v30  }
0x197: {  	[tilespmem:s25+$0x17430] =	vst.add.f32.msk $0xffff, v31  }
0x198: {  	s28 =	sadd.s32 $0x200, s26;
	s26 =	sadd.s32 $0x80, s26;
	[tilespmem:s25+$0x17440] =	vst.add.f32.msk $0xffff, v32  }
0x199: {  	s29 =	sand.u32 $0x7000, s28;
	s30 =	sand.u32 $0x380, s26;
	s28 =	sadd.s32 $0x200, s28;
	[tilespmem:s25+$0x17450] =	vst.add.f32.msk $0xffff, v33  }
.LBB2_11:
0x19a: {  	p1 =	sne.s32 s28, $0x4E00;
	[tilespmem:s25+$0x17460] =	vst.add.f32.msk $0xffff, v3;
	s25 =	sor.u32 s30, s29  }
0x19b: {  	v3 =	vld [tilespmem:s25+$0x3470]  }
0x19c: {  	v4 =	vld [tilespmem:s25+$0x2800]  }
0x19d: {  	v5 =	vld [tilespmem:s25+$0x2810]  }
0x19e: {  	v6 =	vld [tilespmem:s25+$0x2820]  }
0x19f: {  	v7 =	vld [tilespmem:s25+$0x2830]  }
0x1a0: {  	[tilespmem:s25+$0x17470] =	vst.add.f32.msk $0xffff, v3  }
0x1a1: {  	v8 =	vld [tilespmem:s25+$0x2840]  }
0x1a2: {  	v9 =	vld [tilespmem:s25+$0x2850]  }
0x1a3: {  	v10 =	vld [tilespmem:s25+$0x2860]  }
0x1a4: {  	v11 =	vld [tilespmem:s25+$0x2870]  }
0x1a5: {  	v12 =	vld [tilespmem:s25+$0x2C00]  }
0x1a6: {  	v13 =	vld [tilespmem:s25+$0x2C10]  }
0x1a7: {  	v14 =	vld [tilespmem:s25+$0x2C20]  }
0x1a8: {  	v15 =	vld [tilespmem:s25+$0x2C30]  }
0x1a9: {  	v16 =	vld [tilespmem:s25+$0x2C40]  }
0x1aa: {  	v17 =	vld [tilespmem:s25+$0x2C50]  }
0x1ab: {  	v18 =	vld [tilespmem:s25+$0x2C60]  }
0x1ac: {  	v19 =	vld [tilespmem:s25+$0x2C70]  }
0x1ad: {  	v20 =	vld [tilespmem:s25+$0x3000]  }
0x1ae: {  	v21 =	vld [tilespmem:s25+$0x3010]  }
0x1af: {  	v22 =	vld [tilespmem:s25+$0x3020]  }
0x1b0: {  	v23 =	vld [tilespmem:s25+$0x3030]  }
0x1b1: {  	v24 =	vld [tilespmem:s25+$0x3040]  }
0x1b2: {  	v25 =	vld [tilespmem:s25+$0x3050]  }
0x1b3: {  	v26 =	vld [tilespmem:s25+$0x3060]  }
0x1b4: {  	v27 =	vld [tilespmem:s25+$0x3070]  }
0x1b5: {  	v28 =	vld [tilespmem:s25+$0x3400]  }
0x1b6: {  	v29 =	vld [tilespmem:s25+$0x3410]  }
0x1b7: {  	v30 =	vld [tilespmem:s25+$0x3420]  }
0x1b8: {  	v31 =	vld [tilespmem:s25+$0x3430]  }
0x1b9: {  	v32 =	vld [tilespmem:s25+$0x3440]  }
0x1ba: {  	v33 =	vld [tilespmem:s25+$0x3450]  }
0x1bb: {  	v3 =	vld [tilespmem:s25+$0x3460]  }
0x1bc: {  	[tilespmem:s25+$0x16800] =	vst.add.f32.msk $0xffff, v4  }
0x1bd: {  	[tilespmem:s25+$0x16810] =	vst.add.f32.msk $0xffff, v5  }
0x1be: {  	[tilespmem:s25+$0x16820] =	vst.add.f32.msk $0xffff, v6  }
0x1bf: {  	[tilespmem:s25+$0x16830] =	vst.add.f32.msk $0xffff, v7  }
0x1c0: {  	[tilespmem:s25+$0x16840] =	vst.add.f32.msk $0xffff, v8  }
0x1c1: {  	[tilespmem:s25+$0x16850] =	vst.add.f32.msk $0xffff, v9  }
0x1c2: {  	[tilespmem:s25+$0x16860] =	vst.add.f32.msk $0xffff, v10  }
0x1c3: {  	[tilespmem:s25+$0x16870] =	vst.add.f32.msk $0xffff, v11  }
0x1c4: {  	[tilespmem:s25+$0x16C00] =	vst.add.f32.msk $0xffff, v12  }
0x1c5: {  	[tilespmem:s25+$0x16C10] =	vst.add.f32.msk $0xffff, v13  }
0x1c6: {  	[tilespmem:s25+$0x16C20] =	vst.add.f32.msk $0xffff, v14  }
0x1c7: {  	[tilespmem:s25+$0x16C30] =	vst.add.f32.msk $0xffff, v15  }
0x1c8: {  	[tilespmem:s25+$0x16C40] =	vst.add.f32.msk $0xffff, v16  }
0x1c9: {  	[tilespmem:s25+$0x16C50] =	vst.add.f32.msk $0xffff, v17  }
0x1ca: {  	[tilespmem:s25+$0x16C60] =	vst.add.f32.msk $0xffff, v18  }
0x1cb: {  	[tilespmem:s25+$0x16C70] =	vst.add.f32.msk $0xffff, v19  }
0x1cc: {  	[tilespmem:s25+$0x17000] =	vst.add.f32.msk $0xffff, v20  }
0x1cd: {  	[tilespmem:s25+$0x17010] =	vst.add.f32.msk $0xffff, v21  }
0x1ce: {  	[tilespmem:s25+$0x17020] =	vst.add.f32.msk $0xffff, v22  }
0x1cf: {  	[tilespmem:s25+$0x17030] =	vst.add.f32.msk $0xffff, v23  }
0x1d0: {  	[tilespmem:s25+$0x17040] =	vst.add.f32.msk $0xffff, v24  }
0x1d1: {  	[tilespmem:s25+$0x17050] =	vst.add.f32.msk $0xffff, v25  }
0x1d2: {  	[tilespmem:s25+$0x17060] =	vst.add.f32.msk $0xffff, v26  }
0x1d3: {  	[tilespmem:s25+$0x17070] =	vst.add.f32.msk $0xffff, v27  }
0x1d4: {  	[tilespmem:s25+$0x17400] =	vst.add.f32.msk $0xffff, v28  }
.Ltmp8:
0x1d5: {  	[tilespmem:s25+$0x17410] =	vst.add.f32.msk $0xffff, v29;
	(pc) =	sbr.rel @p1 .LBB2_11-.Ltmp8, $4  }
0x1d6: {  	[tilespmem:s25+$0x17420] =	vst.add.f32.msk $0xffff, v30  }
0x1d7: {  	[tilespmem:s25+$0x17430] =	vst.add.f32.msk $0xffff, v31  }
0x1d8: {  	s26 =	sadd.s32 $0x80, s26;
	[tilespmem:s25+$0x17440] =	vst.add.f32.msk $0xffff, v32  }
0x1d9: {  	s29 =	sand.u32 $0x7000, s28;
	s28 =	sadd.s32 $0x200, s28;
	s30 =	sand.u32 $0x380, s26;
	[tilespmem:s25+$0x17450] =	vst.add.f32.msk $0xffff, v33  }
0x1da: {  	s26 =	sor.u32 s30, s29;
	[tilespmem:s25+$0x17460] =	vst.add.f32.msk $0xffff, v3  }
0x1db: {  	v3 =	vld [tilespmem:s26+$0x3470]  }
0x1dc: {  	v4 =	vld [tilespmem:s26+$0x2800]  }
0x1dd: {  	v5 =	vld [tilespmem:s26+$0x2810]  }
0x1de: {  	v6 =	vld [tilespmem:s26+$0x2820]  }
0x1df: {  	v7 =	vld [tilespmem:s26+$0x2830]  }
0x1e0: {  	v8 =	vld [tilespmem:s26+$0x2850]  }
0x1e1: {  	v9 =	vld [tilespmem:s26+$0x2860]  }
0x1e2: {  	v10 =	vld [tilespmem:s26+$0x2870]  }
0x1e3: {  	v11 =	vld [tilespmem:s26+$0x2C00]  }
0x1e4: {  	v12 =	vld [tilespmem:s26+$0x2C10]  }
0x1e5: {  	v13 =	vld [tilespmem:s26+$0x2C20]  }
0x1e6: {  	v14 =	vld [tilespmem:s26+$0x2C30]  }
0x1e7: {  	v15 =	vld [tilespmem:s26+$0x2C40]  }
0x1e8: {  	v16 =	vld [tilespmem:s26+$0x2C50]  }
0x1e9: {  	v17 =	vld [tilespmem:s26+$0x2C60]  }
0x1ea: {  	v18 =	vld [tilespmem:s26+$0x2C70]  }
0x1eb: {  	v19 =	vld [tilespmem:s26+$0x3000]  }
0x1ec: {  	v20 =	vld [tilespmem:s26+$0x3010]  }
0x1ed: {  	v21 =	vld [tilespmem:s26+$0x3020]  }
0x1ee: {  	v22 =	vld [tilespmem:s26+$0x3030]  }
0x1ef: {  	v23 =	vld [tilespmem:s26+$0x3040]  }
0x1f0: {  	v24 =	vld [tilespmem:s26+$0x3050]  }
0x1f1: {  	v25 =	vld [tilespmem:s26+$0x3060]  }
0x1f2: {  	v26 =	vld [tilespmem:s26+$0x3070]  }
0x1f3: {  	v27 =	vld [tilespmem:s26+$0x3400]  }
0x1f4: {  	v28 =	vld [tilespmem:s26+$0x3410]  }
0x1f5: {  	v29 =	vld [tilespmem:s26+$0x3420]  }
0x1f6: {  	v30 =	vld [tilespmem:s26+$0x3430]  }
0x1f7: {  	v31 =	vld [tilespmem:s26+$0x3440]  }
0x1f8: {  	v32 =	vld [tilespmem:s26+$0x3450]  }
0x1f9: {  	v33 =	vld [tilespmem:s26+$0x3460]  }
0x1fa: {  	[tilespmem:s26+$0x17470] =	vst.add.f32.msk $0xffff, v3  }
0x1fb: {  	v3 =	vld [tilespmem:s26+$0x2840]  }
0x1fc: {  	[tilespmem:s26+$0x16800] =	vst.add.f32.msk $0xffff, v4  }
0x1fd: {  	[tilespmem:s26+$0x16810] =	vst.add.f32.msk $0xffff, v5  }
0x1fe: {  	[tilespmem:s26+$0x16820] =	vst.add.f32.msk $0xffff, v6  }
0x1ff: {  	[tilespmem:s26+$0x16830] =	vst.add.f32.msk $0xffff, v7  }
0x200: {  	[tilespmem:s26+$0x16850] =	vst.add.f32.msk $0xffff, v8  }
0x201: {  	[tilespmem:s26+$0x16860] =	vst.add.f32.msk $0xffff, v9  }
0x202: {  	[tilespmem:s26+$0x16870] =	vst.add.f32.msk $0xffff, v10  }
0x203: {  	[tilespmem:s26+$0x16C00] =	vst.add.f32.msk $0xffff, v11  }
0x204: {  	[tilespmem:s26+$0x16C10] =	vst.add.f32.msk $0xffff, v12  }
0x205: {  	[tilespmem:s26+$0x16C20] =	vst.add.f32.msk $0xffff, v13  }
0x206: {  	[tilespmem:s26+$0x16C30] =	vst.add.f32.msk $0xffff, v14  }
0x207: {  	[tilespmem:s26+$0x16C40] =	vst.add.f32.msk $0xffff, v15  }
0x208: {  	[tilespmem:s26+$0x16C50] =	vst.add.f32.msk $0xffff, v16  }
0x209: {  	[tilespmem:s26+$0x16C60] =	vst.add.f32.msk $0xffff, v17  }
0x20a: {  	[tilespmem:s26+$0x16C70] =	vst.add.f32.msk $0xffff, v18  }
0x20b: {  	[tilespmem:s26+$0x17000] =	vst.add.f32.msk $0xffff, v19  }
0x20c: {  	[tilespmem:s26+$0x17010] =	vst.add.f32.msk $0xffff, v20  }
0x20d: {  	[tilespmem:s26+$0x17020] =	vst.add.f32.msk $0xffff, v21  }
0x20e: {  	[tilespmem:s26+$0x17030] =	vst.add.f32.msk $0xffff, v22  }
0x20f: {  	[tilespmem:s26+$0x17040] =	vst.add.f32.msk $0xffff, v23  }
0x210: {  	[tilespmem:s26+$0x17050] =	vst.add.f32.msk $0xffff, v24  }
0x211: {  	[tilespmem:s26+$0x17060] =	vst.add.f32.msk $0xffff, v25  }
0x212: {  	[tilespmem:s26+$0x17070] =	vst.add.f32.msk $0xffff, v26  }
0x213: {  	[tilespmem:s26+$0x17400] =	vst.add.f32.msk $0xffff, v27  }
0x214: {  	[tilespmem:s26+$0x17410] =	vst.add.f32.msk $0xffff, v28  }
0x215: {  	[tilespmem:s26+$0x17420] =	vst.add.f32.msk $0xffff, v29  }
0x216: {  	s24 =	smul.u32 $0xC8, s24;
	[tilespmem:s26+$0x17430] =	vst.add.f32.msk $0xffff, v30  }
0x217: {  	[tilespmem:s26+$0x17440] =	vst.add.f32.msk $0xffff, v31  }
0x218: {  	s24 =	sadd.s32 s24, s11;
	[tilespmem:s26+$0x17450] =	vst.add.f32.msk $0xffff, v32  }
0x219: {  	s24 =	sshll.u32 s24, $0x6;
	[tilespmem:s26+$0x17460] =	vst.add.f32.msk $0xffff, v33  }
0x21a: {  	s24 =	sadd.s32 s3, s24;
	[tilespmem:s26+$0x16840] =	vst.add.f32.msk $0xffff, v3  }
0x21b: {  	[hbm4b:s24+s4] =	stream.linear.scatter [tilespmem:s15], [sflag:$0x6], $0x5000, $0x38;
	[tilespmem:$0x1B800] =	vst v63  }
.LBB2_13:
.Ltmp9:
0x21c: {  	(pc) =	sbr.rel @p0 .LBB2_19-.Ltmp9, $1  }
0x21d: {  	_ =	sdelay $0x3  }
0x21e: {  	s23 =	sor.u32 s20, s23  }
0x21f: {  	p0 =	seq.s32 s23, $0x0  }
0x220: {  	s23 =	simm.s32 @!p0 $0x5  }
0x221: {  	_ =	swait.ge @!p0 [sflag:s23], $0x5000  }
0x222: {  	s24 =	smul.u32 $0xA, s9;
	[sflag:s23] =	ssyncset.done @!p0 $0x0  }
0x223: {  	[sflag:s23] =	ssyncadd.s32 @!p0 $0xFFFFB000;
	s23 =	simm.s32 @!p0 $0x6  }
0x224: {  	s24 =	sadd.s32 s22, s24;
	_ =	swait.ge @!p0 [sflag:s23], $0x5000  }
0x225: {  	s24 =	sshll.u32 s24, $0x7;
	[sflag:s23] =	ssyncset.done @!p0 $0x0  }
0x226: {  	s24 =	sand.u32 $0x3FFFFF80, s24;
	[sflag:s23] =	ssyncadd.s32 @!p0 $0xFFFFB000  }
0x227: {  	v3 =	vld [tilespmem:s24+$0x0];
	_ =	sdelay $0x4  }
0x228: {  	v4 =	vshll.u32 v3, $0x2  }
0x229: {  	v3 =	vand.u32 $0x7, v3;
	v4 =	vand.u32 $0xFFFFFFE0, v4  }
0x22a: {  	v3 =	vor.u32 v3, v4  }
0x22b: {  	v4 =	vperm.xlane v3, v0;
	_ =	sdelay $0x1  }
0x22c: {  	v4 =	vadd.s32 v1, v4;
	_ =	sdelay $0x1  }
0x22d: {  	v3 =	vperm.xlane v3, v2;
	_ =	sdelay $0x1  }
0x22e: {  	s23 =	simm.s32 $0x0;
	v3 =	vadd.s32 v1, v3  }
0x22f: {  	[tilespmem:s14], [sflag:$0x2] =	stream.indirect_vreg.gather [hbm4b:s1+s23], $0x80, v4, vm0, $0xb8;
	[tilespmem:$0x1B800] =	vst v63  }
0x230: {  	s25 =	simm.s32 $0x12000  }
0x231: {  	[tilespmem:s25], [sflag:$0x2] =	stream.indirect_vreg.gather [hbm4b:s8+s23], $0x80, v4, vm0, $0xb8;
	[tilespmem:$0x1B800] =	vst v63  }
0x232: {  	s30 =	simm.s32 $0x12800  }
0x233: {  	[tilespmem:s30], [sflag:$0x2] =	stream.indirect_vreg.gather [hbm4b:s1+s23], $0x80, v3, vm0, $0xb8;
	[tilespmem:$0x1B800] =	vst v63  }
0x234: {  	s26 =	simm.s32 $0x13000  }
0x235: {  	[tilespmem:s26], [sflag:$0x2] =	stream.indirect_vreg.gather [hbm4b:s8+s23], $0x80, v3, vm0, $0xb8;
	[tilespmem:$0x1B800] =	vst v63  }
0x236: {  	v3 =	vld [tilespmem:s24+$0x10];
	_ =	sdelay $0x4  }
0x237: {  	v4 =	vshll.u32 v3, $0x2  }
0x238: {  	v3 =	vand.u32 $0x7, v3;
	v4 =	vand.u32 $0xFFFFFFE0, v4  }
0x239: {  	v3 =	vor.u32 v3, v4  }
0x23a: {  	v4 =	vperm.xlane v3, v0;
	_ =	sdelay $0x1  }
0x23b: {  	v4 =	vadd.s32 v1, v4;
	_ =	sdelay $0x1  }
0x23c: {  	v3 =	vperm.xlane v3, v2;
	_ =	sdelay $0x1  }
0x23d: {  	s28 =	simm.s32 $0x13800;
	v3 =	vadd.s32 v1, v3  }
0x23e: {  	[tilespmem:s28], [sflag:$0x2] =	stream.indirect_vreg.gather [hbm4b:s1+s23], $0x80, v4, vm0, $0xb8;
	[tilespmem:$0x1B800] =	vst v63  }
0x23f: {  	s29 =	simm.s32 $0x14000  }
0x240: {  	[tilespmem:s29], [sflag:$0x2] =	stream.indirect_vreg.gather [hbm4b:s8+s23], $0x80, v4, vm0, $0xb8;
	[tilespmem:$0x1B800] =	vst v63  }
0x241: {  	s30 =	simm.s32 $0x14800  }
0x242: {  	[tilespmem:s30], [sflag:$0x2] =	stream.indirect_vreg.gather [hbm4b:s1+s23], $0x80, v3, vm0, $0xb8;
	[tilespmem:$0x1B800] =	vst v63  }
0x243: {  	s26 =	simm.s32 $0x15000  }
0x244: {  	[tilespmem:s26], [sflag:$0x2] =	stream.indirect_vreg.gather [hbm4b:s8+s23], $0x80, v3, vm0, $0xb8;
	[tilespmem:$0x1B800] =	vst v63  }
0x245: {  	v3 =	vld [tilespmem:s24+$0x20];
	_ =	sdelay $0x4  }
0x246: {  	v4 =	vshll.u32 v3, $0x2  }
0x247: {  	v3 =	vand.u32 $0x7, v3;
	v4 =	vand.u32 $0xFFFFFFE0, v4  }
0x248: {  	v3 =	vor.u32 v3, v4  }
0x249: {  	v4 =	vperm.xlane v3, v0;
	_ =	sdelay $0x1  }
0x24a: {  	v4 =	vadd.s32 v1, v4;
	_ =	sdelay $0x1  }
0x24b: {  	v3 =	vperm.xlane v3, v2;
	_ =	sdelay $0x1  }
0x24c: {  	s28 =	simm.s32 $0x15800;
	v3 =	vadd.s32 v1, v3  }
0x24d: {  	[tilespmem:s28], [sflag:$0x2] =	stream.indirect_vreg.gather [hbm4b:s1+s23], $0x80, v4, vm0, $0xb8;
	[tilespmem:$0x1B800] =	vst v63  }
0x24e: {  	s29 =	simm.s32 $0x16000  }
0x24f: {  	[tilespmem:s29], [sflag:$0x2] =	stream.indirect_vreg.gather [hbm4b:s8+s23], $0x80, v4, vm0, $0xb8;
	[tilespmem:$0x1B800] =	vst v63  }
0x250: {  	_ = 	snop  }
0x251: {  	[tilespmem:s15], [sflag:$0x2] =	stream.indirect_vreg.gather [hbm4b:s1+s23], $0x80, v3, vm0, $0xb8;
	[tilespmem:$0x1B800] =	vst v63  }
0x252: {  	s30 =	simm.s32 $0x17000  }
0x253: {  	[tilespmem:s30], [sflag:$0x2] =	stream.indirect_vreg.gather [hbm4b:s8+s23], $0x80, v3, vm0, $0xb8;
	[tilespmem:$0x1B800] =	vst v63  }
0x254: {  	v3 =	vld [tilespmem:s24+$0x30];
	_ =	sdelay $0x4  }
0x255: {  	v4 =	vshll.u32 v3, $0x2  }
0x256: {  	v3 =	vand.u32 $0x7, v3;
	v4 =	vand.u32 $0xFFFFFFE0, v4  }
0x257: {  	v3 =	vor.u32 v3, v4  }
0x258: {  	v4 =	vperm.xlane v3, v0;
	_ =	sdelay $0x1  }
0x259: {  	v4 =	vadd.s32 v1, v4;
	_ =	sdelay $0x1  }
0x25a: {  	v3 =	vperm.xlane v3, v2;
	_ =	sdelay $0x1  }
0x25b: {  	v3 =	vadd.s32 v1, v3  }
0x25c: {  	[tilespmem:s31], [sflag:$0x2] =	stream.indirect_vreg.gather [hbm4b:s1+s23], $0x80, v4, vm0, $0xb8;
	[tilespmem:$0x1B800] =	vst v63  }
0x25d: {  	_ = 	snop  }
0x25e: {  	[tilespmem:s2], [sflag:$0x2] =	stream.indirect_vreg.gather [hbm4b:s8+s23], $0x80, v4, vm0, $0xb8;
	[tilespmem:$0x1B800] =	vst v63  }
0x25f: {  	_ = 	snop  }
0x260: {  	[tilespmem:s0], [sflag:$0x2] =	stream.indirect_vreg.gather [hbm4b:s1+s23], $0x80, v3, vm0, $0xb8;
	[tilespmem:$0x1B800] =	vst v63  }
0x261: {  	_ = 	snop  }
0x262: {  	[tilespmem:s7], [sflag:$0x2] =	stream.indirect_vreg.gather [hbm4b:s8+s23], $0x80, v3, vm0, $0xb8;
	[tilespmem:$0x1B800] =	vst v63  }
0x263: {  	v3 =	vld [tilespmem:s24+$0x40];
	_ =	sdelay $0x4  }
0x264: {  	v4 =	vshll.u32 v3, $0x2  }
0x265: {  	v3 =	vand.u32 $0x7, v3;
	v4 =	vand.u32 $0xFFFFFFE0, v4  }
0x266: {  	v3 =	vor.u32 v3, v4  }
0x267: {  	v4 =	vperm.xlane v3, v0;
	_ =	sdelay $0x1  }
0x268: {  	v4 =	vadd.s32 v1, v4;
	_ =	sdelay $0x1  }
0x269: {  	v3 =	vperm.xlane v3, v2;
	_ =	sdelay $0x1  }
0x26a: {  	v3 =	vadd.s32 v1, v3  }
0x26b: {  	[tilespmem:s10], [sflag:$0x2] =	stream.indirect_vreg.gather [hbm4b:s1+s23], $0x80, v4, vm0, $0xb8;
	[tilespmem:$0x1B800] =	vst v63  }
0x26c: {  	_ = 	snop  }
0x26d: {  	[tilespmem:s16], [sflag:$0x2] =	stream.indirect_vreg.gather [hbm4b:s8+s23], $0x80, v4, vm0, $0xb8;
	[tilespmem:$0x1B800] =	vst v63  }
0x26e: {  	_ = 	snop  }
0x26f: {  	[tilespmem:s17], [sflag:$0x2] =	stream.indirect_vreg.gather [hbm4b:s1+s23], $0x80, v3, vm0, $0xb8;
	[tilespmem:$0x1B800] =	vst v63  }
0x270: {  	_ = 	snop  }
0x271: {  	[tilespmem:s18], [sflag:$0x2] =	stream.indirect_vreg.gather [hbm4b:s8+s23], $0x80, v3, vm0, $0xb8;
	[tilespmem:$0x1B800] =	vst v63  }
0x272: {  	_ =	swait.ge [sflag:s19], $0xA000  }
0x273: {  	s26 =	sand.u32 $0x7000, s23;
	s28 =	sand.u32 $0x380, s23;
	[sflag:s19] =	ssyncset.done $0x0  }
0x274: {  	s24 =	sor.u32 s28, s26;
	[sflag:s19] =	ssyncadd.s32 $0xFFFF6000  }
0x275: {  	v3 =	vld [tilespmem:s24+$0x3000]  }
0x276: {  	v4 =	vld [tilespmem:s24+$0x2C70]  }
0x277: {  	v5 =	vld [tilespmem:s24+$0x2C60]  }
0x278: {  	v6 =	vld [tilespmem:s24+$0x2C40]  }
0x279: {  	v7 =	vld [tilespmem:s24+$0x2C50]  }
0x27a: {  	v8 =	vld [tilespmem:s24+$0x2C20]  }
0x27b: {  	v9 =	vld [tilespmem:s24+$0x2C30]  }
0x27c: {  	v10 =	vld [tilespmem:s24+$0x2C00]  }
0x27d: {  	v60 =	vld [tilespmem:s24+$0x2870]  }
0x27e: {  	v61 =	vld [tilespmem:s24+$0x2840]  }
0x27f: {  	v62 =	vld [tilespmem:s24+$0x2810]  }
0x280: {  	v11 =	vld [tilespmem:s24+$0x2850]  }
0x281: {  	v12 =	vld [tilespmem:s24+$0x2830]  }
0x282: {  	v13 =	vld [tilespmem:s24+$0x2820]  }
0x283: {  	v63 =	vld [tilespmem:s24+$0x2800]  }
0x284: {  	[tilespmem:s24+$0x7C70] =	vst.add.f32.msk $0xffff, v4  }
0x285: {  	[tilespmem:s24+$0x7C60] =	vst.add.f32.msk $0xffff, v5  }
0x286: {  	[tilespmem:s24+$0x7C40] =	vst.add.f32.msk $0xffff, v6  }
0x287: {  	v4 =	vld [tilespmem:s24+$0x2C10]  }
0x288: {  	[tilespmem:s24+$0x7C50] =	vst.add.f32.msk $0xffff, v7  }
0x289: {  	v5 =	vld [tilespmem:s24+$0x2860]  }
0x28a: {  	[tilespmem:s24+$0x7C20] =	vst.add.f32.msk $0xffff, v8  }
0x28b: {  	[tilespmem:s24+$0x7C30] =	vst.add.f32.msk $0xffff, v9  }
0x28c: {  	[tilespmem:s24+$0x7C00] =	vst.add.f32.msk $0xffff, v10  }
0x28d: {  	[tilespmem:s24+$0x7840] =	vst.add.f32.msk $0xffff, v61  }
0x28e: {  	[tilespmem:s24+$0x7870] =	vst.add.f32.msk $0xffff, v60  }
0x28f: {  	[tilespmem:s24+$0x7830] =	vst.add.f32.msk $0xffff, v12  }
0x290: {  	[tilespmem:s24+$0x7810] =	vst.add.f32.msk $0xffff, v62  }
0x291: {  	[tilespmem:s24+$0x7850] =	vst.add.f32.msk $0xffff, v11  }
0x292: {  	[tilespmem:s24+$0x7820] =	vst.add.f32.msk $0xffff, v13  }
0x293: {  	[tilespmem:s24+$0x7800] =	vst.add.f32.msk $0xffff, v63  }
0x294: {  	[tilespmem:s24+$0x7C10] =	vst.add.f32.msk $0xffff, v4  }
0x295: {  	s25 =	sor.u32 $0x8000, s24;
	[tilespmem:s24+$0x7860] =	vst.add.f32.msk $0xffff, v5  }
0x296: {  	[tilespmem:s25+$0x0] =	vst.add.f32.msk $0xffff, v3  }
0x297: {  	v3 =	vld [tilespmem:s24+$0x3010];
	_ =	sdelay $0x3  }
0x298: {  	s29 =	sor.u32 $0x8010, s24  }
0x299: {  	[tilespmem:s29+$0x0] =	vst.add.f32.msk $0xffff, v3  }
0x29a: {  	v3 =	vld [tilespmem:s24+$0x3020];
	_ =	sdelay $0x3  }
0x29b: {  	s30 =	sor.u32 $0x8020, s24  }
0x29c: {  	[tilespmem:s30+$0x0] =	vst.add.f32.msk $0xffff, v3  }
0x29d: {  	v3 =	vld [tilespmem:s24+$0x3030];
	_ =	sdelay $0x3  }
0x29e: {  	s26 =	sor.u32 $0x8030, s24  }
0x29f: {  	[tilespmem:s26+$0x0] =	vst.add.f32.msk $0xffff, v3  }
0x2a0: {  	v3 =	vld [tilespmem:s24+$0x3040];
	_ =	sdelay $0x3  }
0x2a1: {  	s28 =	sor.u32 $0x8040, s24  }
0x2a2: {  	[tilespmem:s28+$0x0] =	vst.add.f32.msk $0xffff, v3  }
0x2a3: {  	v3 =	vld [tilespmem:s24+$0x3050];
	_ =	sdelay $0x3  }
0x2a4: {  	s29 =	sor.u32 $0x8050, s24  }
0x2a5: {  	[tilespmem:s29+$0x0] =	vst.add.f32.msk $0xffff, v3  }
0x2a6: {  	v3 =	vld [tilespmem:s24+$0x3060];
	_ =	sdelay $0x3  }
0x2a7: {  	s30 =	sor.u32 $0x8060, s24  }
0x2a8: {  	[tilespmem:s30+$0x0] =	vst.add.f32.msk $0xffff, v3  }
0x2a9: {  	v3 =	vld [tilespmem:s24+$0x3070];
	_ =	sdelay $0x3  }
0x2aa: {  	s26 =	sor.u32 $0x8070, s24  }
0x2ab: {  	[tilespmem:s26+$0x0] =	vst.add.f32.msk $0xffff, v3  }
0x2ac: {  	v3 =	vld [tilespmem:s24+$0x3400];
	_ =	sdelay $0x3  }
0x2ad: {  	s28 =	sor.u32 $0x8400, s24  }
0x2ae: {  	[tilespmem:s28+$0x0] =	vst.add.f32.msk $0xffff, v3  }
0x2af: {  	v3 =	vld [tilespmem:s24+$0x3410];
	_ =	sdelay $0x3  }
0x2b0: {  	s29 =	sor.u32 $0x8410, s24  }
0x2b1: {  	[tilespmem:s29+$0x0] =	vst.add.f32.msk $0xffff, v3  }
0x2b2: {  	v3 =	vld [tilespmem:s24+$0x3420];
	_ =	sdelay $0x3  }
0x2b3: {  	s30 =	sor.u32 $0x8420, s24  }
0x2b4: {  	[tilespmem:s30+$0x0] =	vst.add.f32.msk $0xffff, v3  }
0x2b5: {  	s25 =	simm.s32 $0x200;
	v3 =	vld [tilespmem:s24+$0x3430]  }
.LBB2_15:
0x2b6: {  	p0 =	sne.s32 s25, $0x4E00  }
0x2b7: {  	s23 =	sadd.s32 $0x80, s23;
	s26 =	smov.u32 s25;
	s25 =	sadd.s32 $0x200, s25  }
0x2b8: {  	s28 =	sor.u32 $0x8430, s24;
	_ =	sdelay $0x1  }
0x2b9: {  	[tilespmem:s28+$0x0] =	vst.add.f32.msk $0xffff, v3  }
0x2ba: {  	v3 =	vld [tilespmem:s24+$0x3440];
	_ =	sdelay $0x2  }
0x2bb: {  	s28 =	sor.u32 $0x8440, s24;
	_ =	sdelay $0x1  }
0x2bc: {  	[tilespmem:s28+$0x0] =	vst.add.f32.msk $0xffff, v3  }
0x2bd: {  	v3 =	vld [tilespmem:s24+$0x3450];
	_ =	sdelay $0x2  }
0x2be: {  	s28 =	sor.u32 $0x8450, s24;
	_ =	sdelay $0x1  }
0x2bf: {  	[tilespmem:s28+$0x0] =	vst.add.f32.msk $0xffff, v3  }
0x2c0: {  	v3 =	vld [tilespmem:s24+$0x3460];
	_ =	sdelay $0x2  }
0x2c1: {  	s28 =	sor.u32 $0x8460, s24;
	_ =	sdelay $0x1  }
0x2c2: {  	[tilespmem:s28+$0x0] =	vst.add.f32.msk $0xffff, v3  }
0x2c3: {  	v3 =	vld [tilespmem:s24+$0x3470];
	_ =	sdelay $0x2  }
0x2c4: {  	s28 =	sor.u32 $0x8470, s24  }
0x2c5: {  	s24 =	sand.u32 $0x7000, s26;
	s26 =	sand.u32 $0x380, s23  }
0x2c6: {  	s24 =	sor.u32 s26, s24;
	[tilespmem:s28+$0x0] =	vst.add.f32.msk $0xffff, v3  }
0x2c7: {  	v3 =	vld [tilespmem:s24+$0x3000]  }
0x2c8: {  	v4 =	vld [tilespmem:s24+$0x2C70]  }
0x2c9: {  	v5 =	vld [tilespmem:s24+$0x2C60]  }
0x2ca: {  	v6 =	vld [tilespmem:s24+$0x2C40]  }
0x2cb: {  	v7 =	vld [tilespmem:s24+$0x2C50]  }
0x2cc: {  	v8 =	vld [tilespmem:s24+$0x2C20]  }
0x2cd: {  	v9 =	vld [tilespmem:s24+$0x2C30]  }
0x2ce: {  	v10 =	vld [tilespmem:s24+$0x2C00]  }
0x2cf: {  	[tilespmem:s24+$0x7C70] =	vst.add.f32.msk $0xffff, v4  }
0x2d0: {  	[tilespmem:s24+$0x7C60] =	vst.add.f32.msk $0xffff, v5  }
0x2d1: {  	[tilespmem:s24+$0x7C40] =	vst.add.f32.msk $0xffff, v6  }
0x2d2: {  	v4 =	vld [tilespmem:s24+$0x2C10]  }
0x2d3: {  	[tilespmem:s24+$0x7C50] =	vst.add.f32.msk $0xffff, v7  }
0x2d4: {  	v5 =	vld [tilespmem:s24+$0x2860]  }
0x2d5: {  	[tilespmem:s24+$0x7C20] =	vst.add.f32.msk $0xffff, v8  }
0x2d6: {  	v6 =	vld [tilespmem:s24+$0x2870]  }
0x2d7: {  	v7 =	vld [tilespmem:s24+$0x2840]  }
0x2d8: {  	v8 =	vld [tilespmem:s24+$0x2810]  }
0x2d9: {  	v11 =	vld [tilespmem:s24+$0x2850]  }
0x2da: {  	v12 =	vld [tilespmem:s24+$0x2830]  }
0x2db: {  	v13 =	vld [tilespmem:s24+$0x2820]  }
0x2dc: {  	[tilespmem:s24+$0x7C30] =	vst.add.f32.msk $0xffff, v9  }
0x2dd: {  	[tilespmem:s24+$0x7C00] =	vst.add.f32.msk $0xffff, v10  }
0x2de: {  	v9 =	vld [tilespmem:s24+$0x2800]  }
0x2df: {  	[tilespmem:s24+$0x7C10] =	vst.add.f32.msk $0xffff, v4  }
0x2e0: {  	[tilespmem:s24+$0x7840] =	vst.add.f32.msk $0xffff, v7  }
0x2e1: {  	[tilespmem:s24+$0x7870] =	vst.add.f32.msk $0xffff, v6  }
0x2e2: {  	[tilespmem:s24+$0x7830] =	vst.add.f32.msk $0xffff, v12  }
0x2e3: {  	[tilespmem:s24+$0x7860] =	vst.add.f32.msk $0xffff, v5  }
0x2e4: {  	[tilespmem:s24+$0x7810] =	vst.add.f32.msk $0xffff, v8  }
0x2e5: {  	[tilespmem:s24+$0x7850] =	vst.add.f32.msk $0xffff, v11  }
0x2e6: {  	s26 =	sor.u32 $0x8000, s24;
	[tilespmem:s24+$0x7820] =	vst.add.f32.msk $0xffff, v13  }
0x2e7: {  	[tilespmem:s24+$0x7800] =	vst.add.f32.msk $0xffff, v9  }
0x2e8: {  	[tilespmem:s26+$0x0] =	vst.add.f32.msk $0xffff, v3  }
0x2e9: {  	v3 =	vld [tilespmem:s24+$0x3010];
	_ =	sdelay $0x2  }
0x2ea: {  	s26 =	sor.u32 $0x8010, s24;
	_ =	sdelay $0x1  }
0x2eb: {  	[tilespmem:s26+$0x0] =	vst.add.f32.msk $0xffff, v3  }
0x2ec: {  	v3 =	vld [tilespmem:s24+$0x3020];
	_ =	sdelay $0x2  }
0x2ed: {  	s26 =	sor.u32 $0x8020, s24;
	_ =	sdelay $0x1  }
0x2ee: {  	[tilespmem:s26+$0x0] =	vst.add.f32.msk $0xffff, v3  }
0x2ef: {  	v3 =	vld [tilespmem:s24+$0x3030];
	_ =	sdelay $0x2  }
0x2f0: {  	s26 =	sor.u32 $0x8030, s24;
	_ =	sdelay $0x1  }
0x2f1: {  	[tilespmem:s26+$0x0] =	vst.add.f32.msk $0xffff, v3  }
0x2f2: {  	v3 =	vld [tilespmem:s24+$0x3040];
	_ =	sdelay $0x2  }
0x2f3: {  	s26 =	sor.u32 $0x8040, s24;
	_ =	sdelay $0x1  }
0x2f4: {  	[tilespmem:s26+$0x0] =	vst.add.f32.msk $0xffff, v3  }
0x2f5: {  	v3 =	vld [tilespmem:s24+$0x3050];
	_ =	sdelay $0x2  }
0x2f6: {  	s26 =	sor.u32 $0x8050, s24;
	_ =	sdelay $0x1  }
0x2f7: {  	[tilespmem:s26+$0x0] =	vst.add.f32.msk $0xffff, v3  }
0x2f8: {  	v3 =	vld [tilespmem:s24+$0x3060];
	_ =	sdelay $0x2  }
0x2f9: {  	s26 =	sor.u32 $0x8060, s24;
	_ =	sdelay $0x1  }
0x2fa: {  	[tilespmem:s26+$0x0] =	vst.add.f32.msk $0xffff, v3  }
0x2fb: {  	v3 =	vld [tilespmem:s24+$0x3070];
	_ =	sdelay $0x2  }
0x2fc: {  	s26 =	sor.u32 $0x8070, s24;
	_ =	sdelay $0x1  }
0x2fd: {  	[tilespmem:s26+$0x0] =	vst.add.f32.msk $0xffff, v3  }
0x2fe: {  	v3 =	vld [tilespmem:s24+$0x3400];
	_ =	sdelay $0x2  }
0x2ff: {  	s26 =	sor.u32 $0x8400, s24;
	_ =	sdelay $0x1  }
0x300: {  	[tilespmem:s26+$0x0] =	vst.add.f32.msk $0xffff, v3  }
0x301: {  	v3 =	vld [tilespmem:s24+$0x3410];
	_ =	sdelay $0x2  }
0x302: {  	s26 =	sor.u32 $0x8410, s24;
	_ =	sdelay $0x1  }
0x303: {  	[tilespmem:s26+$0x0] =	vst.add.f32.msk $0xffff, v3  }
0x304: {  	v3 =	vld [tilespmem:s24+$0x3420];
	_ =	sdelay $0x1  }
.Ltmp10:
0x305: {  	(pc) =	sbr.rel @p0 .LBB2_15-.Ltmp10, $3  }
0x306: {  	s26 =	sor.u32 $0x8420, s24;
	_ =	sdelay $0x1  }
0x307: {  	[tilespmem:s26+$0x0] =	vst.add.f32.msk $0xffff, v3  }
0x308: {  	v3 =	vld [tilespmem:s24+$0x3430]  }
0x309: {  	_ =	sdelay $0x2  }
0x30a: {  	s23 =	sor.u32 $0x8430, s24  }
0x30b: {  	[tilespmem:s23+$0x0] =	vst.add.f32.msk $0xffff, v3  }
0x30c: {  	v3 =	vld [tilespmem:s24+$0x3440];
	_ =	sdelay $0x3  }
0x30d: {  	s30 =	sor.u32 $0x8440, s24  }
0x30e: {  	[tilespmem:s30+$0x0] =	vst.add.f32.msk $0xffff, v3  }
0x30f: {  	v3 =	vld [tilespmem:s24+$0x3450];
	_ =	sdelay $0x3  }
0x310: {  	s25 =	sor.u32 $0x8450, s24  }
0x311: {  	[tilespmem:s25+$0x0] =	vst.add.f32.msk $0xffff, v3  }
0x312: {  	v3 =	vld [tilespmem:s24+$0x3460];
	_ =	sdelay $0x3  }
0x313: {  	s26 =	sor.u32 $0x8460, s24  }
0x314: {  	[tilespmem:s26+$0x0] =	vst.add.f32.msk $0xffff, v3  }
0x315: {  	v3 =	vld [tilespmem:s24+$0x3470]  }
0x316: {  	s23 =	smul.u32 $0x320, s9;
	_ =	sdelay $0x1  }
0x317: {  	s25 =	sadd.s32 s23, s11  }
0x318: {  	s30 =	sor.u32 $0x8470, s24;
	s25 =	sshll.u32 s25, $0x6  }
0x319: {  	s25 =	sadd.s32 s3, s25;
	s26 =	simm.s32 $0x0;
	[tilespmem:s30+$0x0] =	vst.add.f32.msk $0xffff, v3  }
0x31a: {  	[hbm4b:s25+s26] =	stream.linear.scatter [tilespmem:s12], [sflag:$0x3], $0x5000, $0x38;
	[tilespmem:$0x1B800] =	vst v63  }
0x31b: {  	s30 =	sand.u32 $0x7000, s26;
	s25 =	sand.u32 $0x380, s26  }
0x31c: {  	s24 =	sor.u32 s25, s30  }
0x31d: {  	v3 =	vld [tilespmem:s24+$0x3470]  }
0x31e: {  	v4 =	vld [tilespmem:s24+$0x2800]  }
0x31f: {  	v5 =	vld [tilespmem:s24+$0x2810]  }
0x320: {  	v6 =	vld [tilespmem:s24+$0x2820]  }
0x321: {  	v7 =	vld [tilespmem:s24+$0x2830]  }
0x322: {  	v8 =	vld [tilespmem:s24+$0x2840]  }
0x323: {  	v9 =	vld [tilespmem:s24+$0x2850]  }
0x324: {  	v10 =	vld [tilespmem:s24+$0x2860]  }
0x325: {  	v11 =	vld [tilespmem:s24+$0x2870]  }
0x326: {  	v12 =	vld [tilespmem:s24+$0x2C00]  }
0x327: {  	v13 =	vld [tilespmem:s24+$0x2C10]  }
0x328: {  	v14 =	vld [tilespmem:s24+$0x2C20]  }
0x329: {  	v15 =	vld [tilespmem:s24+$0x2C30]  }
0x32a: {  	v16 =	vld [tilespmem:s24+$0x2C40]  }
0x32b: {  	v17 =	vld [tilespmem:s24+$0x2C50]  }
0x32c: {  	v18 =	vld [tilespmem:s24+$0x2C60]  }
0x32d: {  	v19 =	vld [tilespmem:s24+$0x2C70]  }
0x32e: {  	v20 =	vld [tilespmem:s24+$0x3000]  }
0x32f: {  	v21 =	vld [tilespmem:s24+$0x3010]  }
0x330: {  	v22 =	vld [tilespmem:s24+$0x3020]  }
0x331: {  	v23 =	vld [tilespmem:s24+$0x3030]  }
0x332: {  	v24 =	vld [tilespmem:s24+$0x3040]  }
0x333: {  	v25 =	vld [tilespmem:s24+$0x3050]  }
0x334: {  	v26 =	vld [tilespmem:s24+$0x3060]  }
0x335: {  	v27 =	vld [tilespmem:s24+$0x3070]  }
0x336: {  	v28 =	vld [tilespmem:s24+$0x3400]  }
0x337: {  	v29 =	vld [tilespmem:s24+$0x3410]  }
0x338: {  	v30 =	vld [tilespmem:s24+$0x3420]  }
0x339: {  	v31 =	vld [tilespmem:s24+$0x3430]  }
0x33a: {  	v32 =	vld [tilespmem:s24+$0x3440]  }
0x33b: {  	v33 =	vld [tilespmem:s24+$0x3450]  }
0x33c: {  	[tilespmem:s24+$0xD470] =	vst.add.f32.msk $0xffff, v3  }
0x33d: {  	v3 =	vld [tilespmem:s24+$0x3460]  }
0x33e: {  	[tilespmem:s24+$0xC800] =	vst.add.f32.msk $0xffff, v4  }
0x33f: {  	[tilespmem:s24+$0xC810] =	vst.add.f32.msk $0xffff, v5  }
0x340: {  	[tilespmem:s24+$0xC820] =	vst.add.f32.msk $0xffff, v6  }
0x341: {  	[tilespmem:s24+$0xC830] =	vst.add.f32.msk $0xffff, v7  }
0x342: {  	[tilespmem:s24+$0xC840] =	vst.add.f32.msk $0xffff, v8  }
0x343: {  	[tilespmem:s24+$0xC850] =	vst.add.f32.msk $0xffff, v9  }
0x344: {  	[tilespmem:s24+$0xC860] =	vst.add.f32.msk $0xffff, v10  }
0x345: {  	[tilespmem:s24+$0xC870] =	vst.add.f32.msk $0xffff, v11  }
0x346: {  	[tilespmem:s24+$0xCC00] =	vst.add.f32.msk $0xffff, v12  }
0x347: {  	[tilespmem:s24+$0xCC10] =	vst.add.f32.msk $0xffff, v13  }
0x348: {  	[tilespmem:s24+$0xCC20] =	vst.add.f32.msk $0xffff, v14  }
0x349: {  	[tilespmem:s24+$0xCC30] =	vst.add.f32.msk $0xffff, v15  }
0x34a: {  	[tilespmem:s24+$0xCC40] =	vst.add.f32.msk $0xffff, v16  }
0x34b: {  	[tilespmem:s24+$0xCC50] =	vst.add.f32.msk $0xffff, v17  }
0x34c: {  	[tilespmem:s24+$0xCC60] =	vst.add.f32.msk $0xffff, v18  }
0x34d: {  	[tilespmem:s24+$0xCC70] =	vst.add.f32.msk $0xffff, v19  }
0x34e: {  	[tilespmem:s24+$0xD000] =	vst.add.f32.msk $0xffff, v20  }
0x34f: {  	[tilespmem:s24+$0xD010] =	vst.add.f32.msk $0xffff, v21  }
0x350: {  	[tilespmem:s24+$0xD020] =	vst.add.f32.msk $0xffff, v22  }
0x351: {  	[tilespmem:s24+$0xD030] =	vst.add.f32.msk $0xffff, v23  }
0x352: {  	[tilespmem:s24+$0xD040] =	vst.add.f32.msk $0xffff, v24  }
0x353: {  	[tilespmem:s24+$0xD050] =	vst.add.f32.msk $0xffff, v25  }
0x354: {  	[tilespmem:s24+$0xD060] =	vst.add.f32.msk $0xffff, v26  }
0x355: {  	[tilespmem:s24+$0xD070] =	vst.add.f32.msk $0xffff, v27  }
0x356: {  	[tilespmem:s24+$0xD400] =	vst.add.f32.msk $0xffff, v28  }
0x357: {  	[tilespmem:s24+$0xD410] =	vst.add.f32.msk $0xffff, v29  }
0x358: {  	[tilespmem:s24+$0xD420] =	vst.add.f32.msk $0xffff, v30  }
0x359: {  	[tilespmem:s24+$0xD430] =	vst.add.f32.msk $0xffff, v31  }
0x35a: {  	s26 =	simm.s32 $0x200;
	s25 =	simm.s32 $0x80;
	[tilespmem:s24+$0xD440] =	vst.add.f32.msk $0xffff, v32  }
0x35b: {  	s28 =	sand.u32 $0x7000, s26;
	s26 =	simm.s32 $0x400;
	s29 =	sand.u32 $0x380, s25;
	[tilespmem:s24+$0xD450] =	vst.add.f32.msk $0xffff, v33  }
.LBB2_17:
0x35c: {  	p0 =	sne.s32 s26, $0x4E00;
	[tilespmem:s24+$0xD460] =	vst.add.f32.msk $0xffff, v3;
	s24 =	sor.u32 s29, s28  }
0x35d: {  	v3 =	vld [tilespmem:s24+$0x3470]  }
0x35e: {  	v4 =	vld [tilespmem:s24+$0x2800]  }
0x35f: {  	v5 =	vld [tilespmem:s24+$0x2810]  }
0x360: {  	v6 =	vld [tilespmem:s24+$0x2820]  }
0x361: {  	v7 =	vld [tilespmem:s24+$0x2830]  }
0x362: {  	[tilespmem:s24+$0xD470] =	vst.add.f32.msk $0xffff, v3  }
0x363: {  	v8 =	vld [tilespmem:s24+$0x2840]  }
0x364: {  	v9 =	vld [tilespmem:s24+$0x2850]  }
0x365: {  	v10 =	vld [tilespmem:s24+$0x2860]  }
0x366: {  	v11 =	vld [tilespmem:s24+$0x2870]  }
0x367: {  	v12 =	vld [tilespmem:s24+$0x2C00]  }
0x368: {  	v13 =	vld [tilespmem:s24+$0x2C10]  }
0x369: {  	v14 =	vld [tilespmem:s24+$0x2C20]  }
0x36a: {  	v15 =	vld [tilespmem:s24+$0x2C30]  }
0x36b: {  	v16 =	vld [tilespmem:s24+$0x2C40]  }
0x36c: {  	v17 =	vld [tilespmem:s24+$0x2C50]  }
0x36d: {  	v18 =	vld [tilespmem:s24+$0x2C60]  }
0x36e: {  	v19 =	vld [tilespmem:s24+$0x2C70]  }
0x36f: {  	v20 =	vld [tilespmem:s24+$0x3000]  }
0x370: {  	v21 =	vld [tilespmem:s24+$0x3010]  }
0x371: {  	v22 =	vld [tilespmem:s24+$0x3020]  }
0x372: {  	v23 =	vld [tilespmem:s24+$0x3030]  }
0x373: {  	v24 =	vld [tilespmem:s24+$0x3040]  }
0x374: {  	v25 =	vld [tilespmem:s24+$0x3050]  }
0x375: {  	v26 =	vld [tilespmem:s24+$0x3060]  }
0x376: {  	v27 =	vld [tilespmem:s24+$0x3070]  }
0x377: {  	v28 =	vld [tilespmem:s24+$0x3400]  }
0x378: {  	v29 =	vld [tilespmem:s24+$0x3410]  }
0x379: {  	v30 =	vld [tilespmem:s24+$0x3420]  }
0x37a: {  	v31 =	vld [tilespmem:s24+$0x3430]  }
0x37b: {  	v32 =	vld [tilespmem:s24+$0x3440]  }
0x37c: {  	v33 =	vld [tilespmem:s24+$0x3450]  }
0x37d: {  	v3 =	vld [tilespmem:s24+$0x3460]  }
0x37e: {  	[tilespmem:s24+$0xC800] =	vst.add.f32.msk $0xffff, v4  }
0x37f: {  	[tilespmem:s24+$0xC810] =	vst.add.f32.msk $0xffff, v5  }
0x380: {  	[tilespmem:s24+$0xC820] =	vst.add.f32.msk $0xffff, v6  }
0x381: {  	[tilespmem:s24+$0xC830] =	vst.add.f32.msk $0xffff, v7  }
0x382: {  	[tilespmem:s24+$0xC840] =	vst.add.f32.msk $0xffff, v8  }
0x383: {  	[tilespmem:s24+$0xC850] =	vst.add.f32.msk $0xffff, v9  }
0x384: {  	[tilespmem:s24+$0xC860] =	vst.add.f32.msk $0xffff, v10  }
0x385: {  	[tilespmem:s24+$0xC870] =	vst.add.f32.msk $0xffff, v11  }
0x386: {  	[tilespmem:s24+$0xCC00] =	vst.add.f32.msk $0xffff, v12  }
0x387: {  	[tilespmem:s24+$0xCC10] =	vst.add.f32.msk $0xffff, v13  }
0x388: {  	[tilespmem:s24+$0xCC20] =	vst.add.f32.msk $0xffff, v14  }
0x389: {  	[tilespmem:s24+$0xCC30] =	vst.add.f32.msk $0xffff, v15  }
0x38a: {  	[tilespmem:s24+$0xCC40] =	vst.add.f32.msk $0xffff, v16  }
0x38b: {  	[tilespmem:s24+$0xCC50] =	vst.add.f32.msk $0xffff, v17  }
0x38c: {  	[tilespmem:s24+$0xCC60] =	vst.add.f32.msk $0xffff, v18  }
0x38d: {  	[tilespmem:s24+$0xCC70] =	vst.add.f32.msk $0xffff, v19  }
0x38e: {  	[tilespmem:s24+$0xD000] =	vst.add.f32.msk $0xffff, v20  }
0x38f: {  	[tilespmem:s24+$0xD010] =	vst.add.f32.msk $0xffff, v21  }
0x390: {  	[tilespmem:s24+$0xD020] =	vst.add.f32.msk $0xffff, v22  }
0x391: {  	[tilespmem:s24+$0xD030] =	vst.add.f32.msk $0xffff, v23  }
0x392: {  	[tilespmem:s24+$0xD040] =	vst.add.f32.msk $0xffff, v24  }
0x393: {  	[tilespmem:s24+$0xD050] =	vst.add.f32.msk $0xffff, v25  }
0x394: {  	[tilespmem:s24+$0xD060] =	vst.add.f32.msk $0xffff, v26  }
0x395: {  	[tilespmem:s24+$0xD070] =	vst.add.f32.msk $0xffff, v27  }
0x396: {  	[tilespmem:s24+$0xD400] =	vst.add.f32.msk $0xffff, v28  }
.Ltmp11:
0x397: {  	[tilespmem:s24+$0xD410] =	vst.add.f32.msk $0xffff, v29;
	(pc) =	sbr.rel @p0 .LBB2_17-.Ltmp11, $4  }
0x398: {  	[tilespmem:s24+$0xD420] =	vst.add.f32.msk $0xffff, v30  }
0x399: {  	[tilespmem:s24+$0xD430] =	vst.add.f32.msk $0xffff, v31  }
0x39a: {  	s25 =	sadd.s32 $0x80, s25;
	[tilespmem:s24+$0xD440] =	vst.add.f32.msk $0xffff, v32  }
0x39b: {  	s28 =	sand.u32 $0x7000, s26;
	s26 =	sadd.s32 $0x200, s26;
	s29 =	sand.u32 $0x380, s25;
	[tilespmem:s24+$0xD450] =	vst.add.f32.msk $0xffff, v33  }
0x39c: {  	s25 =	sor.u32 s29, s28;
	[tilespmem:s24+$0xD460] =	vst.add.f32.msk $0xffff, v3  }
0x39d: {  	v3 =	vld [tilespmem:s25+$0x3470]  }
0x39e: {  	v4 =	vld [tilespmem:s25+$0x2800]  }
0x39f: {  	v5 =	vld [tilespmem:s25+$0x2810]  }
0x3a0: {  	v6 =	vld [tilespmem:s25+$0x2820]  }
0x3a1: {  	v7 =	vld [tilespmem:s25+$0x2830]  }
0x3a2: {  	v8 =	vld [tilespmem:s25+$0x2850]  }
0x3a3: {  	v9 =	vld [tilespmem:s25+$0x2860]  }
0x3a4: {  	v10 =	vld [tilespmem:s25+$0x2870]  }
0x3a5: {  	v11 =	vld [tilespmem:s25+$0x2C00]  }
0x3a6: {  	v12 =	vld [tilespmem:s25+$0x2C10]  }
0x3a7: {  	v13 =	vld [tilespmem:s25+$0x2C20]  }
0x3a8: {  	v14 =	vld [tilespmem:s25+$0x2C30]  }
0x3a9: {  	v15 =	vld [tilespmem:s25+$0x2C40]  }
0x3aa: {  	v16 =	vld [tilespmem:s25+$0x2C50]  }
0x3ab: {  	v17 =	vld [tilespmem:s25+$0x2C60]  }
0x3ac: {  	v18 =	vld [tilespmem:s25+$0x2C70]  }
0x3ad: {  	v19 =	vld [tilespmem:s25+$0x3000]  }
0x3ae: {  	v20 =	vld [tilespmem:s25+$0x3010]  }
0x3af: {  	v21 =	vld [tilespmem:s25+$0x3020]  }
0x3b0: {  	v22 =	vld [tilespmem:s25+$0x3030]  }
0x3b1: {  	v23 =	vld [tilespmem:s25+$0x3040]  }
0x3b2: {  	v24 =	vld [tilespmem:s25+$0x3050]  }
0x3b3: {  	v25 =	vld [tilespmem:s25+$0x3060]  }
0x3b4: {  	v26 =	vld [tilespmem:s25+$0x3070]  }
0x3b5: {  	v27 =	vld [tilespmem:s25+$0x3400]  }
0x3b6: {  	v28 =	vld [tilespmem:s25+$0x3410]  }
0x3b7: {  	v29 =	vld [tilespmem:s25+$0x3420]  }
0x3b8: {  	v30 =	vld [tilespmem:s25+$0x3430]  }
0x3b9: {  	v31 =	vld [tilespmem:s25+$0x3440]  }
0x3ba: {  	v32 =	vld [tilespmem:s25+$0x3450]  }
0x3bb: {  	v33 =	vld [tilespmem:s25+$0x3460]  }
0x3bc: {  	[tilespmem:s25+$0xD470] =	vst.add.f32.msk $0xffff, v3  }
0x3bd: {  	v3 =	vld [tilespmem:s25+$0x2840]  }
0x3be: {  	[tilespmem:s25+$0xC800] =	vst.add.f32.msk $0xffff, v4  }
0x3bf: {  	[tilespmem:s25+$0xC810] =	vst.add.f32.msk $0xffff, v5  }
0x3c0: {  	[tilespmem:s25+$0xC820] =	vst.add.f32.msk $0xffff, v6  }
0x3c1: {  	[tilespmem:s25+$0xC830] =	vst.add.f32.msk $0xffff, v7  }
0x3c2: {  	[tilespmem:s25+$0xC850] =	vst.add.f32.msk $0xffff, v8  }
0x3c3: {  	[tilespmem:s25+$0xC860] =	vst.add.f32.msk $0xffff, v9  }
0x3c4: {  	[tilespmem:s25+$0xC870] =	vst.add.f32.msk $0xffff, v10  }
0x3c5: {  	[tilespmem:s25+$0xCC00] =	vst.add.f32.msk $0xffff, v11  }
0x3c6: {  	[tilespmem:s25+$0xCC10] =	vst.add.f32.msk $0xffff, v12  }
0x3c7: {  	[tilespmem:s25+$0xCC20] =	vst.add.f32.msk $0xffff, v13  }
0x3c8: {  	[tilespmem:s25+$0xCC30] =	vst.add.f32.msk $0xffff, v14  }
0x3c9: {  	[tilespmem:s25+$0xCC40] =	vst.add.f32.msk $0xffff, v15  }
0x3ca: {  	[tilespmem:s25+$0xCC50] =	vst.add.f32.msk $0xffff, v16  }
0x3cb: {  	[tilespmem:s25+$0xCC60] =	vst.add.f32.msk $0xffff, v17  }
0x3cc: {  	[tilespmem:s25+$0xCC70] =	vst.add.f32.msk $0xffff, v18  }
0x3cd: {  	[tilespmem:s25+$0xD000] =	vst.add.f32.msk $0xffff, v19  }
0x3ce: {  	[tilespmem:s25+$0xD010] =	vst.add.f32.msk $0xffff, v20  }
0x3cf: {  	[tilespmem:s25+$0xD020] =	vst.add.f32.msk $0xffff, v21  }
0x3d0: {  	[tilespmem:s25+$0xD030] =	vst.add.f32.msk $0xffff, v22  }
0x3d1: {  	[tilespmem:s25+$0xD040] =	vst.add.f32.msk $0xffff, v23  }
0x3d2: {  	[tilespmem:s25+$0xD050] =	vst.add.f32.msk $0xffff, v24  }
0x3d3: {  	[tilespmem:s25+$0xD060] =	vst.add.f32.msk $0xffff, v25  }
0x3d4: {  	[tilespmem:s25+$0xD070] =	vst.add.f32.msk $0xffff, v26  }
0x3d5: {  	[tilespmem:s25+$0xD400] =	vst.add.f32.msk $0xffff, v27  }
0x3d6: {  	[tilespmem:s25+$0xD410] =	vst.add.f32.msk $0xffff, v28  }
0x3d7: {  	[tilespmem:s25+$0xD420] =	vst.add.f32.msk $0xffff, v29  }
0x3d8: {  	[tilespmem:s25+$0xD430] =	vst.add.f32.msk $0xffff, v30  }
.Ltmp12:
0x3d9: {  	[tilespmem:s25+$0xD440] =	vst.add.f32.msk $0xffff, v31;
	(pc) =	sbr.rel .LBB2_3-.Ltmp12, $4  }
0x3da: {  	s23 =	sadd.s32 s23, s21;
	[tilespmem:s25+$0xD450] =	vst.add.f32.msk $0xffff, v32  }
0x3db: {  	s23 =	sshll.u32 s23, $0x6;
	[tilespmem:s25+$0xD460] =	vst.add.f32.msk $0xffff, v33  }
0x3dc: {  	s9 =	sadd.s32 $0x1, s9;
	s23 =	sadd.s32 s3, s23;
	[tilespmem:s25+$0xC840] =	vst.add.f32.msk $0xffff, v3  }
0x3dd: {  	[hbm4b:s23+s4] =	stream.linear.scatter [tilespmem:s5], [sflag:$0x4], $0x5000, $0x38;
	[tilespmem:$0x1B800] =	vst v63  }
.LBB2_21:
0x3de: {  	_ =	sfence.sel $0x180000  }
0x3df: {  	[bflag:$0x0] =	sbarrier.arrive $0xFFFF  }
0x3e0: {  	_ =	strace $0x90000047  }
0x3e1: {  	s0 =	stileid.u32;
	[bflag:$0x2] =	sbarrier.arrive $0xFFFF  }
0x3e2: {  	p0 =	sne.s32 s0, $0x0;
	s0 =	rddreg [dreg:$0x3]  }
0x3e3: {  	s0 =	sadd.s32 @!p0 $0x100000, s0  }
0x3e4: {  	[sflag:s0] =	ssyncadd.tile.s32 @!p0 $0x1;
	_ =	shalt  }
.Lfunc_end2:
_tile_overlayer_lowered:
.L_overlay_start_2:
0x3e5: {  	(tag) =	ssettag $0x2  }
0x3e6: {  	s0 =	rddreg [dreg:$0x0];
	s2 =	stileid.u32  }
0x3e7: {  	s1 =	rddreg [dreg:$0x1];
	p0 =	sne.s32 s2, $0x0  }
0x3e8: {  	s3 =	rddreg [dreg:$0x2];
	[bflag:$0x3] =	sbarrier.arrive $0xFFFF;
	s2 =	simm.s32 @!p0 $0x1C07  }
0x3e9: {  	[timem:s3], [sflag:s2] =	dma.local @!p0 [hbm:s0], s1  }
0x3ea: {  	s0 =	simm.s32 @!p0 $0x7  }
0x3eb: {  	_ =	swait.ge @!p0 [sflag:s0], s1  }
0x3ec: {  	s1 =	ssub.s32 @!p0 $0x0, s1;
	[sflag:s0] =	ssyncset.done @!p0 $0x0  }
0x3ed: {  	[sflag:s0] =	ssyncadd.s32 @!p0 s1  }
0x3ee: {  	[bflag:$0x3] =	sbarrier.arrive $0xFFFF  }
0x3ef: {  	_ =	shalt  }

</sc_bundles>
